<compile_context>
chip_gen: v7x
topology: tpu7x:2x2x1
jax: 0.10.2.dev20260603
libtpu: 0.0.44.dev20260713+nightly
codegen_flags: <defaults>
</compile_context>

<pallas_src>
import functools
import math

import jax
import jax.numpy as jnp
from jax import lax
from jax.experimental import pallas as pl
from jax.experimental.pallas import tpu as pltpu
from jax.experimental.pallas import tpu_sc as plsc

B, N = 32, 32
NUM_BASIS = 20
R_MAX = 10.0
D_EMB = 32
D_SCAL = 64
_C = 1.0 / math.sqrt(D_EMB)
NC, NS, L = 2, 16, 16
BPS = 8
P = BPS * N * N


def _tc_body(pos_ref, fc1wT_ref, fc1b_ref, gamma_ref, ae_exp_ref, fc2w1_ref,
             fc2b1_ref, wself_ref, wread_ref, atom_ref,
             hid_ref, vt_ref):
    @pl.when(pl.program_id(0) == 0)
    def _():
        v = jnp.dot(ae_exp_ref[...], fc2w1_ref[...])
        s0 = jnp.dot(ae_exp_ref[...], fc2b1_ref[...])
        q = jnp.dot(wself_ref[...], wread_ref[...])
        aeq = jnp.dot(atom_ref[...], q) * _C
        w3 = (_C * (N - 1)) * s0 + aeq
        vt_ref[...] = jnp.concatenate([v, w3], axis=1)

    pos = pos_ref[...]
    pi = jnp.broadcast_to(pos[:, :, None, :], (BPS, N, N, 3)).reshape(P, 3)
    pj = jnp.broadcast_to(pos[:, None, :, :], (BPS, N, N, 3)).reshape(P, 3)
    diff = pi - pj
    d2 = jnp.sum(diff * diff, axis=1, keepdims=True)
    d = jnp.sqrt(jnp.maximum(d2, 0.0))
    centers = jax.lax.broadcasted_iota(jnp.int32, (1, NUM_BASIS), 1).astype(
        jnp.float32) * (R_MAX / (NUM_BASIS - 1))
    g = gamma_ref[...]
    t = d - centers
    rbf = jnp.exp(-g * t * t)
    hid = jnp.maximum(jnp.dot(rbf, fc1wT_ref[...]) + fc1b_ref[...], 0.0)
    hid_ref[...] = jnp.transpose(hid.reshape(BPS, N * N, D_EMB), (0, 2, 1))


def _zchunk(nav, c):
    a0 = nav[0, pl.ds(L * c, L)]
    a1 = nav[1, pl.ds(L * c, L)]
    a2 = nav[2, pl.ds(L * c, L)]
    one = jnp.full((L,), 1, jnp.int32)
    z = jnp.where(a1 > a0, one, jnp.zeros((L,), jnp.int32))
    z = jnp.where(a2 > jnp.maximum(a0, a1), one + one, z)
    return z


def _zchunk2(nav, c):
    jr = lax.iota(jnp.int32, L) + (L * c)
    a0 = plsc.load_gather(nav, [jr, jnp.zeros((L,), jnp.int32)])
    a1 = plsc.load_gather(nav, [jr, jnp.zeros((L,), jnp.int32) + 1])
    a2 = plsc.load_gather(nav, [jr, jnp.zeros((L,), jnp.int32) + 2])
    one = jnp.full((L,), 1, jnp.int32)
    z = jnp.where(a1 > a0, one, jnp.zeros((L,), jnp.int32))
    z = jnp.where(a2 > jnp.maximum(a0, a1), one + one, z)
    return z


def _sc_body(hid3, na, vt, out, hidv, nav, vtv, outv):
    wid = lax.axis_index("s") * NC + lax.axis_index("c")
    b_local = wid // 2
    c = wid % 2
    pltpu.sync_copy(hid3.at[b_local], hidv)
    pltpu.sync_copy(na.at[b_local], nav)
    pltpu.sync_copy(vt, vtv)

    z = _zchunk2(nav, c)
    total = plsc.load_gather(vtv, [z, jnp.full((L,), D_EMB, jnp.int32)])
    j_ids = lax.iota(jnp.int32, L) + (L * c)
    vzs = [plsc.load_gather(vtv, [z, jnp.full((L,), u, jnp.int32)])
           for u in range(D_EMB)]

    def body(i, pacc):
        acc_i = pacc
        for half in range(2):
            i2 = i + half * (N // 2)
            accs = [jnp.zeros((L,), jnp.float32) for _ in range(4)]
            for u in range(D_EMB):
                hu = hidv[u, pl.ds(i2 * N + L * c, L)]
                accs[u % 4] = accs[u % 4] + hu * vzs[u]
            acc = (accs[0] + accs[1]) + (accs[2] + accs[3])
            acc_i = acc_i + jnp.where(j_ids != i2, acc, 0.0)
        return acc_i

    pair = lax.fori_loop(0, N // 2, body, jnp.zeros((L,), jnp.float32))
    total = total + _C * pair

    tot = jnp.sum(0.125 * total)
    outv[...] = jnp.broadcast_to(tot, (L,))
    pltpu.sync_copy(outv, out.at[b_local, c])


HB = B // 2


def _half_chain(pos_h, na_h, fc1wT, fc1b, gamma2, ae_exp, fc2w1, fc2b1,
                w_self, w_readout, atom_emb):
    grid = (HB // BPS,)
    full = lambda shape: pl.BlockSpec(shape, lambda b: (0,) * len(shape))
    hid, vt = pl.pallas_call(
        _tc_body,
        grid=grid,
        in_specs=[
            pl.BlockSpec((BPS, N, 3), lambda b: (b, 0, 0)),
            full((NUM_BASIS, 32)),
            full((1, 32)),
            full((1, 1)),
            full((3, D_EMB * D_SCAL)),
            full((D_EMB * D_SCAL, 32)),
            full((D_EMB * D_SCAL, 1)),
            full((D_EMB, D_SCAL)),
            full((D_SCAL, 1)),
            full((3, D_EMB)),
        ],
        out_specs=[
            pl.BlockSpec((BPS, D_EMB, N * N), lambda b: (b, 0, 0)),
            full((3, D_EMB + 1)),
        ],
        out_shape=[
            jax.ShapeDtypeStruct((HB, D_EMB, N * N), jnp.float32),
            jax.ShapeDtypeStruct((3, D_EMB + 1), jnp.float32),
        ],
    )(pos_h, fc1wT, fc1b, gamma2, ae_exp, fc2w1, fc2b1, w_self, w_readout,
      atom_emb)

    mesh = plsc.VectorSubcoreMesh(core_axis_name="c", subcore_axis_name="s")
    sc = functools.partial(
        pl.kernel,
        mesh=mesh,
        compiler_params=pltpu.CompilerParams(needs_layout_passes=False),
        out_type=jax.ShapeDtypeStruct((HB, 2, L), jnp.float32),
        scratch_types=[
            pltpu.VMEM((D_EMB, N * N), jnp.float32),
            pltpu.VMEM((N, 3), jnp.float32),
            pltpu.VMEM((3, D_EMB + 1), jnp.float32),
            pltpu.VMEM((L,), jnp.float32),
        ],
    )(_sc_body)
    out = sc(hid, na_h, vt)
    return out[:, 0, 0:1] + out[:, 1, 0:1]


def kernel(pos, node_attrs, atom_emb, gamma, fc1_w, fc1_b, fc2_w, fc2_b,
           w_self, w_readout):
    ae_exp = (atom_emb[:, :, None] * w_readout[None, None, :, 0]).reshape(
        3, D_EMB * D_SCAL)
    fc2w1 = fc2_w[:D_EMB * D_SCAL, :]
    fc2b1 = fc2_b[:D_EMB * D_SCAL].reshape(D_EMB * D_SCAL, 1)
    fc1wT = fc1_w.T
    fc1b = fc1_b.reshape(1, 32)
    gamma2 = jnp.asarray(gamma, jnp.float32).reshape(1, 1)

    args = (fc1wT, fc1b, gamma2, ae_exp, fc2w1, fc2b1, w_self, w_readout,
            atom_emb)
    t1 = _half_chain(pos[:HB], node_attrs[:HB], *args)
    t2 = _half_chain(pos[HB:], node_attrs[HB:], *args)
    return jnp.concatenate([t1, t2], axis=0)

# --- scband reference (transcript-rebuilt; emitter-appended) ---
"""Pipeline reference for scband-e3-nnmodel-1563368095919 (READ-ONLY COPY).

The authoritative reference and input builder live on the scoring server;
editing this copy changes nothing except your own understanding.
"""

import jax, jax.numpy as jnp
import numpy as np
import math

B, N = 32, 32
NUM_BASIS = 20
R_MAX = 10.0
D_EMB = 32
D_SCAL = 64
D_VEC = 32
WEIGHT_NUMEL = D_EMB * D_SCAL + D_EMB * D_VEC  # 3072, matches e3nn tp.weight_numel


def setup_inputs(seed: int = 0):
    key = jax.random.key(seed)
    ks = jax.random.split(key, 8)
    inp = {}
    inp['pos'] = jax.random.normal(ks[0], (B, N, 3), dtype=jnp.float32) * 3.0
    inp['node_attrs'] = jax.random.uniform(ks[1], (B, N, 3), dtype=jnp.float32)
    inp['atom_emb'] = jax.random.normal(ks[2], (3, D_EMB), dtype=jnp.float32)
    inp['gamma'] = jnp.asarray(10.0, dtype=jnp.float32)
    inp['fc1_w'] = jax.random.normal(ks[3], (32, NUM_BASIS), dtype=jnp.float32) / math.sqrt(NUM_BASIS)
    inp['fc1_b'] = jnp.zeros((32,), dtype=jnp.float32)
    inp['fc2_w'] = jax.random.normal(ks[4], (WEIGHT_NUMEL, 32), dtype=jnp.float32) / math.sqrt(32.0)
    inp['fc2_b'] = jnp.zeros((WEIGHT_NUMEL,), dtype=jnp.float32)
    inp['w_self'] = jax.random.normal(ks[5], (D_EMB, D_SCAL), dtype=jnp.float32)
    inp['w_readout'] = jax.random.normal(ks[6], (D_SCAL, 1), dtype=jnp.float32)
    return inp


def _forward(pos, node_attrs, atom_emb, gamma, fc1_w, fc1_b, fc2_w, fc2_b, w_self, w_readout):
    Bb, Nn, _ = pos.shape
    z_idx = jnp.argmax(node_attrs, axis=-1)
    h = jnp.take(atom_emb, z_idx, axis=0)
    pos_flat = pos.reshape(Bb * Nn, 3)
    h_flat = h.reshape(Bb * Nn, D_EMB)
    row_local = np.repeat(np.arange(Nn), Nn)
    col_local = np.tile(np.arange(Nn), Nn)
    offsets = np.arange(Bb) * Nn
    row = (row_local[None, :] + offsets[:, None]).reshape(-1)
    col = (col_local[None, :] + offsets[:, None]).reshape(-1)
    mask = row != col
    row = jnp.asarray(row[mask])
    col = jnp.asarray(col[mask])
    edge_vec = pos_flat[row] - pos_flat[col]
    edge_len = jnp.sqrt(jnp.sum(edge_vec ** 2, axis=-1))
    # spherical harmonics lmax=2, normalize=True, normalization='component'
    u = edge_vec / edge_len[:, None]
    ux, uy, uz = u[:, 0], u[:, 1], u[:, 2]
    sh0 = jnp.ones_like(edge_len)
    sh1 = math.sqrt(3.0) * jnp.stack([ux, uy, uz], axis=-1)
    sh2 = math.sqrt(5.0) * jnp.stack([
        math.sqrt(3.0) * ux * uz,
        math.sqrt(3.0) * ux * uy,
        uy ** 2 - 0.5 * (ux ** 2 + uz ** 2),
        math.sqrt(3.0) * uy * uz,
        (math.sqrt(3.0) / 2.0) * (uz ** 2 - ux ** 2),
    ], axis=-1)
    _ = sh2  # l=2 SH has no allowed path into 64x0e+32x1o; computed for faithfulness, unused (same as torch)
    # GaussianRBF
    centers = jnp.linspace(0.0, R_MAX, NUM_BASIS)
    rbf = jnp.exp(-gamma * (edge_len[:, None] - centers[None, :]) ** 2)
    # fc_radial MLP -> per-edge tensor-product weights
    hid = jnp.maximum(rbf @ fc1_w.T + fc1_b, 0.0)
    tp_w = hid @ fc2_w.T + fc2_b  # [E, 3072]
    w1 = tp_w[:, :D_EMB * D_SCAL].reshape(-1, D_EMB, D_SCAL)  # path 0e x 0e -> 64x0e
    w2 = tp_w[:, D_EMB * D_SCAL:].reshape(-1, D_EMB, D_VEC)   # path 0e x 1o -> 32x1o
    node_in = h_flat[col]  # gather over edges
    c = 1.0 / math.sqrt(D_EMB)  # e3nn uvw path norm: sqrt(ir_out.dim / fan_in) * w3j, collapses to 1/sqrt(32) for both paths
    msg0 = c * jnp.einsum('eu,euw->ew', node_in * sh0[:, None], w1)
    msg1 = c * jnp.einsum('eu,euw,em->ewm', node_in, w2, sh1)
    messages = jnp.concatenate([msg0, msg1.reshape(-1, D_VEC * 3)], axis=-1)  # [E,160]
    h_new = jnp.zeros((Bb * Nn, D_SCAL + 3 * D_VEC), dtype=messages.dtype).at[row].add(messages)
    # self_linear o3.Linear(32x0e -> 64x0e+32x1o): only 0e->0e path, 1o output is zero
    self_scal = (h_flat @ w_self) / math.sqrt(D_EMB)
    h_new = h_new + jnp.concatenate([self_scal, jnp.zeros((Bb * Nn, 3 * D_VEC), dtype=self_scal.dtype)], axis=-1)
    # NormActivation(irreps_hidden, relu): out = relu(||x||)/||x|| * x per irrep
    scal = h_new[:, :D_SCAL]
    vec = h_new[:, D_SCAL:].reshape(-1, D_VEC, 3)
    norm_s = jnp.sqrt(scal ** 2)
    scal_act = (jax.nn.relu(norm_s) / norm_s) * scal
    norm_v = jnp.sqrt(jnp.sum(vec ** 2, axis=-1))
    vec_act = (jax.nn.relu(norm_v) / norm_v)[:, :, None] * vec
    _ = vec_act  # readout o3.Linear(64x0e+32x1o -> 1x0e) only connects 0e->0e; vec part unused, same as torch
    atomic_energy = (scal_act @ w_readout) / math.sqrt(D_SCAL)
    batch_idx = jnp.repeat(jnp.arange(Bb), Nn)
    total = jnp.zeros((Bb, 1), dtype=atomic_energy.dtype).at[batch_idx].add(atomic_energy)
    return total


def reference(pos, node_attrs, atom_emb, gamma, fc1_w, fc1_b, fc2_w, fc2_b, w_self, w_readout):
    return _forward(pos, node_attrs, atom_emb, gamma, fc1_w, fc1_b, fc2_w, fc2_b, w_self, w_readout)

if __name__ == "__main__":
    import jax
    _d = setup_inputs()
    print(jax.jit(kernel)(*tuple(_d.values())))

</pallas_src>

<mosaic_0001>
#map = affine_map<(d0, d1) -> (0, 0, 0)>
#map1 = affine_map<(d0, d1) -> (0, 0)>
module attributes {stable_mosaic.version = 14 : i64} {
  func.func @_sc_body(%arg0: i32, %arg1: i32, %arg2: memref<16x32x1024xf32, #tpu.memory_space<hbm>>, %arg3: memref<16x32x3xf32, #tpu.memory_space<hbm>>, %arg4: memref<3x33xf32, #tpu.memory_space<hbm>>, %arg5: memref<16x2x16xf32, #tpu.memory_space<hbm>>, %arg6: memref<32x1024xf32, #tpu.memory_space<vmem>>, %arg7: memref<32x3xf32, #tpu.memory_space<vmem>>, %arg8: memref<3x33xf32, #tpu.memory_space<vmem>>, %arg9: memref<16xf32, #tpu.memory_space<vmem>>) attributes {dimension_semantics = [#tpu.dimension_semantics<core_parallel>, #tpu.dimension_semantics<subcore_parallel>], iteration_bounds = array<i64: 2, 16>, scalar_prefetch = 0 : i64, scratch_operands = 4 : i64, tpu.core_type = #tpu.core_type<sc_vector_subcore>, window_params = [{transform_indices = #map}, {transform_indices = #map}, {transform_indices = #map1}, {transform_indices = #map}]} {
    %mul3A = arith.constant 2 : i32
    %mul3A_0 = arith.muli %arg1, %mul3A : i32
    %add3A = arith.addi %mul3A_0, %arg0 : i32
    %jit3A = arith.constant 2 : i32
    %div3A = arith.divsi %add3A, %jit3A : i32
    %sign3A = arith.constant 0 : i32
    %sign3A_1 = arith.cmpi sgt, %add3A, %sign3A : i32
    %sign3A_2 = arith.extui %sign3A_1 : i1 to i32
    %sign3A_3 = arith.constant 0 : i32
    %sign3A_4 = arith.cmpi slt, %add3A, %sign3A_3 : i32
    %sign3A_5 = arith.extui %sign3A_4 : i1 to i32
    %sign3A_6 = arith.subi %sign3A_2, %sign3A_5 : i32
    %sign3A_7 = arith.constant 0 : i32
    %sign3A_8 = arith.cmpi sgt, %jit3A, %sign3A_7 : i32
    %sign3A_9 = arith.extui %sign3A_8 : i1 to i32
    %sign3A_10 = arith.constant 0 : i32
    %sign3A_11 = arith.cmpi slt, %jit3A, %sign3A_10 : i32
    %sign3A_12 = arith.extui %sign3A_11 : i1 to i32
    %sign3A_13 = arith.subi %sign3A_9, %sign3A_12 : i32
    %ne3A = arith.cmpi ne, %sign3A_6, %sign3A_13 : i32
    %rem3A = arith.remsi %add3A, %jit3A : i32
    %ne3A_14 = arith.constant 0 : i32
    %ne3A_15 = arith.cmpi ne, %rem3A, %ne3A_14 : i32
    %and3A = arith.andi %ne3A, %ne3A_15 : i1
    %sub3A = arith.constant 1 : i32
    %sub3A_16 = arith.subi %div3A, %sub3A : i32
    %select_n3A = arith.select %and3A, %sub3A_16, %div3A : i32
    %jit3A_17 = arith.constant 2 : i32
    %eq3A = arith.constant 0 : i32
    %eq3A_18 = arith.cmpi eq, %jit3A_17, %eq3A : i32
    %jit3A_19 = arith.constant 1 : i32
    %select_n3A_20 = arith.select %eq3A_18, %jit3A_19, %jit3A_17 : i32
    %rem3A_21 = arith.remsi %add3A, %select_n3A_20 : i32
    %ne3A_22 = arith.constant 0 : i32
    %ne3A_23 = arith.cmpi ne, %rem3A_21, %ne3A_22 : i32
    %lt3A = arith.constant 0 : i32
    %lt3A_24 = arith.cmpi slt, %rem3A_21, %lt3A : i32
    %lt3A_25 = arith.constant 0 : i32
    %lt3A_26 = arith.cmpi slt, %select_n3A_20, %lt3A_25 : i32
    %ne3A_27 = arith.xori %lt3A_24, %lt3A_26 : i1
    %and3A_28 = arith.andi %ne3A_27, %ne3A_23 : i1
    %add3A_29 = arith.addi %rem3A_21, %select_n3A_20 : i32
    %select_n3A_30 = arith.select %and3A_28, %add3A_29, %rem3A_21 : i32
    "tpu.region"() ({
      %run_scoped3A = tpu.sem_alloc : memref<!tpu.dma_semaphore, #tpu.memory_space<semaphore_mem>>
      %dma_start3A = arith.constant 0 : i32
      %dma_start3A_179 = arith.constant 0 : i32
      %dma_start3A_180 = tpu.memref_slice %arg2[%select_n3A, %dma_start3A, %dma_start3A_179] : memref<16x32x1024xf32, #tpu.memory_space<hbm>> -> memref<1x32x1024xf32, #tpu.memory_space<hbm>>
      %dma_start3A_181 = tpu.memref_squeeze %dma_start3A_180 : memref<1x32x1024xf32, #tpu.memory_space<hbm>> -> memref<32x1024xf32, #tpu.memory_space<hbm>>
      %dma_start3A_182 = arith.constant 0 : i32
      %dma_start3A_183 = arith.constant 0 : i32
      %dma_start3A_184 = tpu.memref_slice %arg2[%select_n3A, %dma_start3A_182, %dma_start3A_183] : memref<16x32x1024xf32, #tpu.memory_space<hbm>> -> memref<1x32x1024xf32, #tpu.memory_space<hbm>>
      %dma_start3A_185 = tpu.memref_squeeze %dma_start3A_184 : memref<1x32x1024xf32, #tpu.memory_space<hbm>> -> memref<32x1024xf32, #tpu.memory_space<hbm>>
      tpu.enqueue_dma source(%dma_start3A_185 : memref<32x1024xf32, #tpu.memory_space<hbm>>) target(%arg6 : memref<32x1024xf32, #tpu.memory_space<vmem>>) target_semaphore(%run_scoped3A : memref<!tpu.dma_semaphore, #tpu.memory_space<semaphore_mem>>)
      %dma_wait3A = arith.constant 0 : i32
      %dma_wait3A_186 = arith.constant 0 : i32
      %dma_wait3A_187 = tpu.memref_slice %arg2[%select_n3A, %dma_wait3A, %dma_wait3A_186] : memref<16x32x1024xf32, #tpu.memory_space<hbm>> -> memref<1x32x1024xf32, #tpu.memory_space<hbm>>
      %dma_wait3A_188 = tpu.memref_squeeze %dma_wait3A_187 : memref<1x32x1024xf32, #tpu.memory_space<hbm>> -> memref<32x1024xf32, #tpu.memory_space<hbm>>
      %dma_wait3A_189 = arith.constant 0 : i32
      %dma_wait3A_190 = arith.constant 0 : i32
      %dma_wait3A_191 = tpu.memref_slice %arg2[%select_n3A, %dma_wait3A_189, %dma_wait3A_190] : memref<16x32x1024xf32, #tpu.memory_space<hbm>> -> memref<1x32x1024xf32, #tpu.memory_space<hbm>>
      %dma_wait3A_192 = tpu.memref_squeeze %dma_wait3A_191 : memref<1x32x1024xf32, #tpu.memory_space<hbm>> -> memref<32x1024xf32, #tpu.memory_space<hbm>>
      tpu.wait_dma2 semaphore(%run_scoped3A : memref<!tpu.dma_semaphore, #tpu.memory_space<semaphore_mem>>) src(%dma_wait3A_192 : memref<32x1024xf32, #tpu.memory_space<hbm>>) dst(%arg6 : memref<32x1024xf32, #tpu.memory_space<vmem>>)
      tpu.yield
    }) : () -> ()
    "tpu.region"() ({
      %run_scoped3A = tpu.sem_alloc : memref<!tpu.dma_semaphore, #tpu.memory_space<semaphore_mem>>
      %dma_start3A = arith.constant 0 : i32
      %dma_start3A_179 = arith.constant 0 : i32
      %dma_start3A_180 = tpu.memref_slice %arg3[%select_n3A, %dma_start3A, %dma_start3A_179] : memref<16x32x3xf32, #tpu.memory_space<hbm>> -> memref<1x32x3xf32, #tpu.memory_space<hbm>>
      %dma_start3A_181 = tpu.memref_squeeze %dma_start3A_180 : memref<1x32x3xf32, #tpu.memory_space<hbm>> -> memref<32x3xf32, #tpu.memory_space<hbm>>
      %dma_start3A_182 = arith.constant 0 : i32
      %dma_start3A_183 = arith.constant 0 : i32
      %dma_start3A_184 = tpu.memref_slice %arg3[%select_n3A, %dma_start3A_182, %dma_start3A_183] : memref<16x32x3xf32, #tpu.memory_space<hbm>> -> memref<1x32x3xf32, #tpu.memory_space<hbm>>
      %dma_start3A_185 = tpu.memref_squeeze %dma_start3A_184 : memref<1x32x3xf32, #tpu.memory_space<hbm>> -> memref<32x3xf32, #tpu.memory_space<hbm>>
      tpu.enqueue_dma source(%dma_start3A_185 : memref<32x3xf32, #tpu.memory_space<hbm>>) target(%arg7 : memref<32x3xf32, #tpu.memory_space<vmem>>) target_semaphore(%run_scoped3A : memref<!tpu.dma_semaphore, #tpu.memory_space<semaphore_mem>>)
      %dma_wait3A = arith.constant 0 : i32
      %dma_wait3A_186 = arith.constant 0 : i32
      %dma_wait3A_187 = tpu.memref_slice %arg3[%select_n3A, %dma_wait3A, %dma_wait3A_186] : memref<16x32x3xf32, #tpu.memory_space<hbm>> -> memref<1x32x3xf32, #tpu.memory_space<hbm>>
      %dma_wait3A_188 = tpu.memref_squeeze %dma_wait3A_187 : memref<1x32x3xf32, #tpu.memory_space<hbm>> -> memref<32x3xf32, #tpu.memory_space<hbm>>
      %dma_wait3A_189 = arith.constant 0 : i32
      %dma_wait3A_190 = arith.constant 0 : i32
      %dma_wait3A_191 = tpu.memref_slice %arg3[%select_n3A, %dma_wait3A_189, %dma_wait3A_190] : memref<16x32x3xf32, #tpu.memory_space<hbm>> -> memref<1x32x3xf32, #tpu.memory_space<hbm>>
      %dma_wait3A_192 = tpu.memref_squeeze %dma_wait3A_191 : memref<1x32x3xf32, #tpu.memory_space<hbm>> -> memref<32x3xf32, #tpu.memory_space<hbm>>
      tpu.wait_dma2 semaphore(%run_scoped3A : memref<!tpu.dma_semaphore, #tpu.memory_space<semaphore_mem>>) src(%dma_wait3A_192 : memref<32x3xf32, #tpu.memory_space<hbm>>) dst(%arg7 : memref<32x3xf32, #tpu.memory_space<vmem>>)
      tpu.yield
    }) : () -> ()
    "tpu.region"() ({
      %run_scoped3A = tpu.sem_alloc : memref<!tpu.dma_semaphore, #tpu.memory_space<semaphore_mem>>
      tpu.enqueue_dma source(%arg4 : memref<3x33xf32, #tpu.memory_space<hbm>>) target(%arg8 : memref<3x33xf32, #tpu.memory_space<vmem>>) target_semaphore(%run_scoped3A : memref<!tpu.dma_semaphore, #tpu.memory_space<semaphore_mem>>)
      tpu.wait_dma2 semaphore(%run_scoped3A : memref<!tpu.dma_semaphore, #tpu.memory_space<semaphore_mem>>) src(%arg4 : memref<3x33xf32, #tpu.memory_space<hbm>>) dst(%arg8 : memref<3x33xf32, #tpu.memory_space<vmem>>)
      tpu.yield
    }) : () -> ()
    %iota3A = tpu.iota {dimensions = array<i32: 0>} : vector<16xi32>
    %mul3A_31 = arith.constant 16 : i32
    %mul3A_32 = arith.muli %mul3A_31, %select_n3A_30 : i32
    %add3A_33 = vector.broadcast %mul3A_32 : i32 to vector<16xi32>
    %add3A_34 = arith.addi %iota3A, %add3A_33 : vector<16xi32>
    %broadcast_in_dim3A = arith.constant 0 : i32
    %broadcast_in_dim3A_35 = vector.broadcast %broadcast_in_dim3A : i32 to vector<16xi32>
    %gather3A = tpu.vector_load_idx %arg7[%add3A_34, %broadcast_in_dim3A_35] : memref<32x3xf32, #tpu.memory_space<vmem>>[vector<16xi32>, vector<16xi32>], vector<16xf32>,
    %broadcast_in_dim3A_36 = arith.constant 0 : i32
    %broadcast_in_dim3A_37 = vector.broadcast %broadcast_in_dim3A_36 : i32 to vector<16xi32>
    %add3A_38 = arith.constant 1 : i32
    %add3A_39 = vector.broadcast %add3A_38 : i32 to vector<16xi32>
    %add3A_40 = arith.addi %broadcast_in_dim3A_37, %add3A_39 : vector<16xi32>
    %gather3A_41 = tpu.vector_load_idx %arg7[%add3A_34, %add3A_40] : memref<32x3xf32, #tpu.memory_space<vmem>>[vector<16xi32>, vector<16xi32>], vector<16xf32>,
    %broadcast_in_dim3A_42 = arith.constant 0 : i32
    %broadcast_in_dim3A_43 = vector.broadcast %broadcast_in_dim3A_42 : i32 to vector<16xi32>
    %add3A_44 = arith.constant 2 : i32
    %add3A_45 = vector.broadcast %add3A_44 : i32 to vector<16xi32>
    %add3A_46 = arith.addi %broadcast_in_dim3A_43, %add3A_45 : vector<16xi32>
    %gather3A_47 = tpu.vector_load_idx %arg7[%add3A_34, %add3A_46] : memref<32x3xf32, #tpu.memory_space<vmem>>[vector<16xi32>, vector<16xi32>], vector<16xf32>,
    %broadcast_in_dim3A_48 = arith.constant 1 : i32
    %broadcast_in_dim3A_49 = vector.broadcast %broadcast_in_dim3A_48 : i32 to vector<16xi32>
    %gt3A = arith.cmpf ogt, %gather3A_41, %gather3A : vector<16xf32>
    %broadcast_in_dim3A_50 = arith.constant 0 : i32
    %broadcast_in_dim3A_51 = vector.broadcast %broadcast_in_dim3A_50 : i32 to vector<16xi32>
    %select_n3A_52 = arith.select %gt3A, %broadcast_in_dim3A_49, %broadcast_in_dim3A_51 : vector<16xi1>, vector<16xi32>
    %max3A = arith.maximumf %gather3A, %gather3A_41 : vector<16xf32>
    %gt3A_53 = arith.cmpf ogt, %gather3A_47, %max3A : vector<16xf32>
    %add3A_54 = arith.addi %broadcast_in_dim3A_49, %broadcast_in_dim3A_49 : vector<16xi32>
    %select_n3A_55 = arith.select %gt3A_53, %add3A_54, %select_n3A_52 : vector<16xi1>, vector<16xi32>
    %broadcast_in_dim3A_56 = arith.constant 32 : i32
    %broadcast_in_dim3A_57 = vector.broadcast %broadcast_in_dim3A_56 : i32 to vector<16xi32>
    %gather3A_58 = tpu.vector_load_idx %arg8[%select_n3A_55, %broadcast_in_dim3A_57] : memref<3x33xf32, #tpu.memory_space<vmem>>[vector<16xi32>, vector<16xi32>], vector<16xf32>,
    %iota3A_59 = tpu.iota {dimensions = array<i32: 0>} : vector<16xi32>
    %mul3A_60 = arith.constant 16 : i32
    %mul3A_61 = arith.muli %mul3A_60, %select_n3A_30 : i32
    %add3A_62 = vector.broadcast %mul3A_61 : i32 to vector<16xi32>
    %add3A_63 = arith.addi %iota3A_59, %add3A_62 : vector<16xi32>
    %broadcast_in_dim3A_64 = arith.constant 0 : i32
    %broadcast_in_dim3A_65 = vector.broadcast %broadcast_in_dim3A_64 : i32 to vector<16xi32>
    %gather3A_66 = tpu.vector_load_idx %arg8[%select_n3A_55, %broadcast_in_dim3A_65] : memref<3x33xf32, #tpu.memory_space<vmem>>[vector<16xi32>, vector<16xi32>], vector<16xf32>,
    %broadcast_in_dim3A_67 = arith.constant 1 : i32
    %broadcast_in_dim3A_68 = vector.broadcast %broadcast_in_dim3A_67 : i32 to vector<16xi32>
    %gather3A_69 = tpu.vector_load_idx %arg8[%select_n3A_55, %broadcast_in_dim3A_68] : memref<3x33xf32, #tpu.memory_space<vmem>>[vector<16xi32>, vector<16xi32>], vector<16xf32>,
    %broadcast_in_dim3A_70 = arith.constant 2 : i32
    %broadcast_in_dim3A_71 = vector.broadcast %broadcast_in_dim3A_70 : i32 to vector<16xi32>
    %gather3A_72 = tpu.vector_load_idx %arg8[%select_n3A_55, %broadcast_in_dim3A_71] : memref<3x33xf32, #tpu.memory_space<vmem>>[vector<16xi32>, vector<16xi32>], vector<16xf32>,
    %broadcast_in_dim3A_73 = arith.constant 3 : i32
    %broadcast_in_dim3A_74 = vector.broadcast %broadcast_in_dim3A_73 : i32 to vector<16xi32>
    %gather3A_75 = tpu.vector_load_idx %arg8[%select_n3A_55, %broadcast_in_dim3A_74] : memref<3x33xf32, #tpu.memory_space<vmem>>[vector<16xi32>, vector<16xi32>], vector<16xf32>,
    %broadcast_in_dim3A_76 = arith.constant 4 : i32
    %broadcast_in_dim3A_77 = vector.broadcast %broadcast_in_dim3A_76 : i32 to vector<16xi32>
    %gather3A_78 = tpu.vector_load_idx %arg8[%select_n3A_55, %broadcast_in_dim3A_77] : memref<3x33xf32, #tpu.memory_space<vmem>>[vector<16xi32>, vector<16xi32>], vector<16xf32>,
    %broadcast_in_dim3A_79 = arith.constant 5 : i32
    %broadcast_in_dim3A_80 = vector.broadcast %broadcast_in_dim3A_79 : i32 to vector<16xi32>
    %gather3A_81 = tpu.vector_load_idx %arg8[%select_n3A_55, %broadcast_in_dim3A_80] : memref<3x33xf32, #tpu.memory_space<vmem>>[vector<16xi32>, vector<16xi32>], vector<16xf32>,
    %broadcast_in_dim3A_82 = arith.constant 6 : i32
    %broadcast_in_dim3A_83 = vector.broadcast %broadcast_in_dim3A_82 : i32 to vector<16xi32>
    %gather3A_84 = tpu.vector_load_idx %arg8[%select_n3A_55, %broadcast_in_dim3A_83] : memref<3x33xf32, #tpu.memory_space<vmem>>[vector<16xi32>, vector<16xi32>], vector<16xf32>,
    %broadcast_in_dim3A_85 = arith.constant 7 : i32
    %broadcast_in_dim3A_86 = vector.broadcast %broadcast_in_dim3A_85 : i32 to vector<16xi32>
    %gather3A_87 = tpu.vector_load_idx %arg8[%select_n3A_55, %broadcast_in_dim3A_86] : memref<3x33xf32, #tpu.memory_space<vmem>>[vector<16xi32>, vector<16xi32>], vector<16xf32>,
    %broadcast_in_dim3A_88 = arith.constant 8 : i32
    %broadcast_in_dim3A_89 = vector.broadcast %broadcast_in_dim3A_88 : i32 to vector<16xi32>
    %gather3A_90 = tpu.vector_load_idx %arg8[%select_n3A_55, %broadcast_in_dim3A_89] : memref<3x33xf32, #tpu.memory_space<vmem>>[vector<16xi32>, vector<16xi32>], vector<16xf32>,
    %broadcast_in_dim3A_91 = arith.constant 9 : i32
    %broadcast_in_dim3A_92 = vector.broadcast %broadcast_in_dim3A_91 : i32 to vector<16xi32>
    %gather3A_93 = tpu.vector_load_idx %arg8[%select_n3A_55, %broadcast_in_dim3A_92] : memref<3x33xf32, #tpu.memory_space<vmem>>[vector<16xi32>, vector<16xi32>], vector<16xf32>,
    %broadcast_in_dim3A_94 = arith.constant 10 : i32
    %broadcast_in_dim3A_95 = vector.broadcast %broadcast_in_dim3A_94 : i32 to vector<16xi32>
    %gather3A_96 = tpu.vector_load_idx %arg8[%select_n3A_55, %broadcast_in_dim3A_95] : memref<3x33xf32, #tpu.memory_space<vmem>>[vector<16xi32>, vector<16xi32>], vector<16xf32>,
    %broadcast_in_dim3A_97 = arith.constant 11 : i32
    %broadcast_in_dim3A_98 = vector.broadcast %broadcast_in_dim3A_97 : i32 to vector<16xi32>
    %gather3A_99 = tpu.vector_load_idx %arg8[%select_n3A_55, %broadcast_in_dim3A_98] : memref<3x33xf32, #tpu.memory_space<vmem>>[vector<16xi32>, vector<16xi32>], vector<16xf32>,
    %broadcast_in_dim3A_100 = arith.constant 12 : i32
    %broadcast_in_dim3A_101 = vector.broadcast %broadcast_in_dim3A_100 : i32 to vector<16xi32>
    %gather3A_102 = tpu.vector_load_idx %arg8[%select_n3A_55, %broadcast_in_dim3A_101] : memref<3x33xf32, #tpu.memory_space<vmem>>[vector<16xi32>, vector<16xi32>], vector<16xf32>,
    %broadcast_in_dim3A_103 = arith.constant 13 : i32
    %broadcast_in_dim3A_104 = vector.broadcast %broadcast_in_dim3A_103 : i32 to vector<16xi32>
    %gather3A_105 = tpu.vector_load_idx %arg8[%select_n3A_55, %broadcast_in_dim3A_104] : memref<3x33xf32, #tpu.memory_space<vmem>>[vector<16xi32>, vector<16xi32>], vector<16xf32>,
    %broadcast_in_dim3A_106 = arith.constant 14 : i32
    %broadcast_in_dim3A_107 = vector.broadcast %broadcast_in_dim3A_106 : i32 to vector<16xi32>
    %gather3A_108 = tpu.vector_load_idx %arg8[%select_n3A_55, %broadcast_in_dim3A_107] : memref<3x33xf32, #tpu.memory_space<vmem>>[vector<16xi32>, vector<16xi32>], vector<16xf32>,
    %broadcast_in_dim3A_109 = arith.constant 15 : i32
    %broadcast_in_dim3A_110 = vector.broadcast %broadcast_in_dim3A_109 : i32 to vector<16xi32>
    %gather3A_111 = tpu.vector_load_idx %arg8[%select_n3A_55, %broadcast_in_dim3A_110] : memref<3x33xf32, #tpu.memory_space<vmem>>[vector<16xi32>, vector<16xi32>], vector<16xf32>,
    %broadcast_in_dim3A_112 = arith.constant 16 : i32
    %broadcast_in_dim3A_113 = vector.broadcast %broadcast_in_dim3A_112 : i32 to vector<16xi32>
    %gather3A_114 = tpu.vector_load_idx %arg8[%select_n3A_55, %broadcast_in_dim3A_113] : memref<3x33xf32, #tpu.memory_space<vmem>>[vector<16xi32>, vector<16xi32>], vector<16xf32>,
    %broadcast_in_dim3A_115 = arith.constant 17 : i32
    %broadcast_in_dim3A_116 = vector.broadcast %broadcast_in_dim3A_115 : i32 to vector<16xi32>
    %gather3A_117 = tpu.vector_load_idx %arg8[%select_n3A_55, %broadcast_in_dim3A_116] : memref<3x33xf32, #tpu.memory_space<vmem>>[vector<16xi32>, vector<16xi32>], vector<16xf32>,
    %broadcast_in_dim3A_118 = arith.constant 18 : i32
    %broadcast_in_dim3A_119 = vector.broadcast %broadcast_in_dim3A_118 : i32 to vector<16xi32>
    %gather3A_120 = tpu.vector_load_idx %arg8[%select_n3A_55, %broadcast_in_dim3A_119] : memref<3x33xf32, #tpu.memory_space<vmem>>[vector<16xi32>, vector<16xi32>], vector<16xf32>,
    %broadcast_in_dim3A_121 = arith.constant 19 : i32
    %broadcast_in_dim3A_122 = vector.broadcast %broadcast_in_dim3A_121 : i32 to vector<16xi32>
    %gather3A_123 = tpu.vector_load_idx %arg8[%select_n3A_55, %broadcast_in_dim3A_122] : memref<3x33xf32, #tpu.memory_space<vmem>>[vector<16xi32>, vector<16xi32>], vector<16xf32>,
    %broadcast_in_dim3A_124 = arith.constant 20 : i32
    %broadcast_in_dim3A_125 = vector.broadcast %broadcast_in_dim3A_124 : i32 to vector<16xi32>
    %gather3A_126 = tpu.vector_load_idx %arg8[%select_n3A_55, %broadcast_in_dim3A_125] : memref<3x33xf32, #tpu.memory_space<vmem>>[vector<16xi32>, vector<16xi32>], vector<16xf32>,
    %broadcast_in_dim3A_127 = arith.constant 21 : i32
    %broadcast_in_dim3A_128 = vector.broadcast %broadcast_in_dim3A_127 : i32 to vector<16xi32>
    %gather3A_129 = tpu.vector_load_idx %arg8[%select_n3A_55, %broadcast_in_dim3A_128] : memref<3x33xf32, #tpu.memory_space<vmem>>[vector<16xi32>, vector<16xi32>], vector<16xf32>,
    %broadcast_in_dim3A_130 = arith.constant 22 : i32
    %broadcast_in_dim3A_131 = vector.broadcast %broadcast_in_dim3A_130 : i32 to vector<16xi32>
    %gather3A_132 = tpu.vector_load_idx %arg8[%select_n3A_55, %broadcast_in_dim3A_131] : memref<3x33xf32, #tpu.memory_space<vmem>>[vector<16xi32>, vector<16xi32>], vector<16xf32>,
    %broadcast_in_dim3A_133 = arith.constant 23 : i32
    %broadcast_in_dim3A_134 = vector.broadcast %broadcast_in_dim3A_133 : i32 to vector<16xi32>
    %gather3A_135 = tpu.vector_load_idx %arg8[%select_n3A_55, %broadcast_in_dim3A_134] : memref<3x33xf32, #tpu.memory_space<vmem>>[vector<16xi32>, vector<16xi32>], vector<16xf32>,
    %broadcast_in_dim3A_136 = arith.constant 24 : i32
    %broadcast_in_dim3A_137 = vector.broadcast %broadcast_in_dim3A_136 : i32 to vector<16xi32>
    %gather3A_138 = tpu.vector_load_idx %arg8[%select_n3A_55, %broadcast_in_dim3A_137] : memref<3x33xf32, #tpu.memory_space<vmem>>[vector<16xi32>, vector<16xi32>], vector<16xf32>,
    %broadcast_in_dim3A_139 = arith.constant 25 : i32
    %broadcast_in_dim3A_140 = vector.broadcast %broadcast_in_dim3A_139 : i32 to vector<16xi32>
    %gather3A_141 = tpu.vector_load_idx %arg8[%select_n3A_55, %broadcast_in_dim3A_140] : memref<3x33xf32, #tpu.memory_space<vmem>>[vector<16xi32>, vector<16xi32>], vector<16xf32>,
    %broadcast_in_dim3A_142 = arith.constant 26 : i32
    %broadcast_in_dim3A_143 = vector.broadcast %broadcast_in_dim3A_142 : i32 to vector<16xi32>
    %gather3A_144 = tpu.vector_load_idx %arg8[%select_n3A_55, %broadcast_in_dim3A_143] : memref<3x33xf32, #tpu.memory_space<vmem>>[vector<16xi32>, vector<16xi32>], vector<16xf32>,
    %broadcast_in_dim3A_145 = arith.constant 27 : i32
    %broadcast_in_dim3A_146 = vector.broadcast %broadcast_in_dim3A_145 : i32 to vector<16xi32>
    %gather3A_147 = tpu.vector_load_idx %arg8[%select_n3A_55, %broadcast_in_dim3A_146] : memref<3x33xf32, #tpu.memory_space<vmem>>[vector<16xi32>, vector<16xi32>], vector<16xf32>,
    %broadcast_in_dim3A_148 = arith.constant 28 : i32
    %broadcast_in_dim3A_149 = vector.broadcast %broadcast_in_dim3A_148 : i32 to vector<16xi32>
    %gather3A_150 = tpu.vector_load_idx %arg8[%select_n3A_55, %broadcast_in_dim3A_149] : memref<3x33xf32, #tpu.memory_space<vmem>>[vector<16xi32>, vector<16xi32>], vector<16xf32>,
    %broadcast_in_dim3A_151 = arith.constant 29 : i32
    %broadcast_in_dim3A_152 = vector.broadcast %broadcast_in_dim3A_151 : i32 to vector<16xi32>
    %gather3A_153 = tpu.vector_load_idx %arg8[%select_n3A_55, %broadcast_in_dim3A_152] : memref<3x33xf32, #tpu.memory_space<vmem>>[vector<16xi32>, vector<16xi32>], vector<16xf32>,
    %broadcast_in_dim3A_154 = arith.constant 30 : i32
    %broadcast_in_dim3A_155 = vector.broadcast %broadcast_in_dim3A_154 : i32 to vector<16xi32>
    %gather3A_156 = tpu.vector_load_idx %arg8[%select_n3A_55, %broadcast_in_dim3A_155] : memref<3x33xf32, #tpu.memory_space<vmem>>[vector<16xi32>, vector<16xi32>], vector<16xf32>,
    %broadcast_in_dim3A_157 = arith.constant 31 : i32
    %broadcast_in_dim3A_158 = vector.broadcast %broadcast_in_dim3A_157 : i32 to vector<16xi32>
    %gather3A_159 = tpu.vector_load_idx %arg8[%select_n3A_55, %broadcast_in_dim3A_158] : memref<3x33xf32, #tpu.memory_space<vmem>>[vector<16xi32>, vector<16xi32>], vector<16xf32>,
    %broadcast_in_dim3A_160 = arith.constant 0.000000e+00 : f32
    %broadcast_in_dim3A_161 = vector.broadcast %broadcast_in_dim3A_160 : f32 to vector<16xf32>
    %scan3A = arith.constant 0 : i32
    %scan3A_162 = arith.constant 16 : i32
    %scan3A_163 = arith.addi %scan3A, %scan3A_162 : i32
    %scan3A_164 = arith.constant 1 : i32
    %scan3A_165 = scf.for %scan3A_179 = %scan3A to %scan3A_163 step %scan3A_164 iter_args(%scan3A_180 = %broadcast_in_dim3A_161) -> (vector<16xf32>)  : i32 {
      %add3A_181 = arith.constant 0 : i32
      %add3A_182 = arith.addi %scan3A_179, %add3A_181 : i32
      %broadcast_in_dim3A_183 = arith.constant 0.000000e+00 : f32
      %broadcast_in_dim3A_184 = vector.broadcast %broadcast_in_dim3A_183 : f32 to vector<16xf32>
      %broadcast_in_dim3A_185 = arith.constant 0.000000e+00 : f32
      %broadcast_in_dim3A_186 = vector.broadcast %broadcast_in_dim3A_185 : f32 to vector<16xf32>
      %broadcast_in_dim3A_187 = arith.constant 0.000000e+00 : f32
      %broadcast_in_dim3A_188 = vector.broadcast %broadcast_in_dim3A_187 : f32 to vector<16xf32>
      %broadcast_in_dim3A_189 = arith.constant 0.000000e+00 : f32
      %broadcast_in_dim3A_190 = vector.broadcast %broadcast_in_dim3A_189 : f32 to vector<16xf32>
      %mul3A_191 = arith.constant 32 : i32
      %mul3A_192 = arith.muli %add3A_182, %mul3A_191 : i32
      %mul3A_193 = arith.constant 16 : i32
      %mul3A_194 = arith.muli %mul3A_193, %select_n3A_30 : i32
      %add3A_195 = arith.addi %mul3A_192, %mul3A_194 : i32
      %get3A = arith.constant 0 : i32
      %get3A_196 = arith.index_cast %get3A : i32 to index
      %get3A_197 = arith.index_cast %add3A_195 : i32 to index
      %get3A_198 = tpu.vector_load %arg6[%get3A_196, %get3A_197] {strides = array<i32>} : memref<32x1024xf32, #tpu.memory_space<vmem>>, vector<16xf32>,
      %mul3A_199 = arith.mulf %get3A_198, %gather3A_66 : vector<16xf32>
      %add3A_200 = arith.addf %broadcast_in_dim3A_184, %mul3A_199 : vector<16xf32>
      %mul3A_201 = arith.constant 32 : i32
      %mul3A_202 = arith.muli %add3A_182, %mul3A_201 : i32
      %mul3A_203 = arith.constant 16 : i32
      %mul3A_204 = arith.muli %mul3A_203, %select_n3A_30 : i32
      %add3A_205 = arith.addi %mul3A_202, %mul3A_204 : i32
      %get3A_206 = arith.constant 1 : i32
      %get3A_207 = arith.index_cast %get3A_206 : i32 to index
      %get3A_208 = arith.index_cast %add3A_205 : i32 to index
      %get3A_209 = tpu.vector_load %arg6[%get3A_207, %get3A_208] {strides = array<i32>} : memref<32x1024xf32, #tpu.memory_space<vmem>>, vector<16xf32>,
      %mul3A_210 = arith.mulf %get3A_209, %gather3A_69 : vector<16xf32>
      %add3A_211 = arith.addf %broadcast_in_dim3A_186, %mul3A_210 : vector<16xf32>
      %mul3A_212 = arith.constant 32 : i32
      %mul3A_213 = arith.muli %add3A_182, %mul3A_212 : i32
      %mul3A_214 = arith.constant 16 : i32
      %mul3A_215 = arith.muli %mul3A_214, %select_n3A_30 : i32
      %add3A_216 = arith.addi %mul3A_213, %mul3A_215 : i32
      %get3A_217 = arith.constant 2 : i32
      %get3A_218 = arith.index_cast %get3A_217 : i32 to index
      %get3A_219 = arith.index_cast %add3A_216 : i32 to index
      %get3A_220 = tpu.vector_load %arg6[%get3A_218, %get3A_219] {strides = array<i32>} : memref<32x1024xf32, #tpu.memory_space<vmem>>, vector<16xf32>,
      %mul3A_221 = arith.mulf %get3A_220, %gather3A_72 : vector<16xf32>
      %add3A_222 = arith.addf %broadcast_in_dim3A_188, %mul3A_221 : vector<16xf32>
      %mul3A_223 = arith.constant 32 : i32
      %mul3A_224 = arith.muli %add3A_182, %mul3A_223 : i32
      %mul3A_225 = arith.constant 16 : i32
      %mul3A_226 = arith.muli %mul3A_225, %select_n3A_30 : i32
      %add3A_227 = arith.addi %mul3A_224, %mul3A_226 : i32
      %get3A_228 = arith.constant 3 : i32
      %get3A_229 = arith.index_cast %get3A_228 : i32 to index
      %get3A_230 = arith.index_cast %add3A_227 : i32 to index
      %get3A_231 = tpu.vector_load %arg6[%get3A_229, %get3A_230] {strides = array<i32>} : memref<32x1024xf32, #tpu.memory_space<vmem>>, vector<16xf32>,
      %mul3A_232 = arith.mulf %get3A_231, %gather3A_75 : vector<16xf32>
      %add3A_233 = arith.addf %broadcast_in_dim3A_190, %mul3A_232 : vector<16xf32>
      %mul3A_234 = arith.constant 32 : i32
      %mul3A_235 = arith.muli %add3A_182, %mul3A_234 : i32
      %mul3A_236 = arith.constant 16 : i32
      %mul3A_237 = arith.muli %mul3A_236, %select_n3A_30 : i32
      %add3A_238 = arith.addi %mul3A_235, %mul3A_237 : i32
      %get3A_239 = arith.constant 4 : i32
      %get3A_240 = arith.index_cast %get3A_239 : i32 to index
      %get3A_241 = arith.index_cast %add3A_238 : i32 to index
      %get3A_242 = tpu.vector_load %arg6[%get3A_240, %get3A_241] {strides = array<i32>} : memref<32x1024xf32, #tpu.memory_space<vmem>>, vector<16xf32>,
      %mul3A_243 = arith.mulf %get3A_242, %gather3A_78 : vector<16xf32>
      %add3A_244 = arith.addf %add3A_200, %mul3A_243 : vector<16xf32>
      %mul3A_245 = arith.constant 32 : i32
      %mul3A_246 = arith.muli %add3A_182, %mul3A_245 : i32
      %mul3A_247 = arith.constant 16 : i32
      %mul3A_248 = arith.muli %mul3A_247, %select_n3A_30 : i32
      %add3A_249 = arith.addi %mul3A_246, %mul3A_248 : i32
      %get3A_250 = arith.constant 5 : i32
      %get3A_251 = arith.index_cast %get3A_250 : i32 to index
      %get3A_252 = arith.index_cast %add3A_249 : i32 to index
      %get3A_253 = tpu.vector_load %arg6[%get3A_251, %get3A_252] {strides = array<i32>} : memref<32x1024xf32, #tpu.memory_space<vmem>>, vector<16xf32>,
      %mul3A_254 = arith.mulf %get3A_253, %gather3A_81 : vector<16xf32>
      %add3A_255 = arith.addf %add3A_211, %mul3A_254 : vector<16xf32>
      %mul3A_256 = arith.constant 32 : i32
      %mul3A_257 = arith.muli %add3A_182, %mul3A_256 : i32
      %mul3A_258 = arith.constant 16 : i32
      %mul3A_259 = arith.muli %mul3A_258, %select_n3A_30 : i32
      %add3A_260 = arith.addi %mul3A_257, %mul3A_259 : i32
      %get3A_261 = arith.constant 6 : i32
      %get3A_262 = arith.index_cast %get3A_261 : i32 to index
      %get3A_263 = arith.index_cast %add3A_260 : i32 to index
      %get3A_264 = tpu.vector_load %arg6[%get3A_262, %get3A_263] {strides = array<i32>} : memref<32x1024xf32, #tpu.memory_space<vmem>>, vector<16xf32>,
      %mul3A_265 = arith.mulf %get3A_264, %gather3A_84 : vector<16xf32>
      %add3A_266 = arith.addf %add3A_222, %mul3A_265 : vector<16xf32>
      %mul3A_267 = arith.constant 32 : i32
      %mul3A_268 = arith.muli %add3A_182, %mul3A_267 : i32
      %mul3A_269 = arith.constant 16 : i32
      %mul3A_270 = arith.muli %mul3A_269, %select_n3A_30 : i32
      %add3A_271 = arith.addi %mul3A_268, %mul3A_270 : i32
      %get3A_272 = arith.constant 7 : i32
      %get3A_273 = arith.index_cast %get3A_272 : i32 to index
      %get3A_274 = arith.index_cast %add3A_271 : i32 to index
      %get3A_275 = tpu.vector_load %arg6[%get3A_273, %get3A_274] {strides = array<i32>} : memref<32x1024xf32, #tpu.memory_space<vmem>>, vector<16xf32>,
      %mul3A_276 = arith.mulf %get3A_275, %gather3A_87 : vector<16xf32>
      %add3A_277 = arith.addf %add3A_233, %mul3A_276 : vector<16xf32>
      %mul3A_278 = arith.constant 32 : i32
      %mul3A_279 = arith.muli %add3A_182, %mul3A_278 : i32
      %mul3A_280 = arith.constant 16 : i32
      %mul3A_281 = arith.muli %mul3A_280, %select_n3A_30 : i32
      %add3A_282 = arith.addi %mul3A_279, %mul3A_281 : i32
      %get3A_283 = arith.constant 8 : i32
      %get3A_284 = arith.index_cast %get3A_283 : i32 to index
      %get3A_285 = arith.index_cast %add3A_282 : i32 to index
      %get3A_286 = tpu.vector_load %arg6[%get3A_284, %get3A_285] {strides = array<i32>} : memref<32x1024xf32, #tpu.memory_space<vmem>>, vector<16xf32>,
      %mul3A_287 = arith.mulf %get3A_286, %gather3A_90 : vector<16xf32>
      %add3A_288 = arith.addf %add3A_244, %mul3A_287 : vector<16xf32>
      %mul3A_289 = arith.constant 32 : i32
      %mul3A_290 = arith.muli %add3A_182, %mul3A_289 : i32
      %mul3A_291 = arith.constant 16 : i32
      %mul3A_292 = arith.muli %mul3A_291, %select_n3A_30 : i32
      %add3A_293 = arith.addi %mul3A_290, %mul3A_292 : i32
      %get3A_294 = arith.constant 9 : i32
      %get3A_295 = arith.index_cast %get3A_294 : i32 to index
      %get3A_296 = arith.index_cast %add3A_293 : i32 to index
      %get3A_297 = tpu.vector_load %arg6[%get3A_295, %get3A_296] {strides = array<i32>} : memref<32x1024xf32, #tpu.memory_space<vmem>>, vector<16xf32>,
      %mul3A_298 = arith.mulf %get3A_297, %gather3A_93 : vector<16xf32>
      %add3A_299 = arith.addf %add3A_255, %mul3A_298 : vector<16xf32>
      %mul3A_300 = arith.constant 32 : i32
      %mul3A_301 = arith.muli %add3A_182, %mul3A_300 : i32
      %mul3A_302 = arith.constant 16 : i32
      %mul3A_303 = arith.muli %mul3A_302, %select_n3A_30 : i32
      %add3A_304 = arith.addi %mul3A_301, %mul3A_303 : i32
      %get3A_305 = arith.constant 10 : i32
      %get3A_306 = arith.index_cast %get3A_305 : i32 to index
      %get3A_307 = arith.index_cast %add3A_304 : i32 to index
      %get3A_308 = tpu.vector_load %arg6[%get3A_306, %get3A_307] {strides = array<i32>} : memref<32x1024xf32, #tpu.memory_space<vmem>>, vector<16xf32>,
      %mul3A_309 = arith.mulf %get3A_308, %gather3A_96 : vector<16xf32>
      %add3A_310 = arith.addf %add3A_266, %mul3A_309 : vector<16xf32>
      %mul3A_311 = arith.constant 32 : i32
      %mul3A_312 = arith.muli %add3A_182, %mul3A_311 : i32
      %mul3A_313 = arith.constant 16 : i32
      %mul3A_314 = arith.muli %mul3A_313, %select_n3A_30 : i32
      %add3A_315 = arith.addi %mul3A_312, %mul3A_314 : i32
      %get3A_316 = arith.constant 11 : i32
      %get3A_317 = arith.index_cast %get3A_316 : i32 to index
      %get3A_318 = arith.index_cast %add3A_315 : i32 to index
      %get3A_319 = tpu.vector_load %arg6[%get3A_317, %get3A_318] {strides = array<i32>} : memref<32x1024xf32, #tpu.memory_space<vmem>>, vector<16xf32>,
      %mul3A_320 = arith.mulf %get3A_319, %gather3A_99 : vector<16xf32>
      %add3A_321 = arith.addf %add3A_277, %mul3A_320 : vector<16xf32>
      %mul3A_322 = arith.constant 32 : i32
      %mul3A_323 = arith.muli %add3A_182, %mul3A_322 : i32
      %mul3A_324 = arith.constant 16 : i32
      %mul3A_325 = arith.muli %mul3A_324, %select_n3A_30 : i32
      %add3A_326 = arith.addi %mul3A_323, %mul3A_325 : i32
      %get3A_327 = arith.constant 12 : i32
      %get3A_328 = arith.index_cast %get3A_327 : i32 to index
      %get3A_329 = arith.index_cast %add3A_326 : i32 to index
      %get3A_330 = tpu.vector_load %arg6[%get3A_328, %get3A_329] {strides = array<i32>} : memref<32x1024xf32, #tpu.memory_space<vmem>>, vector<16xf32>,
      %mul3A_331 = arith.mulf %get3A_330, %gather3A_102 : vector<16xf32>
      %add3A_332 = arith.addf %add3A_288, %mul3A_331 : vector<16xf32>
      %mul3A_333 = arith.constant 32 : i32
      %mul3A_334 = arith.muli %add3A_182, %mul3A_333 : i32
      %mul3A_335 = arith.constant 16 : i32
      %mul3A_336 = arith.muli %mul3A_335, %select_n3A_30 : i32
      %add3A_337 = arith.addi %mul3A_334, %mul3A_336 : i32
      %get3A_338 = arith.constant 13 : i32
      %get3A_339 = arith.index_cast %get3A_338 : i32 to index
      %get3A_340 = arith.index_cast %add3A_337 : i32 to index
      %get3A_341 = tpu.vector_load %arg6[%get3A_339, %get3A_340] {strides = array<i32>} : memref<32x1024xf32, #tpu.memory_space<vmem>>, vector<16xf32>,
      %mul3A_342 = arith.mulf %get3A_341, %gather3A_105 : vector<16xf32>
      %add3A_343 = arith.addf %add3A_299, %mul3A_342 : vector<16xf32>
      %mul3A_344 = arith.constant 32 : i32
      %mul3A_345 = arith.muli %add3A_182, %mul3A_344 : i32
      %mul3A_346 = arith.constant 16 : i32
      %mul3A_347 = arith.muli %mul3A_346, %select_n3A_30 : i32
      %add3A_348 = arith.addi %mul3A_345, %mul3A_347 : i32
      %get3A_349 = arith.constant 14 : i32
      %get3A_350 = arith.index_cast %get3A_349 : i32 to index
      %get3A_351 = arith.index_cast %add3A_348 : i32 to index
      %get3A_352 = tpu.vector_load %arg6[%get3A_350, %get3A_351] {strides = array<i32>} : memref<32x1024xf32, #tpu.memory_space<vmem>>, vector<16xf32>,
      %mul3A_353 = arith.mulf %get3A_352, %gather3A_108 : vector<16xf32>
      %add3A_354 = arith.addf %add3A_310, %mul3A_353 : vector<16xf32>
      %mul3A_355 = arith.constant 32 : i32
      %mul3A_356 = arith.muli %add3A_182, %mul3A_355 : i32
      %mul3A_357 = arith.constant 16 : i32
      %mul3A_358 = arith.muli %mul3A_357, %select_n3A_30 : i32
      %add3A_359 = arith.addi %mul3A_356, %mul3A_358 : i32
      %get3A_360 = arith.constant 15 : i32
      %get3A_361 = arith.index_cast %get3A_360 : i32 to index
      %get3A_362 = arith.index_cast %add3A_359 : i32 to index
      %get3A_363 = tpu.vector_load %arg6[%get3A_361, %get3A_362] {strides = array<i32>} : memref<32x1024xf32, #tpu.memory_space<vmem>>, vector<16xf32>,
      %mul3A_364 = arith.mulf %get3A_363, %gather3A_111 : vector<16xf32>
      %add3A_365 = arith.addf %add3A_321, %mul3A_364 : vector<16xf32>
      %mul3A_366 = arith.constant 32 : i32
      %mul3A_367 = arith.muli %add3A_182, %mul3A_366 : i32
      %mul3A_368 = arith.constant 16 : i32
      %mul3A_369 = arith.muli %mul3A_368, %select_n3A_30 : i32
      %add3A_370 = arith.addi %mul3A_367, %mul3A_369 : i32
      %get3A_371 = arith.constant 16 : i32
      %get3A_372 = arith.index_cast %get3A_371 : i32 to index
      %get3A_373 = arith.index_cast %add3A_370 : i32 to index
      %get3A_374 = tpu.vector_load %arg6[%get3A_372, %get3A_373] {strides = array<i32>} : memref<32x1024xf32, #tpu.memory_space<vmem>>, vector<16xf32>,
      %mul3A_375 = arith.mulf %get3A_374, %gather3A_114 : vector<16xf32>
      %add3A_376 = arith.addf %add3A_332, %mul3A_375 : vector<16xf32>
      %mul3A_377 = arith.constant 32 : i32
      %mul3A_378 = arith.muli %add3A_182, %mul3A_377 : i32
      %mul3A_379 = arith.constant 16 : i32
      %mul3A_380 = arith.muli %mul3A_379, %select_n3A_30 : i32
      %add3A_381 = arith.addi %mul3A_378, %mul3A_380 : i32
      %get3A_382 = arith.constant 17 : i32
      %get3A_383 = arith.index_cast %get3A_382 : i32 to index
      %get3A_384 = arith.index_cast %add3A_381 : i32 to index
      %get3A_385 = tpu.vector_load %arg6[%get3A_383, %get3A_384] {strides = array<i32>} : memref<32x1024xf32, #tpu.memory_space<vmem>>, vector<16xf32>,
      %mul3A_386 = arith.mulf %get3A_385, %gather3A_117 : vector<16xf32>
      %add3A_387 = arith.addf %add3A_343, %mul3A_386 : vector<16xf32>
      %mul3A_388 = arith.constant 32 : i32
      %mul3A_389 = arith.muli %add3A_182, %mul3A_388 : i32
      %mul3A_390 = arith.constant 16 : i32
      %mul3A_391 = arith.muli %mul3A_390, %select_n3A_30 : i32
      %add3A_392 = arith.addi %mul3A_389, %mul3A_391 : i32
      %get3A_393 = arith.constant 18 : i32
      %get3A_394 = arith.index_cast %get3A_393 : i32 to index
      %get3A_395 = arith.index_cast %add3A_392 : i32 to index
      %get3A_396 = tpu.vector_load %arg6[%get3A_394, %get3A_395] {strides = array<i32>} : memref<32x1024xf32, #tpu.memory_space<vmem>>, vector<16xf32>,
      %mul3A_397 = arith.mulf %get3A_396, %gather3A_120 : vector<16xf32>
      %add3A_398 = arith.addf %add3A_354, %mul3A_397 : vector<16xf32>
      %mul3A_399 = arith.constant 32 : i32
      %mul3A_400 = arith.muli %add3A_182, %mul3A_399 : i32
      %mul3A_401 = arith.constant 16 : i32
      %mul3A_402 = arith.muli %mul3A_401, %select_n3A_30 : i32
      %add3A_403 = arith.addi %mul3A_400, %mul3A_402 : i32
      %get3A_404 = arith.constant 19 : i32
      %get3A_405 = arith.index_cast %get3A_404 : i32 to index
      %get3A_406 = arith.index_cast %add3A_403 : i32 to index
      %get3A_407 = tpu.vector_load %arg6[%get3A_405, %get3A_406] {strides = array<i32>} : memref<32x1024xf32, #tpu.memory_space<vmem>>, vector<16xf32>,
      %mul3A_408 = arith.mulf %get3A_407, %gather3A_123 : vector<16xf32>
      %add3A_409 = arith.addf %add3A_365, %mul3A_408 : vector<16xf32>
      %mul3A_410 = arith.constant 32 : i32
      %mul3A_411 = arith.muli %add3A_182, %mul3A_410 : i32
      %mul3A_412 = arith.constant 16 : i32
      %mul3A_413 = arith.muli %mul3A_412, %select_n3A_30 : i32
      %add3A_414 = arith.addi %mul3A_411, %mul3A_413 : i32
      %get3A_415 = arith.constant 20 : i32
      %get3A_416 = arith.index_cast %get3A_415 : i32 to index
      %get3A_417 = arith.index_cast %add3A_414 : i32 to index
      %get3A_418 = tpu.vector_load %arg6[%get3A_416, %get3A_417] {strides = array<i32>} : memref<32x1024xf32, #tpu.memory_space<vmem>>, vector<16xf32>,
      %mul3A_419 = arith.mulf %get3A_418, %gather3A_126 : vector<16xf32>
      %add3A_420 = arith.addf %add3A_376, %mul3A_419 : vector<16xf32>
      %mul3A_421 = arith.constant 32 : i32
      %mul3A_422 = arith.muli %add3A_182, %mul3A_421 : i32
      %mul3A_423 = arith.constant 16 : i32
      %mul3A_424 = arith.muli %mul3A_423, %select_n3A_30 : i32
      %add3A_425 = arith.addi %mul3A_422, %mul3A_424 : i32
      %get3A_426 = arith.constant 21 : i32
      %get3A_427 = arith.index_cast %get3A_426 : i32 to index
      %get3A_428 = arith.index_cast %add3A_425 : i32 to index
      %get3A_429 = tpu.vector_load %arg6[%get3A_427, %get3A_428] {strides = array<i32>} : memref<32x1024xf32, #tpu.memory_space<vmem>>, vector<16xf32>,
      %mul3A_430 = arith.mulf %get3A_429, %gather3A_129 : vector<16xf32>
      %add3A_431 = arith.addf %add3A_387, %mul3A_430 : vector<16xf32>
      %mul3A_432 = arith.constant 32 : i32
      %mul3A_433 = arith.muli %add3A_182, %mul3A_432 : i32
      %mul3A_434 = arith.constant 16 : i32
      %mul3A_435 = arith.muli %mul3A_434, %select_n3A_30 : i32
      %add3A_436 = arith.addi %mul3A_433, %mul3A_435 : i32
      %get3A_437 = arith.constant 22 : i32
      %get3A_438 = arith.index_cast %get3A_437 : i32 to index
      %get3A_439 = arith.index_cast %add3A_436 : i32 to index
      %get3A_440 = tpu.vector_load %arg6[%get3A_438, %get3A_439] {strides = array<i32>} : memref<32x1024xf32, #tpu.memory_space<vmem>>, vector<16xf32>,
      %mul3A_441 = arith.mulf %get3A_440, %gather3A_132 : vector<16xf32>
      %add3A_442 = arith.addf %add3A_398, %mul3A_441 : vector<16xf32>
      %mul3A_443 = arith.constant 32 : i32
      %mul3A_444 = arith.muli %add3A_182, %mul3A_443 : i32
      %mul3A_445 = arith.constant 16 : i32
      %mul3A_446 = arith.muli %mul3A_445, %select_n3A_30 : i32
      %add3A_447 = arith.addi %mul3A_444, %mul3A_446 : i32
      %get3A_448 = arith.constant 23 : i32
      %get3A_449 = arith.index_cast %get3A_448 : i32 to index
      %get3A_450 = arith.index_cast %add3A_447 : i32 to index
      %get3A_451 = tpu.vector_load %arg6[%get3A_449, %get3A_450] {strides = array<i32>} : memref<32x1024xf32, #tpu.memory_space<vmem>>, vector<16xf32>,
      %mul3A_452 = arith.mulf %get3A_451, %gather3A_135 : vector<16xf32>
      %add3A_453 = arith.addf %add3A_409, %mul3A_452 : vector<16xf32>
      %mul3A_454 = arith.constant 32 : i32
      %mul3A_455 = arith.muli %add3A_182, %mul3A_454 : i32
      %mul3A_456 = arith.constant 16 : i32
      %mul3A_457 = arith.muli %mul3A_456, %select_n3A_30 : i32
      %add3A_458 = arith.addi %mul3A_455, %mul3A_457 : i32
      %get3A_459 = arith.constant 24 : i32
      %get3A_460 = arith.index_cast %get3A_459 : i32 to index
      %get3A_461 = arith.index_cast %add3A_458 : i32 to index
      %get3A_462 = tpu.vector_load %arg6[%get3A_460, %get3A_461] {strides = array<i32>} : memref<32x1024xf32, #tpu.memory_space<vmem>>, vector<16xf32>,
      %mul3A_463 = arith.mulf %get3A_462, %gather3A_138 : vector<16xf32>
      %add3A_464 = arith.addf %add3A_420, %mul3A_463 : vector<16xf32>
      %mul3A_465 = arith.constant 32 : i32
      %mul3A_466 = arith.muli %add3A_182, %mul3A_465 : i32
      %mul3A_467 = arith.constant 16 : i32
      %mul3A_468 = arith.muli %mul3A_467, %select_n3A_30 : i32
      %add3A_469 = arith.addi %mul3A_466, %mul3A_468 : i32
      %get3A_470 = arith.constant 25 : i32
      %get3A_471 = arith.index_cast %get3A_470 : i32 to index
      %get3A_472 = arith.index_cast %add3A_469 : i32 to index
      %get3A_473 = tpu.vector_load %arg6[%get3A_471, %get3A_472] {strides = array<i32>} : memref<32x1024xf32, #tpu.memory_space<vmem>>, vector<16xf32>,
      %mul3A_474 = arith.mulf %get3A_473, %gather3A_141 : vector<16xf32>
      %add3A_475 = arith.addf %add3A_431, %mul3A_474 : vector<16xf32>
      %mul3A_476 = arith.constant 32 : i32
      %mul3A_477 = arith.muli %add3A_182, %mul3A_476 : i32
      %mul3A_478 = arith.constant 16 : i32
      %mul3A_479 = arith.muli %mul3A_478, %select_n3A_30 : i32
      %add3A_480 = arith.addi %mul3A_477, %mul3A_479 : i32
      %get3A_481 = arith.constant 26 : i32
      %get3A_482 = arith.index_cast %get3A_481 : i32 to index
      %get3A_483 = arith.index_cast %add3A_480 : i32 to index
      %get3A_484 = tpu.vector_load %arg6[%get3A_482, %get3A_483] {strides = array<i32>} : memref<32x1024xf32, #tpu.memory_space<vmem>>, vector<16xf32>,
      %mul3A_485 = arith.mulf %get3A_484, %gather3A_144 : vector<16xf32>
      %add3A_486 = arith.addf %add3A_442, %mul3A_485 : vector<16xf32>
      %mul3A_487 = arith.constant 32 : i32
      %mul3A_488 = arith.muli %add3A_182, %mul3A_487 : i32
      %mul3A_489 = arith.constant 16 : i32
      %mul3A_490 = arith.muli %mul3A_489, %select_n3A_30 : i32
      %add3A_491 = arith.addi %mul3A_488, %mul3A_490 : i32
      %get3A_492 = arith.constant 27 : i32
      %get3A_493 = arith.index_cast %get3A_492 : i32 to index
      %get3A_494 = arith.index_cast %add3A_491 : i32 to index
      %get3A_495 = tpu.vector_load %arg6[%get3A_493, %get3A_494] {strides = array<i32>} : memref<32x1024xf32, #tpu.memory_space<vmem>>, vector<16xf32>,
      %mul3A_496 = arith.mulf %get3A_495, %gather3A_147 : vector<16xf32>
      %add3A_497 = arith.addf %add3A_453, %mul3A_496 : vector<16xf32>
      %mul3A_498 = arith.constant 32 : i32
      %mul3A_499 = arith.muli %add3A_182, %mul3A_498 : i32
      %mul3A_500 = arith.constant 16 : i32
      %mul3A_501 = arith.muli %mul3A_500, %select_n3A_30 : i32
      %add3A_502 = arith.addi %mul3A_499, %mul3A_501 : i32
      %get3A_503 = arith.constant 28 : i32
      %get3A_504 = arith.index_cast %get3A_503 : i32 to index
      %get3A_505 = arith.index_cast %add3A_502 : i32 to index
      %get3A_506 = tpu.vector_load %arg6[%get3A_504, %get3A_505] {strides = array<i32>} : memref<32x1024xf32, #tpu.memory_space<vmem>>, vector<16xf32>,
      %mul3A_507 = arith.mulf %get3A_506, %gather3A_150 : vector<16xf32>
      %add3A_508 = arith.addf %add3A_464, %mul3A_507 : vector<16xf32>
      %mul3A_509 = arith.constant 32 : i32
      %mul3A_510 = arith.muli %add3A_182, %mul3A_509 : i32
      %mul3A_511 = arith.constant 16 : i32
      %mul3A_512 = arith.muli %mul3A_511, %select_n3A_30 : i32
      %add3A_513 = arith.addi %mul3A_510, %mul3A_512 : i32
      %get3A_514 = arith.constant 29 : i32
      %get3A_515 = arith.index_cast %get3A_514 : i32 to index
      %get3A_516 = arith.index_cast %add3A_513 : i32 to index
      %get3A_517 = tpu.vector_load %arg6[%get3A_515, %get3A_516] {strides = array<i32>} : memref<32x1024xf32, #tpu.memory_space<vmem>>, vector<16xf32>,
      %mul3A_518 = arith.mulf %get3A_517, %gather3A_153 : vector<16xf32>
      %add3A_519 = arith.addf %add3A_475, %mul3A_518 : vector<16xf32>
      %mul3A_520 = arith.constant 32 : i32
      %mul3A_521 = arith.muli %add3A_182, %mul3A_520 : i32
      %mul3A_522 = arith.constant 16 : i32
      %mul3A_523 = arith.muli %mul3A_522, %select_n3A_30 : i32
      %add3A_524 = arith.addi %mul3A_521, %mul3A_523 : i32
      %get3A_525 = arith.constant 30 : i32
      %get3A_526 = arith.index_cast %get3A_525 : i32 to index
      %get3A_527 = arith.index_cast %add3A_524 : i32 to index
      %get3A_528 = tpu.vector_load %arg6[%get3A_526, %get3A_527] {strides = array<i32>} : memref<32x1024xf32, #tpu.memory_space<vmem>>, vector<16xf32>,
      %mul3A_529 = arith.mulf %get3A_528, %gather3A_156 : vector<16xf32>
      %add3A_530 = arith.addf %add3A_486, %mul3A_529 : vector<16xf32>
      %mul3A_531 = arith.constant 32 : i32
      %mul3A_532 = arith.muli %add3A_182, %mul3A_531 : i32
      %mul3A_533 = arith.constant 16 : i32
      %mul3A_534 = arith.muli %mul3A_533, %select_n3A_30 : i32
      %add3A_535 = arith.addi %mul3A_532, %mul3A_534 : i32
      %get3A_536 = arith.constant 31 : i32
      %get3A_537 = arith.index_cast %get3A_536 : i32 to index
      %get3A_538 = arith.index_cast %add3A_535 : i32 to index
      %get3A_539 = tpu.vector_load %arg6[%get3A_537, %get3A_538] {strides = array<i32>} : memref<32x1024xf32, #tpu.memory_space<vmem>>, vector<16xf32>,
      %mul3A_540 = arith.mulf %get3A_539, %gather3A_159 : vector<16xf32>
      %add3A_541 = arith.addf %add3A_497, %mul3A_540 : vector<16xf32>
      %add3A_542 = arith.addf %add3A_508, %add3A_519 : vector<16xf32>
      %add3A_543 = arith.addf %add3A_530, %add3A_541 : vector<16xf32>
      %add3A_544 = arith.addf %add3A_542, %add3A_543 : vector<16xf32>
      %ne3A_545 = vector.broadcast %add3A_182 : i32 to vector<16xi32>
      %ne3A_546 = arith.cmpi ne, %add3A_63, %ne3A_545 : vector<16xi32>
      %jit3A_547 = arith.constant 0.000000e+00 : f32
      %broadcast_in_dim3A_548 = vector.broadcast %jit3A_547 : f32 to vector<16xf32>
      %select_n3A_549 = arith.select %ne3A_546, %add3A_544, %broadcast_in_dim3A_548 : vector<16xi1>, vector<16xf32>
      %add3A_550 = arith.addf %scan3A_180, %select_n3A_549 : vector<16xf32>
      %add3A_551 = arith.constant 16 : i32
      %add3A_552 = arith.addi %scan3A_179, %add3A_551 : i32
      %broadcast_in_dim3A_553 = arith.constant 0.000000e+00 : f32
      %broadcast_in_dim3A_554 = vector.broadcast %broadcast_in_dim3A_553 : f32 to vector<16xf32>
      %broadcast_in_dim3A_555 = arith.constant 0.000000e+00 : f32
      %broadcast_in_dim3A_556 = vector.broadcast %broadcast_in_dim3A_555 : f32 to vector<16xf32>
      %broadcast_in_dim3A_557 = arith.constant 0.000000e+00 : f32
      %broadcast_in_dim3A_558 = vector.broadcast %broadcast_in_dim3A_557 : f32 to vector<16xf32>
      %broadcast_in_dim3A_559 = arith.constant 0.000000e+00 : f32
      %broadcast_in_dim3A_560 = vector.broadcast %broadcast_in_dim3A_559 : f32 to vector<16xf32>
      %mul3A_561 = arith.constant 32 : i32
      %mul3A_562 = arith.muli %add3A_552, %mul3A_561 : i32
      %mul3A_563 = arith.constant 16 : i32
      %mul3A_564 = arith.muli %mul3A_563, %select_n3A_30 : i32
      %add3A_565 = arith.addi %mul3A_562, %mul3A_564 : i32
      %get3A_566 = arith.constant 0 : i32
      %get3A_567 = arith.index_cast %get3A_566 : i32 to index
      %get3A_568 = arith.index_cast %add3A_565 : i32 to index
      %get3A_569 = tpu.vector_load %arg6[%get3A_567, %get3A_568] {strides = array<i32>} : memref<32x1024xf32, #tpu.memory_space<vmem>>, vector<16xf32>,
      %mul3A_570 = arith.mulf %get3A_569, %gather3A_66 : vector<16xf32>
      %add3A_571 = arith.addf %broadcast_in_dim3A_554, %mul3A_570 : vector<16xf32>
      %mul3A_572 = arith.constant 32 : i32
      %mul3A_573 = arith.muli %add3A_552, %mul3A_572 : i32
      %mul3A_574 = arith.constant 16 : i32
      %mul3A_575 = arith.muli %mul3A_574, %select_n3A_30 : i32
      %add3A_576 = arith.addi %mul3A_573, %mul3A_575 : i32
      %get3A_577 = arith.constant 1 : i32
      %get3A_578 = arith.index_cast %get3A_577 : i32 to index
      %get3A_579 = arith.index_cast %add3A_576 : i32 to index
      %get3A_580 = tpu.vector_load %arg6[%get3A_578, %get3A_579] {strides = array<i32>} : memref<32x1024xf32, #tpu.memory_space<vmem>>, vector<16xf32>,
      %mul3A_581 = arith.mulf %get3A_580, %gather3A_69 : vector<16xf32>
      %add3A_582 = arith.addf %broadcast_in_dim3A_556, %mul3A_581 : vector<16xf32>
      %mul3A_583 = arith.constant 32 : i32
      %mul3A_584 = arith.muli %add3A_552, %mul3A_583 : i32
      %mul3A_585 = arith.constant 16 : i32
      %mul3A_586 = arith.muli %mul3A_585, %select_n3A_30 : i32
      %add3A_587 = arith.addi %mul3A_584, %mul3A_586 : i32
      %get3A_588 = arith.constant 2 : i32
      %get3A_589 = arith.index_cast %get3A_588 : i32 to index
      %get3A_590 = arith.index_cast %add3A_587 : i32 to index
      %get3A_591 = tpu.vector_load %arg6[%get3A_589, %get3A_590] {strides = array<i32>} : memref<32x1024xf32, #tpu.memory_space<vmem>>, vector<16xf32>,
      %mul3A_592 = arith.mulf %get3A_591, %gather3A_72 : vector<16xf32>
      %add3A_593 = arith.addf %broadcast_in_dim3A_558, %mul3A_592 : vector<16xf32>
      %mul3A_594 = arith.constant 32 : i32
      %mul3A_595 = arith.muli %add3A_552, %mul3A_594 : i32
      %mul3A_596 = arith.constant 16 : i32
      %mul3A_597 = arith.muli %mul3A_596, %select_n3A_30 : i32
      %add3A_598 = arith.addi %mul3A_595, %mul3A_597 : i32
      %get3A_599 = arith.constant 3 : i32
      %get3A_600 = arith.index_cast %get3A_599 : i32 to index
      %get3A_601 = arith.index_cast %add3A_598 : i32 to index
      %get3A_602 = tpu.vector_load %arg6[%get3A_600, %get3A_601] {strides = array<i32>} : memref<32x1024xf32, #tpu.memory_space<vmem>>, vector<16xf32>,
      %mul3A_603 = arith.mulf %get3A_602, %gather3A_75 : vector<16xf32>
      %add3A_604 = arith.addf %broadcast_in_dim3A_560, %mul3A_603 : vector<16xf32>
      %mul3A_605 = arith.constant 32 : i32
      %mul3A_606 = arith.muli %add3A_552, %mul3A_605 : i32
      %mul3A_607 = arith.constant 16 : i32
      %mul3A_608 = arith.muli %mul3A_607, %select_n3A_30 : i32
      %add3A_609 = arith.addi %mul3A_606, %mul3A_608 : i32
      %get3A_610 = arith.constant 4 : i32
      %get3A_611 = arith.index_cast %get3A_610 : i32 to index
      %get3A_612 = arith.index_cast %add3A_609 : i32 to index
      %get3A_613 = tpu.vector_load %arg6[%get3A_611, %get3A_612] {strides = array<i32>} : memref<32x1024xf32, #tpu.memory_space<vmem>>, vector<16xf32>,
      %mul3A_614 = arith.mulf %get3A_613, %gather3A_78 : vector<16xf32>
      %add3A_615 = arith.addf %add3A_571, %mul3A_614 : vector<16xf32>
      %mul3A_616 = arith.constant 32 : i32
      %mul3A_617 = arith.muli %add3A_552, %mul3A_616 : i32
      %mul3A_618 = arith.constant 16 : i32
      %mul3A_619 = arith.muli %mul3A_618, %select_n3A_30 : i32
      %add3A_620 = arith.addi %mul3A_617, %mul3A_619 : i32
      %get3A_621 = arith.constant 5 : i32
      %get3A_622 = arith.index_cast %get3A_621 : i32 to index
      %get3A_623 = arith.index_cast %add3A_620 : i32 to index
      %get3A_624 = tpu.vector_load %arg6[%get3A_622, %get3A_623] {strides = array<i32>} : memref<32x1024xf32, #tpu.memory_space<vmem>>, vector<16xf32>,
      %mul3A_625 = arith.mulf %get3A_624, %gather3A_81 : vector<16xf32>
      %add3A_626 = arith.addf %add3A_582, %mul3A_625 : vector<16xf32>
      %mul3A_627 = arith.constant 32 : i32
      %mul3A_628 = arith.muli %add3A_552, %mul3A_627 : i32
      %mul3A_629 = arith.constant 16 : i32
      %mul3A_630 = arith.muli %mul3A_629, %select_n3A_30 : i32
      %add3A_631 = arith.addi %mul3A_628, %mul3A_630 : i32
      %get3A_632 = arith.constant 6 : i32
      %get3A_633 = arith.index_cast %get3A_632 : i32 to index
      %get3A_634 = arith.index_cast %add3A_631 : i32 to index
      %get3A_635 = tpu.vector_load %arg6[%get3A_633, %get3A_634] {strides = array<i32>} : memref<32x1024xf32, #tpu.memory_space<vmem>>, vector<16xf32>,
      %mul3A_636 = arith.mulf %get3A_635, %gather3A_84 : vector<16xf32>
      %add3A_637 = arith.addf %add3A_593, %mul3A_636 : vector<16xf32>
      %mul3A_638 = arith.constant 32 : i32
      %mul3A_639 = arith.muli %add3A_552, %mul3A_638 : i32
      %mul3A_640 = arith.constant 16 : i32
      %mul3A_641 = arith.muli %mul3A_640, %select_n3A_30 : i32
      %add3A_642 = arith.addi %mul3A_639, %mul3A_641 : i32
      %get3A_643 = arith.constant 7 : i32
      %get3A_644 = arith.index_cast %get3A_643 : i32 to index
      %get3A_645 = arith.index_cast %add3A_642 : i32 to index
      %get3A_646 = tpu.vector_load %arg6[%get3A_644, %get3A_645] {strides = array<i32>} : memref<32x1024xf32, #tpu.memory_space<vmem>>, vector<16xf32>,
      %mul3A_647 = arith.mulf %get3A_646, %gather3A_87 : vector<16xf32>
      %add3A_648 = arith.addf %add3A_604, %mul3A_647 : vector<16xf32>
      %mul3A_649 = arith.constant 32 : i32
      %mul3A_650 = arith.muli %add3A_552, %mul3A_649 : i32
      %mul3A_651 = arith.constant 16 : i32
      %mul3A_652 = arith.muli %mul3A_651, %select_n3A_30 : i32
      %add3A_653 = arith.addi %mul3A_650, %mul3A_652 : i32
      %get3A_654 = arith.constant 8 : i32
      %get3A_655 = arith.index_cast %get3A_654 : i32 to index
      %get3A_656 = arith.index_cast %add3A_653 : i32 to index
      %get3A_657 = tpu.vector_load %arg6[%get3A_655, %get3A_656] {strides = array<i32>} : memref<32x1024xf32, #tpu.memory_space<vmem>>, vector<16xf32>,
      %mul3A_658 = arith.mulf %get3A_657, %gather3A_90 : vector<16xf32>
      %add3A_659 = arith.addf %add3A_615, %mul3A_658 : vector<16xf32>
      %mul3A_660 = arith.constant 32 : i32
      %mul3A_661 = arith.muli %add3A_552, %mul3A_660 : i32
      %mul3A_662 = arith.constant 16 : i32
      %mul3A_663 = arith.muli %mul3A_662, %select_n3A_30 : i32
      %add3A_664 = arith.addi %mul3A_661, %mul3A_663 : i32
      %get3A_665 = arith.constant 9 : i32
      %get3A_666 = arith.index_cast %get3A_665 : i32 to index
      %get3A_667 = arith.index_cast %add3A_664 : i32 to index
      %get3A_668 = tpu.vector_load %arg6[%get3A_666, %get3A_667] {strides = array<i32>} : memref<32x1024xf32, #tpu.memory_space<vmem>>, vector<16xf32>,
      %mul3A_669 = arith.mulf %get3A_668, %gather3A_93 : vector<16xf32>
      %add3A_670 = arith.addf %add3A_626, %mul3A_669 : vector<16xf32>
      %mul3A_671 = arith.constant 32 : i32
      %mul3A_672 = arith.muli %add3A_552, %mul3A_671 : i32
      %mul3A_673 = arith.constant 16 : i32
      %mul3A_674 = arith.muli %mul3A_673, %select_n3A_30 : i32
      %add3A_675 = arith.addi %mul3A_672, %mul3A_674 : i32
      %get3A_676 = arith.constant 10 : i32
      %get3A_677 = arith.index_cast %get3A_676 : i32 to index
      %get3A_678 = arith.index_cast %add3A_675 : i32 to index
      %get3A_679 = tpu.vector_load %arg6[%get3A_677, %get3A_678] {strides = array<i32>} : memref<32x1024xf32, #tpu.memory_space<vmem>>, vector<16xf32>,
      %mul3A_680 = arith.mulf %get3A_679, %gather3A_96 : vector<16xf32>
      %add3A_681 = arith.addf %add3A_637, %mul3A_680 : vector<16xf32>
      %mul3A_682 = arith.constant 32 : i32
      %mul3A_683 = arith.muli %add3A_552, %mul3A_682 : i32
      %mul3A_684 = arith.constant 16 : i32
      %mul3A_685 = arith.muli %mul3A_684, %select_n3A_30 : i32
      %add3A_686 = arith.addi %mul3A_683, %mul3A_685 : i32
      %get3A_687 = arith.constant 11 : i32
      %get3A_688 = arith.index_cast %get3A_687 : i32 to index
      %get3A_689 = arith.index_cast %add3A_686 : i32 to index
      %get3A_690 = tpu.vector_load %arg6[%get3A_688, %get3A_689] {strides = array<i32>} : memref<32x1024xf32, #tpu.memory_space<vmem>>, vector<16xf32>,
      %mul3A_691 = arith.mulf %get3A_690, %gather3A_99 : vector<16xf32>
      %add3A_692 = arith.addf %add3A_648, %mul3A_691 : vector<16xf32>
      %mul3A_693 = arith.constant 32 : i32
      %mul3A_694 = arith.muli %add3A_552, %mul3A_693 : i32
      %mul3A_695 = arith.constant 16 : i32
      %mul3A_696 = arith.muli %mul3A_695, %select_n3A_30 : i32
      %add3A_697 = arith.addi %mul3A_694, %mul3A_696 : i32
      %get3A_698 = arith.constant 12 : i32
      %get3A_699 = arith.index_cast %get3A_698 : i32 to index
      %get3A_700 = arith.index_cast %add3A_697 : i32 to index
      %get3A_701 = tpu.vector_load %arg6[%get3A_699, %get3A_700] {strides = array<i32>} : memref<32x1024xf32, #tpu.memory_space<vmem>>, vector<16xf32>,
      %mul3A_702 = arith.mulf %get3A_701, %gather3A_102 : vector<16xf32>
      %add3A_703 = arith.addf %add3A_659, %mul3A_702 : vector<16xf32>
      %mul3A_704 = arith.constant 32 : i32
      %mul3A_705 = arith.muli %add3A_552, %mul3A_704 : i32
      %mul3A_706 = arith.constant 16 : i32
      %mul3A_707 = arith.muli %mul3A_706, %select_n3A_30 : i32
      %add3A_708 = arith.addi %mul3A_705, %mul3A_707 : i32
      %get3A_709 = arith.constant 13 : i32
      %get3A_710 = arith.index_cast %get3A_709 : i32 to index
      %get3A_711 = arith.index_cast %add3A_708 : i32 to index
      %get3A_712 = tpu.vector_load %arg6[%get3A_710, %get3A_711] {strides = array<i32>} : memref<32x1024xf32, #tpu.memory_space<vmem>>, vector<16xf32>,
      %mul3A_713 = arith.mulf %get3A_712, %gather3A_105 : vector<16xf32>
      %add3A_714 = arith.addf %add3A_670, %mul3A_713 : vector<16xf32>
      %mul3A_715 = arith.constant 32 : i32
      %mul3A_716 = arith.muli %add3A_552, %mul3A_715 : i32
      %mul3A_717 = arith.constant 16 : i32
      %mul3A_718 = arith.muli %mul3A_717, %select_n3A_30 : i32
      %add3A_719 = arith.addi %mul3A_716, %mul3A_718 : i32
      %get3A_720 = arith.constant 14 : i32
      %get3A_721 = arith.index_cast %get3A_720 : i32 to index
      %get3A_722 = arith.index_cast %add3A_719 : i32 to index
      %get3A_723 = tpu.vector_load %arg6[%get3A_721, %get3A_722] {strides = array<i32>} : memref<32x1024xf32, #tpu.memory_space<vmem>>, vector<16xf32>,
      %mul3A_724 = arith.mulf %get3A_723, %gather3A_108 : vector<16xf32>
      %add3A_725 = arith.addf %add3A_681, %mul3A_724 : vector<16xf32>
      %mul3A_726 = arith.constant 32 : i32
      %mul3A_727 = arith.muli %add3A_552, %mul3A_726 : i32
      %mul3A_728 = arith.constant 16 : i32
      %mul3A_729 = arith.muli %mul3A_728, %select_n3A_30 : i32
      %add3A_730 = arith.addi %mul3A_727, %mul3A_729 : i32
      %get3A_731 = arith.constant 15 : i32
      %get3A_732 = arith.index_cast %get3A_731 : i32 to index
      %get3A_733 = arith.index_cast %add3A_730 : i32 to index
      %get3A_734 = tpu.vector_load %arg6[%get3A_732, %get3A_733] {strides = array<i32>} : memref<32x1024xf32, #tpu.memory_space<vmem>>, vector<16xf32>,
      %mul3A_735 = arith.mulf %get3A_734, %gather3A_111 : vector<16xf32>
      %add3A_736 = arith.addf %add3A_692, %mul3A_735 : vector<16xf32>
      %mul3A_737 = arith.constant 32 : i32
      %mul3A_738 = arith.muli %add3A_552, %mul3A_737 : i32
      %mul3A_739 = arith.constant 16 : i32
      %mul3A_740 = arith.muli %mul3A_739, %select_n3A_30 : i32
      %add3A_741 = arith.addi %mul3A_738, %mul3A_740 : i32
      %get3A_742 = arith.constant 16 : i32
      %get3A_743 = arith.index_cast %get3A_742 : i32 to index
      %get3A_744 = arith.index_cast %add3A_741 : i32 to index
      %get3A_745 = tpu.vector_load %arg6[%get3A_743, %get3A_744] {strides = array<i32>} : memref<32x1024xf32, #tpu.memory_space<vmem>>, vector<16xf32>,
      %mul3A_746 = arith.mulf %get3A_745, %gather3A_114 : vector<16xf32>
      %add3A_747 = arith.addf %add3A_703, %mul3A_746 : vector<16xf32>
      %mul3A_748 = arith.constant 32 : i32
      %mul3A_749 = arith.muli %add3A_552, %mul3A_748 : i32
      %mul3A_750 = arith.constant 16 : i32
      %mul3A_751 = arith.muli %mul3A_750, %select_n3A_30 : i32
      %add3A_752 = arith.addi %mul3A_749, %mul3A_751 : i32
      %get3A_753 = arith.constant 17 : i32
      %get3A_754 = arith.index_cast %get3A_753 : i32 to index
      %get3A_755 = arith.index_cast %add3A_752 : i32 to index
      %get3A_756 = tpu.vector_load %arg6[%get3A_754, %get3A_755] {strides = array<i32>} : memref<32x1024xf32, #tpu.memory_space<vmem>>, vector<16xf32>,
      %mul3A_757 = arith.mulf %get3A_756, %gather3A_117 : vector<16xf32>
      %add3A_758 = arith.addf %add3A_714, %mul3A_757 : vector<16xf32>
      %mul3A_759 = arith.constant 32 : i32
      %mul3A_760 = arith.muli %add3A_552, %mul3A_759 : i32
      %mul3A_761 = arith.constant 16 : i32
      %mul3A_762 = arith.muli %mul3A_761, %select_n3A_30 : i32
      %add3A_763 = arith.addi %mul3A_760, %mul3A_762 : i32
      %get3A_764 = arith.constant 18 : i32
      %get3A_765 = arith.index_cast %get3A_764 : i32 to index
      %get3A_766 = arith.index_cast %add3A_763 : i32 to index
      %get3A_767 = tpu.vector_load %arg6[%get3A_765, %get3A_766] {strides = array<i32>} : memref<32x1024xf32, #tpu.memory_space<vmem>>, vector<16xf32>,
      %mul3A_768 = arith.mulf %get3A_767, %gather3A_120 : vector<16xf32>
      %add3A_769 = arith.addf %add3A_725, %mul3A_768 : vector<16xf32>
      %mul3A_770 = arith.constant 32 : i32
      %mul3A_771 = arith.muli %add3A_552, %mul3A_770 : i32
      %mul3A_772 = arith.constant 16 : i32
      %mul3A_773 = arith.muli %mul3A_772, %select_n3A_30 : i32
      %add3A_774 = arith.addi %mul3A_771, %mul3A_773 : i32
      %get3A_775 = arith.constant 19 : i32
      %get3A_776 = arith.index_cast %get3A_775 : i32 to index
      %get3A_777 = arith.index_cast %add3A_774 : i32 to index
      %get3A_778 = tpu.vector_load %arg6[%get3A_776, %get3A_777] {strides = array<i32>} : memref<32x1024xf32, #tpu.memory_space<vmem>>, vector<16xf32>,
      %mul3A_779 = arith.mulf %get3A_778, %gather3A_123 : vector<16xf32>
      %add3A_780 = arith.addf %add3A_736, %mul3A_779 : vector<16xf32>
      %mul3A_781 = arith.constant 32 : i32
      %mul3A_782 = arith.muli %add3A_552, %mul3A_781 : i32
      %mul3A_783 = arith.constant 16 : i32
      %mul3A_784 = arith.muli %mul3A_783, %select_n3A_30 : i32
      %add3A_785 = arith.addi %mul3A_782, %mul3A_784 : i32
      %get3A_786 = arith.constant 20 : i32
      %get3A_787 = arith.index_cast %get3A_786 : i32 to index
      %get3A_788 = arith.index_cast %add3A_785 : i32 to index
      %get3A_789 = tpu.vector_load %arg6[%get3A_787, %get3A_788] {strides = array<i32>} : memref<32x1024xf32, #tpu.memory_space<vmem>>, vector<16xf32>,
      %mul3A_790 = arith.mulf %get3A_789, %gather3A_126 : vector<16xf32>
      %add3A_791 = arith.addf %add3A_747, %mul3A_790 : vector<16xf32>
      %mul3A_792 = arith.constant 32 : i32
      %mul3A_793 = arith.muli %add3A_552, %mul3A_792 : i32
      %mul3A_794 = arith.constant 16 : i32
      %mul3A_795 = arith.muli %mul3A_794, %select_n3A_30 : i32
      %add3A_796 = arith.addi %mul3A_793, %mul3A_795 : i32
      %get3A_797 = arith.constant 21 : i32
      %get3A_798 = arith.index_cast %get3A_797 : i32 to index
      %get3A_799 = arith.index_cast %add3A_796 : i32 to index
      %get3A_800 = tpu.vector_load %arg6[%get3A_798, %get3A_799] {strides = array<i32>} : memref<32x1024xf32, #tpu.memory_space<vmem>>, vector<16xf32>,
      %mul3A_801 = arith.mulf %get3A_800, %gather3A_129 : vector<16xf32>
      %add3A_802 = arith.addf %add3A_758, %mul3A_801 : vector<16xf32>
      %mul3A_803 = arith.constant 32 : i32
      %mul3A_804 = arith.muli %add3A_552, %mul3A_803 : i32
      %mul3A_805 = arith.constant 16 : i32
      %mul3A_806 = arith.muli %mul3A_805, %select_n3A_30 : i32
      %add3A_807 = arith.addi %mul3A_804, %mul3A_806 : i32
      %get3A_808 = arith.constant 22 : i32
      %get3A_809 = arith.index_cast %get3A_808 : i32 to index
      %get3A_810 = arith.index_cast %add3A_807 : i32 to index
      %get3A_811 = tpu.vector_load %arg6[%get3A_809, %get3A_810] {strides = array<i32>} : memref<32x1024xf32, #tpu.memory_space<vmem>>, vector<16xf32>,
      %mul3A_812 = arith.mulf %get3A_811, %gather3A_132 : vector<16xf32>
      %add3A_813 = arith.addf %add3A_769, %mul3A_812 : vector<16xf32>
      %mul3A_814 = arith.constant 32 : i32
      %mul3A_815 = arith.muli %add3A_552, %mul3A_814 : i32
      %mul3A_816 = arith.constant 16 : i32
      %mul3A_817 = arith.muli %mul3A_816, %select_n3A_30 : i32
      %add3A_818 = arith.addi %mul3A_815, %mul3A_817 : i32
      %get3A_819 = arith.constant 23 : i32
      %get3A_820 = arith.index_cast %get3A_819 : i32 to index
      %get3A_821 = arith.index_cast %add3A_818 : i32 to index
      %get3A_822 = tpu.vector_load %arg6[%get3A_820, %get3A_821] {strides = array<i32>} : memref<32x1024xf32, #tpu.memory_space<vmem>>, vector<16xf32>,
      %mul3A_823 = arith.mulf %get3A_822, %gather3A_135 : vector<16xf32>
      %add3A_824 = arith.addf %add3A_780, %mul3A_823 : vector<16xf32>
      %mul3A_825 = arith.constant 32 : i32
      %mul3A_826 = arith.muli %add3A_552, %mul3A_825 : i32
      %mul3A_827 = arith.constant 16 : i32
      %mul3A_828 = arith.muli %mul3A_827, %select_n3A_30 : i32
      %add3A_829 = arith.addi %mul3A_826, %mul3A_828 : i32
      %get3A_830 = arith.constant 24 : i32
      %get3A_831 = arith.index_cast %get3A_830 : i32 to index
      %get3A_832 = arith.index_cast %add3A_829 : i32 to index
      %get3A_833 = tpu.vector_load %arg6[%get3A_831, %get3A_832] {strides = array<i32>} : memref<32x1024xf32, #tpu.memory_space<vmem>>, vector<16xf32>,
      %mul3A_834 = arith.mulf %get3A_833, %gather3A_138 : vector<16xf32>
      %add3A_835 = arith.addf %add3A_791, %mul3A_834 : vector<16xf32>
      %mul3A_836 = arith.constant 32 : i32
      %mul3A_837 = arith.muli %add3A_552, %mul3A_836 : i32
      %mul3A_838 = arith.constant 16 : i32
      %mul3A_839 = arith.muli %mul3A_838, %select_n3A_30 : i32
      %add3A_840 = arith.addi %mul3A_837, %mul3A_839 : i32
      %get3A_841 = arith.constant 25 : i32
      %get3A_842 = arith.index_cast %get3A_841 : i32 to index
      %get3A_843 = arith.index_cast %add3A_840 : i32 to index
      %get3A_844 = tpu.vector_load %arg6[%get3A_842, %get3A_843] {strides = array<i32>} : memref<32x1024xf32, #tpu.memory_space<vmem>>, vector<16xf32>,
      %mul3A_845 = arith.mulf %get3A_844, %gather3A_141 : vector<16xf32>
      %add3A_846 = arith.addf %add3A_802, %mul3A_845 : vector<16xf32>
      %mul3A_847 = arith.constant 32 : i32
      %mul3A_848 = arith.muli %add3A_552, %mul3A_847 : i32
      %mul3A_849 = arith.constant 16 : i32
      %mul3A_850 = arith.muli %mul3A_849, %select_n3A_30 : i32
      %add3A_851 = arith.addi %mul3A_848, %mul3A_850 : i32
      %get3A_852 = arith.constant 26 : i32
      %get3A_853 = arith.index_cast %get3A_852 : i32 to index
      %get3A_854 = arith.index_cast %add3A_851 : i32 to index
      %get3A_855 = tpu.vector_load %arg6[%get3A_853, %get3A_854] {strides = array<i32>} : memref<32x1024xf32, #tpu.memory_space<vmem>>, vector<16xf32>,
      %mul3A_856 = arith.mulf %get3A_855, %gather3A_144 : vector<16xf32>
      %add3A_857 = arith.addf %add3A_813, %mul3A_856 : vector<16xf32>
      %mul3A_858 = arith.constant 32 : i32
      %mul3A_859 = arith.muli %add3A_552, %mul3A_858 : i32
      %mul3A_860 = arith.constant 16 : i32
      %mul3A_861 = arith.muli %mul3A_860, %select_n3A_30 : i32
      %add3A_862 = arith.addi %mul3A_859, %mul3A_861 : i32
      %get3A_863 = arith.constant 27 : i32
      %get3A_864 = arith.index_cast %get3A_863 : i32 to index
      %get3A_865 = arith.index_cast %add3A_862 : i32 to index
      %get3A_866 = tpu.vector_load %arg6[%get3A_864, %get3A_865] {strides = array<i32>} : memref<32x1024xf32, #tpu.memory_space<vmem>>, vector<16xf32>,
      %mul3A_867 = arith.mulf %get3A_866, %gather3A_147 : vector<16xf32>
      %add3A_868 = arith.addf %add3A_824, %mul3A_867 : vector<16xf32>
      %mul3A_869 = arith.constant 32 : i32
      %mul3A_870 = arith.muli %add3A_552, %mul3A_869 : i32
      %mul3A_871 = arith.constant 16 : i32
      %mul3A_872 = arith.muli %mul3A_871, %select_n3A_30 : i32
      %add3A_873 = arith.addi %mul3A_870, %mul3A_872 : i32
      %get3A_874 = arith.constant 28 : i32
      %get3A_875 = arith.index_cast %get3A_874 : i32 to index
      %get3A_876 = arith.index_cast %add3A_873 : i32 to index
      %get3A_877 = tpu.vector_load %arg6[%get3A_875, %get3A_876] {strides = array<i32>} : memref<32x1024xf32, #tpu.memory_space<vmem>>, vector<16xf32>,
      %mul3A_878 = arith.mulf %get3A_877, %gather3A_150 : vector<16xf32>
      %add3A_879 = arith.addf %add3A_835, %mul3A_878 : vector<16xf32>
      %mul3A_880 = arith.constant 32 : i32
      %mul3A_881 = arith.muli %add3A_552, %mul3A_880 : i32
      %mul3A_882 = arith.constant 16 : i32
      %mul3A_883 = arith.muli %mul3A_882, %select_n3A_30 : i32
      %add3A_884 = arith.addi %mul3A_881, %mul3A_883 : i32
      %get3A_885 = arith.constant 29 : i32
      %get3A_886 = arith.index_cast %get3A_885 : i32 to index
      %get3A_887 = arith.index_cast %add3A_884 : i32 to index
      %get3A_888 = tpu.vector_load %arg6[%get3A_886, %get3A_887] {strides = array<i32>} : memref<32x1024xf32, #tpu.memory_space<vmem>>, vector<16xf32>,
      %mul3A_889 = arith.mulf %get3A_888, %gather3A_153 : vector<16xf32>
      %add3A_890 = arith.addf %add3A_846, %mul3A_889 : vector<16xf32>
      %mul3A_891 = arith.constant 32 : i32
      %mul3A_892 = arith.muli %add3A_552, %mul3A_891 : i32
      %mul3A_893 = arith.constant 16 : i32
      %mul3A_894 = arith.muli %mul3A_893, %select_n3A_30 : i32
      %add3A_895 = arith.addi %mul3A_892, %mul3A_894 : i32
      %get3A_896 = arith.constant 30 : i32
      %get3A_897 = arith.index_cast %get3A_896 : i32 to index
      %get3A_898 = arith.index_cast %add3A_895 : i32 to index
      %get3A_899 = tpu.vector_load %arg6[%get3A_897, %get3A_898] {strides = array<i32>} : memref<32x1024xf32, #tpu.memory_space<vmem>>, vector<16xf32>,
      %mul3A_900 = arith.mulf %get3A_899, %gather3A_156 : vector<16xf32>
      %add3A_901 = arith.addf %add3A_857, %mul3A_900 : vector<16xf32>
      %mul3A_902 = arith.constant 32 : i32
      %mul3A_903 = arith.muli %add3A_552, %mul3A_902 : i32
      %mul3A_904 = arith.constant 16 : i32
      %mul3A_905 = arith.muli %mul3A_904, %select_n3A_30 : i32
      %add3A_906 = arith.addi %mul3A_903, %mul3A_905 : i32
      %get3A_907 = arith.constant 31 : i32
      %get3A_908 = arith.index_cast %get3A_907 : i32 to index
      %get3A_909 = arith.index_cast %add3A_906 : i32 to index
      %get3A_910 = tpu.vector_load %arg6[%get3A_908, %get3A_909] {strides = array<i32>} : memref<32x1024xf32, #tpu.memory_space<vmem>>, vector<16xf32>,
      %mul3A_911 = arith.mulf %get3A_910, %gather3A_159 : vector<16xf32>
      %add3A_912 = arith.addf %add3A_868, %mul3A_911 : vector<16xf32>
      %add3A_913 = arith.addf %add3A_879, %add3A_890 : vector<16xf32>
      %add3A_914 = arith.addf %add3A_901, %add3A_912 : vector<16xf32>
      %add3A_915 = arith.addf %add3A_913, %add3A_914 : vector<16xf32>
      %ne3A_916 = vector.broadcast %add3A_552 : i32 to vector<16xi32>
      %ne3A_917 = arith.cmpi ne, %add3A_63, %ne3A_916 : vector<16xi32>
      %jit3A_918 = arith.constant 0.000000e+00 : f32
      %broadcast_in_dim3A_919 = vector.broadcast %jit3A_918 : f32 to vector<16xf32>
      %select_n3A_920 = arith.select %ne3A_917, %add3A_915, %broadcast_in_dim3A_919 : vector<16xi1>, vector<16xf32>
      %add3A_921 = arith.addf %add3A_550, %select_n3A_920 : vector<16xf32>
      scf.yield %add3A_921 : vector<16xf32>
    }
    %scan3A_166 = arith.constant 16 : i32
    %mul3A_167 = arith.constant 0.176776692 : f32
    %mul3A_168 = vector.broadcast %mul3A_167 : f32 to vector<16xf32>
    %mul3A_169 = arith.mulf %mul3A_168, %scan3A_165 : vector<16xf32>
    %add3A_170 = arith.addf %gather3A_58, %mul3A_169 : vector<16xf32>
    %mul3A_171 = arith.constant 1.250000e-01 : f32
    %mul3A_172 = vector.broadcast %mul3A_171 : f32 to vector<16xf32>
    %mul3A_173 = arith.mulf %mul3A_172, %add3A_170 : vector<16xf32>
    %reduce_sum3A = arith.constant true
    %reduce_sum3A_174 = vector.broadcast %reduce_sum3A : i1 to vector<16xi1>
    %reduce_sum3A_175 = tpu.scan <sum>, %mul3A_173 masked %reduce_sum3A_174 : vector<16xf32>, vector<16xi1> -> vector<16xf32>
    %reduce_sum3A_176 = vector.extract %reduce_sum3A_175[15] : f32 from vector<16xf32>
    %broadcast_in_dim3A_177 = vector.broadcast %reduce_sum3A_176 : f32 to vector<16xf32>
    %swap3A = arith.constant 0 : index
    %swap3A_178 = tpu.vector_load %arg9[%swap3A] {strides = array<i32>} : memref<16xf32, #tpu.memory_space<vmem>>, vector<16xf32>,
    tpu.vector_store %arg9[%swap3A], %broadcast_in_dim3A_177 {strides = array<i32>} : memref<16xf32, #tpu.memory_space<vmem>>, vector<16xf32>,
    "tpu.region"() ({
      %run_scoped3A = tpu.sem_alloc : memref<!tpu.dma_semaphore, #tpu.memory_space<semaphore_mem>>
      %dma_start3A = arith.constant 0 : i32
      %dma_start3A_179 = tpu.memref_slice %arg5[%select_n3A, %select_n3A_30, %dma_start3A] : memref<16x2x16xf32, #tpu.memory_space<hbm>> -> memref<1x1x16xf32, #tpu.memory_space<hbm>>
      %dma_start3A_180 = tpu.memref_squeeze %dma_start3A_179 : memref<1x1x16xf32, #tpu.memory_space<hbm>> -> memref<16xf32, #tpu.memory_space<hbm>>
      %dma_start3A_181 = arith.constant 0 : i32
      %dma_start3A_182 = tpu.memref_slice %arg5[%select_n3A, %select_n3A_30, %dma_start3A_181] : memref<16x2x16xf32, #tpu.memory_space<hbm>> -> memref<1x1x16xf32, #tpu.memory_space<hbm>>
      %dma_start3A_183 = tpu.memref_squeeze %dma_start3A_182 : memref<1x1x16xf32, #tpu.memory_space<hbm>> -> memref<16xf32, #tpu.memory_space<hbm>>
      tpu.enqueue_dma source(%arg9 : memref<16xf32, #tpu.memory_space<vmem>>) target(%dma_start3A_183 : memref<16xf32, #tpu.memory_space<hbm>>) target_semaphore(%run_scoped3A : memref<!tpu.dma_semaphore, #tpu.memory_space<semaphore_mem>>)
      %dma_wait3A = arith.constant 0 : i32
      %dma_wait3A_184 = tpu.memref_slice %arg5[%select_n3A, %select_n3A_30, %dma_wait3A] : memref<16x2x16xf32, #tpu.memory_space<hbm>> -> memref<1x1x16xf32, #tpu.memory_space<hbm>>
      %dma_wait3A_185 = tpu.memref_squeeze %dma_wait3A_184 : memref<1x1x16xf32, #tpu.memory_space<hbm>> -> memref<16xf32, #tpu.memory_space<hbm>>
      %dma_wait3A_186 = arith.constant 0 : i32
      %dma_wait3A_187 = tpu.memref_slice %arg5[%select_n3A, %select_n3A_30, %dma_wait3A_186] : memref<16x2x16xf32, #tpu.memory_space<hbm>> -> memref<1x1x16xf32, #tpu.memory_space<hbm>>
      %dma_wait3A_188 = tpu.memref_squeeze %dma_wait3A_187 : memref<1x1x16xf32, #tpu.memory_space<hbm>> -> memref<16xf32, #tpu.memory_space<hbm>>
      tpu.wait_dma2 semaphore(%run_scoped3A : memref<!tpu.dma_semaphore, #tpu.memory_space<semaphore_mem>>) src(%arg9 : memref<16xf32, #tpu.memory_space<vmem>>) dst(%dma_wait3A_188 : memref<16xf32, #tpu.memory_space<hbm>>)
      tpu.yield
    }) : () -> ()
    return
  }
}

#map = affine_map<(d0, d1) -> (0, 0, 0)>
#map1 = affine_map<(d0, d1) -> (0, 0)>
module attributes {stable_mosaic.version = 14 : i64} {
  func.func @_sc_body(%arg0: i32, %arg1: i32, %arg2: memref<16x32x1024xf32, #tpu.memory_space<hbm>>, %arg3: memref<16x32x3xf32, #tpu.memory_space<hbm>>, %arg4: memref<3x33xf32, #tpu.memory_space<hbm>>, %arg5: memref<16x2x16xf32, #tpu.memory_space<hbm>>, %arg6: memref<32x1024xf32, #tpu.memory_space<vmem>>, %arg7: memref<32x3xf32, #tpu.memory_space<vmem>>, %arg8: memref<3x33xf32, #tpu.memory_space<vmem>>, %arg9: memref<16xf32, #tpu.memory_space<vmem>>) attributes {dimension_semantics = [#tpu.dimension_semantics<core_parallel>, #tpu.dimension_semantics<subcore_parallel>], iteration_bounds = array<i64: 2, 16>, scalar_prefetch = 0 : i64, scratch_operands = 4 : i64, tpu.core_type = #tpu.core_type<sc_vector_subcore>, window_params = [{transform_indices = #map}, {transform_indices = #map}, {transform_indices = #map1}, {transform_indices = #map}]} {
    %mul3A = arith.constant 2 : i32
    %mul3A_0 = arith.muli %arg1, %mul3A : i32
    %add3A = arith.addi %mul3A_0, %arg0 : i32
    %jit3A = arith.constant 2 : i32
    %div3A = arith.divsi %add3A, %jit3A : i32
    %sign3A = arith.constant 0 : i32
    %sign3A_1 = arith.cmpi sgt, %add3A, %sign3A : i32
    %sign3A_2 = arith.extui %sign3A_1 : i1 to i32
    %sign3A_3 = arith.constant 0 : i32
    %sign3A_4 = arith.cmpi slt, %add3A, %sign3A_3 : i32
    %sign3A_5 = arith.extui %sign3A_4 : i1 to i32
    %sign3A_6 = arith.subi %sign3A_2, %sign3A_5 : i32
    %sign3A_7 = arith.constant 0 : i32
    %sign3A_8 = arith.cmpi sgt, %jit3A, %sign3A_7 : i32
    %sign3A_9 = arith.extui %sign3A_8 : i1 to i32
    %sign3A_10 = arith.constant 0 : i32
    %sign3A_11 = arith.cmpi slt, %jit3A, %sign3A_10 : i32
    %sign3A_12 = arith.extui %sign3A_11 : i1 to i32
    %sign3A_13 = arith.subi %sign3A_9, %sign3A_12 : i32
    %ne3A = arith.cmpi ne, %sign3A_6, %sign3A_13 : i32
    %rem3A = arith.remsi %add3A, %jit3A : i32
    %ne3A_14 = arith.constant 0 : i32
    %ne3A_15 = arith.cmpi ne, %rem3A, %ne3A_14 : i32
    %and3A = arith.andi %ne3A, %ne3A_15 : i1
    %sub3A = arith.constant 1 : i32
    %sub3A_16 = arith.subi %div3A, %sub3A : i32
    %select_n3A = arith.select %and3A, %sub3A_16, %div3A : i32
    %jit3A_17 = arith.constant 2 : i32
    %eq3A = arith.constant 0 : i32
    %eq3A_18 = arith.cmpi eq, %jit3A_17, %eq3A : i32
    %jit3A_19 = arith.constant 1 : i32
    %select_n3A_20 = arith.select %eq3A_18, %jit3A_19, %jit3A_17 : i32
    %rem3A_21 = arith.remsi %add3A, %select_n3A_20 : i32
    %ne3A_22 = arith.constant 0 : i32
    %ne3A_23 = arith.cmpi ne, %rem3A_21, %ne3A_22 : i32
    %lt3A = arith.constant 0 : i32
    %lt3A_24 = arith.cmpi slt, %rem3A_21, %lt3A : i32
    %lt3A_25 = arith.constant 0 : i32
    %lt3A_26 = arith.cmpi slt, %select_n3A_20, %lt3A_25 : i32
    %ne3A_27 = arith.xori %lt3A_24, %lt3A_26 : i1
    %and3A_28 = arith.andi %ne3A_27, %ne3A_23 : i1
    %add3A_29 = arith.addi %rem3A_21, %select_n3A_20 : i32
    %select_n3A_30 = arith.select %and3A_28, %add3A_29, %rem3A_21 : i32
    "tpu.region"() ({
      %run_scoped3A = tpu.sem_alloc : memref<!tpu.dma_semaphore, #tpu.memory_space<semaphore_mem>>
      %dma_start3A = arith.constant 0 : i32
      %dma_start3A_179 = arith.constant 0 : i32
      %dma_start3A_180 = tpu.memref_slice %arg2[%select_n3A, %dma_start3A, %dma_start3A_179] : memref<16x32x1024xf32, #tpu.memory_space<hbm>> -> memref<1x32x1024xf32, #tpu.memory_space<hbm>>
      %dma_start3A_181 = tpu.memref_squeeze %dma_start3A_180 : memref<1x32x1024xf32, #tpu.memory_space<hbm>> -> memref<32x1024xf32, #tpu.memory_space<hbm>>
      %dma_start3A_182 = arith.constant 0 : i32
      %dma_start3A_183 = arith.constant 0 : i32
      %dma_start3A_184 = tpu.memref_slice %arg2[%select_n3A, %dma_start3A_182, %dma_start3A_183] : memref<16x32x1024xf32, #tpu.memory_space<hbm>> -> memref<1x32x1024xf32, #tpu.memory_space<hbm>>
      %dma_start3A_185 = tpu.memref_squeeze %dma_start3A_184 : memref<1x32x1024xf32, #tpu.memory_space<hbm>> -> memref<32x1024xf32, #tpu.memory_space<hbm>>
      tpu.enqueue_dma source(%dma_start3A_185 : memref<32x1024xf32, #tpu.memory_space<hbm>>) target(%arg6 : memref<32x1024xf32, #tpu.memory_space<vmem>>) target_semaphore(%run_scoped3A : memref<!tpu.dma_semaphore, #tpu.memory_space<semaphore_mem>>)
      %dma_wait3A = arith.constant 0 : i32
      %dma_wait3A_186 = arith.constant 0 : i32
      %dma_wait3A_187 = tpu.memref_slice %arg2[%select_n3A, %dma_wait3A, %dma_wait3A_186] : memref<16x32x1024xf32, #tpu.memory_space<hbm>> -> memref<1x32x1024xf32, #tpu.memory_space<hbm>>
      %dma_wait3A_188 = tpu.memref_squeeze %dma_wait3A_187 : memref<1x32x1024xf32, #tpu.memory_space<hbm>> -> memref<32x1024xf32, #tpu.memory_space<hbm>>
      %dma_wait3A_189 = arith.constant 0 : i32
      %dma_wait3A_190 = arith.constant 0 : i32
      %dma_wait3A_191 = tpu.memref_slice %arg2[%select_n3A, %dma_wait3A_189, %dma_wait3A_190] : memref<16x32x1024xf32, #tpu.memory_space<hbm>> -> memref<1x32x1024xf32, #tpu.memory_space<hbm>>
      %dma_wait3A_192 = tpu.memref_squeeze %dma_wait3A_191 : memref<1x32x1024xf32, #tpu.memory_space<hbm>> -> memref<32x1024xf32, #tpu.memory_space<hbm>>
      tpu.wait_dma2 semaphore(%run_scoped3A : memref<!tpu.dma_semaphore, #tpu.memory_space<semaphore_mem>>) src(%dma_wait3A_192 : memref<32x1024xf32, #tpu.memory_space<hbm>>) dst(%arg6 : memref<32x1024xf32, #tpu.memory_space<vmem>>)
      tpu.yield
    }) : () -> ()
    "tpu.region"() ({
      %run_scoped3A = tpu.sem_alloc : memref<!tpu.dma_semaphore, #tpu.memory_space<semaphore_mem>>
      %dma_start3A = arith.constant 0 : i32
      %dma_start3A_179 = arith.constant 0 : i32
      %dma_start3A_180 = tpu.memref_slice %arg3[%select_n3A, %dma_start3A, %dma_start3A_179] : memref<16x32x3xf32, #tpu.memory_space<hbm>> -> memref<1x32x3xf32, #tpu.memory_space<hbm>>
      %dma_start3A_181 = tpu.memref_squeeze %dma_start3A_180 : memref<1x32x3xf32, #tpu.memory_space<hbm>> -> memref<32x3xf32, #tpu.memory_space<hbm>>
      %dma_start3A_182 = arith.constant 0 : i32
      %dma_start3A_183 = arith.constant 0 : i32
      %dma_start3A_184 = tpu.memref_slice %arg3[%select_n3A, %dma_start3A_182, %dma_start3A_183] : memref<16x32x3xf32, #tpu.memory_space<hbm>> -> memref<1x32x3xf32, #tpu.memory_space<hbm>>
      %dma_start3A_185 = tpu.memref_squeeze %dma_start3A_184 : memref<1x32x3xf32, #tpu.memory_space<hbm>> -> memref<32x3xf32, #tpu.memory_space<hbm>>
      tpu.enqueue_dma source(%dma_start3A_185 : memref<32x3xf32, #tpu.memory_space<hbm>>) target(%arg7 : memref<32x3xf32, #tpu.memory_space<vmem>>) target_semaphore(%run_scoped3A : memref<!tpu.dma_semaphore, #tpu.memory_space<semaphore_mem>>)
      %dma_wait3A = arith.constant 0 : i32
      %dma_wait3A_186 = arith.constant 0 : i32
      %dma_wait3A_187 = tpu.memref_slice %arg3[%select_n3A, %dma_wait3A, %dma_wait3A_186] : memref<16x32x3xf32, #tpu.memory_space<hbm>> -> memref<1x32x3xf32, #tpu.memory_space<hbm>>
      %dma_wait3A_188 = tpu.memref_squeeze %dma_wait3A_187 : memref<1x32x3xf32, #tpu.memory_space<hbm>> -> memref<32x3xf32, #tpu.memory_space<hbm>>
      %dma_wait3A_189 = arith.constant 0 : i32
      %dma_wait3A_190 = arith.constant 0 : i32
      %dma_wait3A_191 = tpu.memref_slice %arg3[%select_n3A, %dma_wait3A_189, %dma_wait3A_190] : memref<16x32x3xf32, #tpu.memory_space<hbm>> -> memref<1x32x3xf32, #tpu.memory_space<hbm>>
      %dma_wait3A_192 = tpu.memref_squeeze %dma_wait3A_191 : memref<1x32x3xf32, #tpu.memory_space<hbm>> -> memref<32x3xf32, #tpu.memory_space<hbm>>
      tpu.wait_dma2 semaphore(%run_scoped3A : memref<!tpu.dma_semaphore, #tpu.memory_space<semaphore_mem>>) src(%dma_wait3A_192 : memref<32x3xf32, #tpu.memory_space<hbm>>) dst(%arg7 : memref<32x3xf32, #tpu.memory_space<vmem>>)
      tpu.yield
    }) : () -> ()
    "tpu.region"() ({
      %run_scoped3A = tpu.sem_alloc : memref<!tpu.dma_semaphore, #tpu.memory_space<semaphore_mem>>
      tpu.enqueue_dma source(%arg4 : memref<3x33xf32, #tpu.memory_space<hbm>>) target(%arg8 : memref<3x33xf32, #tpu.memory_space<vmem>>) target_semaphore(%run_scoped3A : memref<!tpu.dma_semaphore, #tpu.memory_space<semaphore_mem>>)
      tpu.wait_dma2 semaphore(%run_scoped3A : memref<!tpu.dma_semaphore, #tpu.memory_space<semaphore_mem>>) src(%arg4 : memref<3x33xf32, #tpu.memory_space<hbm>>) dst(%arg8 : memref<3x33xf32, #tpu.memory_space<vmem>>)
      tpu.yield
    }) : () -> ()
    %iota3A = tpu.iota {dimensions = array<i32: 0>} : vector<16xi32>
    %mul3A_31 = arith.constant 16 : i32
    %mul3A_32 = arith.muli %mul3A_31, %select_n3A_30 : i32
    %add3A_33 = vector.broadcast %mul3A_32 : i32 to vector<16xi32>
    %add3A_34 = arith.addi %iota3A, %add3A_33 : vector<16xi32>
    %broadcast_in_dim3A = arith.constant 0 : i32
    %broadcast_in_dim3A_35 = vector.broadcast %broadcast_in_dim3A : i32 to vector<16xi32>
    %gather3A = tpu.vector_load_idx %arg7[%add3A_34, %broadcast_in_dim3A_35] : memref<32x3xf32, #tpu.memory_space<vmem>>[vector<16xi32>, vector<16xi32>], vector<16xf32>,
    %broadcast_in_dim3A_36 = arith.constant 0 : i32
    %broadcast_in_dim3A_37 = vector.broadcast %broadcast_in_dim3A_36 : i32 to vector<16xi32>
    %add3A_38 = arith.constant 1 : i32
    %add3A_39 = vector.broadcast %add3A_38 : i32 to vector<16xi32>
    %add3A_40 = arith.addi %broadcast_in_dim3A_37, %add3A_39 : vector<16xi32>
    %gather3A_41 = tpu.vector_load_idx %arg7[%add3A_34, %add3A_40] : memref<32x3xf32, #tpu.memory_space<vmem>>[vector<16xi32>, vector<16xi32>], vector<16xf32>,
    %broadcast_in_dim3A_42 = arith.constant 0 : i32
    %broadcast_in_dim3A_43 = vector.broadcast %broadcast_in_dim3A_42 : i32 to vector<16xi32>
    %add3A_44 = arith.constant 2 : i32
    %add3A_45 = vector.broadcast %add3A_44 : i32 to vector<16xi32>
    %add3A_46 = arith.addi %broadcast_in_dim3A_43, %add3A_45 : vector<16xi32>
    %gather3A_47 = tpu.vector_load_idx %arg7[%add3A_34, %add3A_46] : memref<32x3xf32, #tpu.memory_space<vmem>>[vector<16xi32>, vector<16xi32>], vector<16xf32>,
    %broadcast_in_dim3A_48 = arith.constant 1 : i32
    %broadcast_in_dim3A_49 = vector.broadcast %broadcast_in_dim3A_48 : i32 to vector<16xi32>
    %gt3A = arith.cmpf ogt, %gather3A_41, %gather3A : vector<16xf32>
    %broadcast_in_dim3A_50 = arith.constant 0 : i32
    %broadcast_in_dim3A_51 = vector.broadcast %broadcast_in_dim3A_50 : i32 to vector<16xi32>
    %select_n3A_52 = arith.select %gt3A, %broadcast_in_dim3A_49, %broadcast_in_dim3A_51 : vector<16xi1>, vector<16xi32>
    %max3A = arith.maximumf %gather3A, %gather3A_41 : vector<16xf32>
    %gt3A_53 = arith.cmpf ogt, %gather3A_47, %max3A : vector<16xf32>
    %add3A_54 = arith.addi %broadcast_in_dim3A_49, %broadcast_in_dim3A_49 : vector<16xi32>
    %select_n3A_55 = arith.select %gt3A_53, %add3A_54, %select_n3A_52 : vector<16xi1>, vector<16xi32>
    %broadcast_in_dim3A_56 = arith.constant 32 : i32
    %broadcast_in_dim3A_57 = vector.broadcast %broadcast_in_dim3A_56 : i32 to vector<16xi32>
    %gather3A_58 = tpu.vector_load_idx %arg8[%select_n3A_55, %broadcast_in_dim3A_57] : memref<3x33xf32, #tpu.memory_space<vmem>>[vector<16xi32>, vector<16xi32>], vector<16xf32>,
    %iota3A_59 = tpu.iota {dimensions = array<i32: 0>} : vector<16xi32>
    %mul3A_60 = arith.constant 16 : i32
    %mul3A_61 = arith.muli %mul3A_60, %select_n3A_30 : i32
    %add3A_62 = vector.broadcast %mul3A_61 : i32 to vector<16xi32>
    %add3A_63 = arith.addi %iota3A_59, %add3A_62 : vector<16xi32>
    %broadcast_in_dim3A_64 = arith.constant 0 : i32
    %broadcast_in_dim3A_65 = vector.broadcast %broadcast_in_dim3A_64 : i32 to vector<16xi32>
    %gather3A_66 = tpu.vector_load_idx %arg8[%select_n3A_55, %broadcast_in_dim3A_65] : memref<3x33xf32, #tpu.memory_space<vmem>>[vector<16xi32>, vector<16xi32>], vector<16xf32>,
    %broadcast_in_dim3A_67 = arith.constant 1 : i32
    %broadcast_in_dim3A_68 = vector.broadcast %broadcast_in_dim3A_67 : i32 to vector<16xi32>
    %gather3A_69 = tpu.vector_load_idx %arg8[%select_n3A_55, %broadcast_in_dim3A_68] : memref<3x33xf32, #tpu.memory_space<vmem>>[vector<16xi32>, vector<16xi32>], vector<16xf32>,
    %broadcast_in_dim3A_70 = arith.constant 2 : i32
    %broadcast_in_dim3A_71 = vector.broadcast %broadcast_in_dim3A_70 : i32 to vector<16xi32>
    %gather3A_72 = tpu.vector_load_idx %arg8[%select_n3A_55, %broadcast_in_dim3A_71] : memref<3x33xf32, #tpu.memory_space<vmem>>[vector<16xi32>, vector<16xi32>], vector<16xf32>,
    %broadcast_in_dim3A_73 = arith.constant 3 : i32
    %broadcast_in_dim3A_74 = vector.broadcast %broadcast_in_dim3A_73 : i32 to vector<16xi32>
    %gather3A_75 = tpu.vector_load_idx %arg8[%select_n3A_55, %broadcast_in_dim3A_74] : memref<3x33xf32, #tpu.memory_space<vmem>>[vector<16xi32>, vector<16xi32>], vector<16xf32>,
    %broadcast_in_dim3A_76 = arith.constant 4 : i32
    %broadcast_in_dim3A_77 = vector.broadcast %broadcast_in_dim3A_76 : i32 to vector<16xi32>
    %gather3A_78 = tpu.vector_load_idx %arg8[%select_n3A_55, %broadcast_in_dim3A_77] : memref<3x33xf32, #tpu.memory_space<vmem>>[vector<16xi32>, vector<16xi32>], vector<16xf32>,
    %broadcast_in_dim3A_79 = arith.constant 5 : i32
    %broadcast_in_dim3A_80 = vector.broadcast %broadcast_in_dim3A_79 : i32 to vector<16xi32>
    %gather3A_81 = tpu.vector_load_idx %arg8[%select_n3A_55, %broadcast_in_dim3A_80] : memref<3x33xf32, #tpu.memory_space<vmem>>[vector<16xi32>, vector<16xi32>], vector<16xf32>,
    %broadcast_in_dim3A_82 = arith.constant 6 : i32
    %broadcast_in_dim3A_83 = vector.broadcast %broadcast_in_dim3A_82 : i32 to vector<16xi32>
    %gather3A_84 = tpu.vector_load_idx %arg8[%select_n3A_55, %broadcast_in_dim3A_83] : memref<3x33xf32, #tpu.memory_space<vmem>>[vector<16xi32>, vector<16xi32>], vector<16xf32>,
    %broadcast_in_dim3A_85 = arith.constant 7 : i32
    %broadcast_in_dim3A_86 = vector.broadcast %broadcast_in_dim3A_85 : i32 to vector<16xi32>
    %gather3A_87 = tpu.vector_load_idx %arg8[%select_n3A_55, %broadcast_in_dim3A_86] : memref<3x33xf32, #tpu.memory_space<vmem>>[vector<16xi32>, vector<16xi32>], vector<16xf32>,
    %broadcast_in_dim3A_88 = arith.constant 8 : i32
    %broadcast_in_dim3A_89 = vector.broadcast %broadcast_in_dim3A_88 : i32 to vector<16xi32>
    %gather3A_90 = tpu.vector_load_idx %arg8[%select_n3A_55, %broadcast_in_dim3A_89] : memref<3x33xf32, #tpu.memory_space<vmem>>[vector<16xi32>, vector<16xi32>], vector<16xf32>,
    %broadcast_in_dim3A_91 = arith.constant 9 : i32
    %broadcast_in_dim3A_92 = vector.broadcast %broadcast_in_dim3A_91 : i32 to vector<16xi32>
    %gather3A_93 = tpu.vector_load_idx %arg8[%select_n3A_55, %broadcast_in_dim3A_92] : memref<3x33xf32, #tpu.memory_space<vmem>>[vector<16xi32>, vector<16xi32>], vector<16xf32>,
    %broadcast_in_dim3A_94 = arith.constant 10 : i32
    %broadcast_in_dim3A_95 = vector.broadcast %broadcast_in_dim3A_94 : i32 to vector<16xi32>
    %gather3A_96 = tpu.vector_load_idx %arg8[%select_n3A_55, %broadcast_in_dim3A_95] : memref<3x33xf32, #tpu.memory_space<vmem>>[vector<16xi32>, vector<16xi32>], vector<16xf32>,
    %broadcast_in_dim3A_97 = arith.constant 11 : i32
    %broadcast_in_dim3A_98 = vector.broadcast %broadcast_in_dim3A_97 : i32 to vector<16xi32>
    %gather3A_99 = tpu.vector_load_idx %arg8[%select_n3A_55, %broadcast_in_dim3A_98] : memref<3x33xf32, #tpu.memory_space<vmem>>[vector<16xi32>, vector<16xi32>], vector<16xf32>,
    %broadcast_in_dim3A_100 = arith.constant 12 : i32
    %broadcast_in_dim3A_101 = vector.broadcast %broadcast_in_dim3A_100 : i32 to vector<16xi32>
    %gather3A_102 = tpu.vector_load_idx %arg8[%select_n3A_55, %broadcast_in_dim3A_101] : memref<3x33xf32, #tpu.memory_space<vmem>>[vector<16xi32>, vector<16xi32>], vector<16xf32>,
    %broadcast_in_dim3A_103 = arith.constant 13 : i32
    %broadcast_in_dim3A_104 = vector.broadcast %broadcast_in_dim3A_103 : i32 to vector<16xi32>
    %gather3A_105 = tpu.vector_load_idx %arg8[%select_n3A_55, %broadcast_in_dim3A_104] : memref<3x33xf32, #tpu.memory_space<vmem>>[vector<16xi32>, vector<16xi32>], vector<16xf32>,
    %broadcast_in_dim3A_106 = arith.constant 14 : i32
    %broadcast_in_dim3A_107 = vector.broadcast %broadcast_in_dim3A_106 : i32 to vector<16xi32>
    %gather3A_108 = tpu.vector_load_idx %arg8[%select_n3A_55, %broadcast_in_dim3A_107] : memref<3x33xf32, #tpu.memory_space<vmem>>[vector<16xi32>, vector<16xi32>], vector<16xf32>,
    %broadcast_in_dim3A_109 = arith.constant 15 : i32
    %broadcast_in_dim3A_110 = vector.broadcast %broadcast_in_dim3A_109 : i32 to vector<16xi32>
    %gather3A_111 = tpu.vector_load_idx %arg8[%select_n3A_55, %broadcast_in_dim3A_110] : memref<3x33xf32, #tpu.memory_space<vmem>>[vector<16xi32>, vector<16xi32>], vector<16xf32>,
    %broadcast_in_dim3A_112 = arith.constant 16 : i32
    %broadcast_in_dim3A_113 = vector.broadcast %broadcast_in_dim3A_112 : i32 to vector<16xi32>
    %gather3A_114 = tpu.vector_load_idx %arg8[%select_n3A_55, %broadcast_in_dim3A_113] : memref<3x33xf32, #tpu.memory_space<vmem>>[vector<16xi32>, vector<16xi32>], vector<16xf32>,
    %broadcast_in_dim3A_115 = arith.constant 17 : i32
    %broadcast_in_dim3A_116 = vector.broadcast %broadcast_in_dim3A_115 : i32 to vector<16xi32>
    %gather3A_117 = tpu.vector_load_idx %arg8[%select_n3A_55, %broadcast_in_dim3A_116] : memref<3x33xf32, #tpu.memory_space<vmem>>[vector<16xi32>, vector<16xi32>], vector<16xf32>,
    %broadcast_in_dim3A_118 = arith.constant 18 : i32
    %broadcast_in_dim3A_119 = vector.broadcast %broadcast_in_dim3A_118 : i32 to vector<16xi32>
    %gather3A_120 = tpu.vector_load_idx %arg8[%select_n3A_55, %broadcast_in_dim3A_119] : memref<3x33xf32, #tpu.memory_space<vmem>>[vector<16xi32>, vector<16xi32>], vector<16xf32>,
    %broadcast_in_dim3A_121 = arith.constant 19 : i32
    %broadcast_in_dim3A_122 = vector.broadcast %broadcast_in_dim3A_121 : i32 to vector<16xi32>
    %gather3A_123 = tpu.vector_load_idx %arg8[%select_n3A_55, %broadcast_in_dim3A_122] : memref<3x33xf32, #tpu.memory_space<vmem>>[vector<16xi32>, vector<16xi32>], vector<16xf32>,
    %broadcast_in_dim3A_124 = arith.constant 20 : i32
    %broadcast_in_dim3A_125 = vector.broadcast %broadcast_in_dim3A_124 : i32 to vector<16xi32>
    %gather3A_126 = tpu.vector_load_idx %arg8[%select_n3A_55, %broadcast_in_dim3A_125] : memref<3x33xf32, #tpu.memory_space<vmem>>[vector<16xi32>, vector<16xi32>], vector<16xf32>,
    %broadcast_in_dim3A_127 = arith.constant 21 : i32
    %broadcast_in_dim3A_128 = vector.broadcast %broadcast_in_dim3A_127 : i32 to vector<16xi32>
    %gather3A_129 = tpu.vector_load_idx %arg8[%select_n3A_55, %broadcast_in_dim3A_128] : memref<3x33xf32, #tpu.memory_space<vmem>>[vector<16xi32>, vector<16xi32>], vector<16xf32>,
    %broadcast_in_dim3A_130 = arith.constant 22 : i32
    %broadcast_in_dim3A_131 = vector.broadcast %broadcast_in_dim3A_130 : i32 to vector<16xi32>
    %gather3A_132 = tpu.vector_load_idx %arg8[%select_n3A_55, %broadcast_in_dim3A_131] : memref<3x33xf32, #tpu.memory_space<vmem>>[vector<16xi32>, vector<16xi32>], vector<16xf32>,
    %broadcast_in_dim3A_133 = arith.constant 23 : i32
    %broadcast_in_dim3A_134 = vector.broadcast %broadcast_in_dim3A_133 : i32 to vector<16xi32>
    %gather3A_135 = tpu.vector_load_idx %arg8[%select_n3A_55, %broadcast_in_dim3A_134] : memref<3x33xf32, #tpu.memory_space<vmem>>[vector<16xi32>, vector<16xi32>], vector<16xf32>,
    %broadcast_in_dim3A_136 = arith.constant 24 : i32
    %broadcast_in_dim3A_137 = vector.broadcast %broadcast_in_dim3A_136 : i32 to vector<16xi32>
    %gather3A_138 = tpu.vector_load_idx %arg8[%select_n3A_55, %broadcast_in_dim3A_137] : memref<3x33xf32, #tpu.memory_space<vmem>>[vector<16xi32>, vector<16xi32>], vector<16xf32>,
    %broadcast_in_dim3A_139 = arith.constant 25 : i32
    %broadcast_in_dim3A_140 = vector.broadcast %broadcast_in_dim3A_139 : i32 to vector<16xi32>
    %gather3A_141 = tpu.vector_load_idx %arg8[%select_n3A_55, %broadcast_in_dim3A_140] : memref<3x33xf32, #tpu.memory_space<vmem>>[vector<16xi32>, vector<16xi32>], vector<16xf32>,
    %broadcast_in_dim3A_142 = arith.constant 26 : i32
    %broadcast_in_dim3A_143 = vector.broadcast %broadcast_in_dim3A_142 : i32 to vector<16xi32>
    %gather3A_144 = tpu.vector_load_idx %arg8[%select_n3A_55, %broadcast_in_dim3A_143] : memref<3x33xf32, #tpu.memory_space<vmem>>[vector<16xi32>, vector<16xi32>], vector<16xf32>,
    %broadcast_in_dim3A_145 = arith.constant 27 : i32
    %broadcast_in_dim3A_146 = vector.broadcast %broadcast_in_dim3A_145 : i32 to vector<16xi32>
    %gather3A_147 = tpu.vector_load_idx %arg8[%select_n3A_55, %broadcast_in_dim3A_146] : memref<3x33xf32, #tpu.memory_space<vmem>>[vector<16xi32>, vector<16xi32>], vector<16xf32>,
    %broadcast_in_dim3A_148 = arith.constant 28 : i32
    %broadcast_in_dim3A_149 = vector.broadcast %broadcast_in_dim3A_148 : i32 to vector<16xi32>
    %gather3A_150 = tpu.vector_load_idx %arg8[%select_n3A_55, %broadcast_in_dim3A_149] : memref<3x33xf32, #tpu.memory_space<vmem>>[vector<16xi32>, vector<16xi32>], vector<16xf32>,
    %broadcast_in_dim3A_151 = arith.constant 29 : i32
    %broadcast_in_dim3A_152 = vector.broadcast %broadcast_in_dim3A_151 : i32 to vector<16xi32>
    %gather3A_153 = tpu.vector_load_idx %arg8[%select_n3A_55, %broadcast_in_dim3A_152] : memref<3x33xf32, #tpu.memory_space<vmem>>[vector<16xi32>, vector<16xi32>], vector<16xf32>,
    %broadcast_in_dim3A_154 = arith.constant 30 : i32
    %broadcast_in_dim3A_155 = vector.broadcast %broadcast_in_dim3A_154 : i32 to vector<16xi32>
    %gather3A_156 = tpu.vector_load_idx %arg8[%select_n3A_55, %broadcast_in_dim3A_155] : memref<3x33xf32, #tpu.memory_space<vmem>>[vector<16xi32>, vector<16xi32>], vector<16xf32>,
    %broadcast_in_dim3A_157 = arith.constant 31 : i32
    %broadcast_in_dim3A_158 = vector.broadcast %broadcast_in_dim3A_157 : i32 to vector<16xi32>
    %gather3A_159 = tpu.vector_load_idx %arg8[%select_n3A_55, %broadcast_in_dim3A_158] : memref<3x33xf32, #tpu.memory_space<vmem>>[vector<16xi32>, vector<16xi32>], vector<16xf32>,
    %broadcast_in_dim3A_160 = arith.constant 0.000000e+00 : f32
    %broadcast_in_dim3A_161 = vector.broadcast %broadcast_in_dim3A_160 : f32 to vector<16xf32>
    %scan3A = arith.constant 0 : i32
    %scan3A_162 = arith.constant 16 : i32
    %scan3A_163 = arith.addi %scan3A, %scan3A_162 : i32
    %scan3A_164 = arith.constant 1 : i32
    %scan3A_165 = scf.for %scan3A_179 = %scan3A to %scan3A_163 step %scan3A_164 iter_args(%scan3A_180 = %broadcast_in_dim3A_161) -> (vector<16xf32>)  : i32 {
      %add3A_181 = arith.constant 0 : i32
      %add3A_182 = arith.addi %scan3A_179, %add3A_181 : i32
      %broadcast_in_dim3A_183 = arith.constant 0.000000e+00 : f32
      %broadcast_in_dim3A_184 = vector.broadcast %broadcast_in_dim3A_183 : f32 to vector<16xf32>
      %broadcast_in_dim3A_185 = arith.constant 0.000000e+00 : f32
      %broadcast_in_dim3A_186 = vector.broadcast %broadcast_in_dim3A_185 : f32 to vector<16xf32>
      %broadcast_in_dim3A_187 = arith.constant 0.000000e+00 : f32
      %broadcast_in_dim3A_188 = vector.broadcast %broadcast_in_dim3A_187 : f32 to vector<16xf32>
      %broadcast_in_dim3A_189 = arith.constant 0.000000e+00 : f32
      %broadcast_in_dim3A_190 = vector.broadcast %broadcast_in_dim3A_189 : f32 to vector<16xf32>
      %mul3A_191 = arith.constant 32 : i32
      %mul3A_192 = arith.muli %add3A_182, %mul3A_191 : i32
      %mul3A_193 = arith.constant 16 : i32
      %mul3A_194 = arith.muli %mul3A_193, %select_n3A_30 : i32
      %add3A_195 = arith.addi %mul3A_192, %mul3A_194 : i32
      %get3A = arith.constant 0 : i32
      %get3A_196 = arith.index_cast %get3A : i32 to index
      %get3A_197 = arith.index_cast %add3A_195 : i32 to index
      %get3A_198 = tpu.vector_load %arg6[%get3A_196, %get3A_197] {strides = array<i32>} : memref<32x1024xf32, #tpu.memory_space<vmem>>, vector<16xf32>,
      %mul3A_199 = arith.mulf %get3A_198, %gather3A_66 : vector<16xf32>
      %add3A_200 = arith.addf %broadcast_in_dim3A_184, %mul3A_199 : vector<16xf32>
      %mul3A_201 = arith.constant 32 : i32
      %mul3A_202 = arith.muli %add3A_182, %mul3A_201 : i32
      %mul3A_203 = arith.constant 16 : i32
      %mul3A_204 = arith.muli %mul3A_203, %select_n3A_30 : i32
      %add3A_205 = arith.addi %mul3A_202, %mul3A_204 : i32
      %get3A_206 = arith.constant 1 : i32
      %get3A_207 = arith.index_cast %get3A_206 : i32 to index
      %get3A_208 = arith.index_cast %add3A_205 : i32 to index
      %get3A_209 = tpu.vector_load %arg6[%get3A_207, %get3A_208] {strides = array<i32>} : memref<32x1024xf32, #tpu.memory_space<vmem>>, vector<16xf32>,
      %mul3A_210 = arith.mulf %get3A_209, %gather3A_69 : vector<16xf32>
      %add3A_211 = arith.addf %broadcast_in_dim3A_186, %mul3A_210 : vector<16xf32>
      %mul3A_212 = arith.constant 32 : i32
      %mul3A_213 = arith.muli %add3A_182, %mul3A_212 : i32
      %mul3A_214 = arith.constant 16 : i32
      %mul3A_215 = arith.muli %mul3A_214, %select_n3A_30 : i32
      %add3A_216 = arith.addi %mul3A_213, %mul3A_215 : i32
      %get3A_217 = arith.constant 2 : i32
      %get3A_218 = arith.index_cast %get3A_217 : i32 to index
      %get3A_219 = arith.index_cast %add3A_216 : i32 to index
      %get3A_220 = tpu.vector_load %arg6[%get3A_218, %get3A_219] {strides = array<i32>} : memref<32x1024xf32, #tpu.memory_space<vmem>>, vector<16xf32>,
      %mul3A_221 = arith.mulf %get3A_220, %gather3A_72 : vector<16xf32>
      %add3A_222 = arith.addf %broadcast_in_dim3A_188, %mul3A_221 : vector<16xf32>
      %mul3A_223 = arith.constant 32 : i32
      %mul3A_224 = arith.muli %add3A_182, %mul3A_223 : i32
      %mul3A_225 = arith.constant 16 : i32
      %mul3A_226 = arith.muli %mul3A_225, %select_n3A_30 : i32
      %add3A_227 = arith.addi %mul3A_224, %mul3A_226 : i32
      %get3A_228 = arith.constant 3 : i32
      %get3A_229 = arith.index_cast %get3A_228 : i32 to index
      %get3A_230 = arith.index_cast %add3A_227 : i32 to index
      %get3A_231 = tpu.vector_load %arg6[%get3A_229, %get3A_230] {strides = array<i32>} : memref<32x1024xf32, #tpu.memory_space<vmem>>, vector<16xf32>,
      %mul3A_232 = arith.mulf %get3A_231, %gather3A_75 : vector<16xf32>
      %add3A_233 = arith.addf %broadcast_in_dim3A_190, %mul3A_232 : vector<16xf32>
      %mul3A_234 = arith.constant 32 : i32
      %mul3A_235 = arith.muli %add3A_182, %mul3A_234 : i32
      %mul3A_236 = arith.constant 16 : i32
      %mul3A_237 = arith.muli %mul3A_236, %select_n3A_30 : i32
      %add3A_238 = arith.addi %mul3A_235, %mul3A_237 : i32
      %get3A_239 = arith.constant 4 : i32
      %get3A_240 = arith.index_cast %get3A_239 : i32 to index
      %get3A_241 = arith.index_cast %add3A_238 : i32 to index
      %get3A_242 = tpu.vector_load %arg6[%get3A_240, %get3A_241] {strides = array<i32>} : memref<32x1024xf32, #tpu.memory_space<vmem>>, vector<16xf32>,
      %mul3A_243 = arith.mulf %get3A_242, %gather3A_78 : vector<16xf32>
      %add3A_244 = arith.addf %add3A_200, %mul3A_243 : vector<16xf32>
      %mul3A_245 = arith.constant 32 : i32
      %mul3A_246 = arith.muli %add3A_182, %mul3A_245 : i32
      %mul3A_247 = arith.constant 16 : i32
      %mul3A_248 = arith.muli %mul3A_247, %select_n3A_30 : i32
      %add3A_249 = arith.addi %mul3A_246, %mul3A_248 : i32
      %get3A_250 = arith.constant 5 : i32
      %get3A_251 = arith.index_cast %get3A_250 : i32 to index
      %get3A_252 = arith.index_cast %add3A_249 : i32 to index
      %get3A_253 = tpu.vector_load %arg6[%get3A_251, %get3A_252] {strides = array<i32>} : memref<32x1024xf32, #tpu.memory_space<vmem>>, vector<16xf32>,
      %mul3A_254 = arith.mulf %get3A_253, %gather3A_81 : vector<16xf32>
      %add3A_255 = arith.addf %add3A_211, %mul3A_254 : vector<16xf32>
      %mul3A_256 = arith.constant 32 : i32
      %mul3A_257 = arith.muli %add3A_182, %mul3A_256 : i32
      %mul3A_258 = arith.constant 16 : i32
      %mul3A_259 = arith.muli %mul3A_258, %select_n3A_30 : i32
      %add3A_260 = arith.addi %mul3A_257, %mul3A_259 : i32
      %get3A_261 = arith.constant 6 : i32
      %get3A_262 = arith.index_cast %get3A_261 : i32 to index
      %get3A_263 = arith.index_cast %add3A_260 : i32 to index
      %get3A_264 = tpu.vector_load %arg6[%get3A_262, %get3A_263] {strides = array<i32>} : memref<32x1024xf32, #tpu.memory_space<vmem>>, vector<16xf32>,
      %mul3A_265 = arith.mulf %get3A_264, %gather3A_84 : vector<16xf32>
      %add3A_266 = arith.addf %add3A_222, %mul3A_265 : vector<16xf32>
      %mul3A_267 = arith.constant 32 : i32
      %mul3A_268 = arith.muli %add3A_182, %mul3A_267 : i32
      %mul3A_269 = arith.constant 16 : i32
      %mul3A_270 = arith.muli %mul3A_269, %select_n3A_30 : i32
      %add3A_271 = arith.addi %mul3A_268, %mul3A_270 : i32
      %get3A_272 = arith.constant 7 : i32
      %get3A_273 = arith.index_cast %get3A_272 : i32 to index
      %get3A_274 = arith.index_cast %add3A_271 : i32 to index
      %get3A_275 = tpu.vector_load %arg6[%get3A_273, %get3A_274] {strides = array<i32>} : memref<32x1024xf32, #tpu.memory_space<vmem>>, vector<16xf32>,
      %mul3A_276 = arith.mulf %get3A_275, %gather3A_87 : vector<16xf32>
      %add3A_277 = arith.addf %add3A_233, %mul3A_276 : vector<16xf32>
      %mul3A_278 = arith.constant 32 : i32
      %mul3A_279 = arith.muli %add3A_182, %mul3A_278 : i32
      %mul3A_280 = arith.constant 16 : i32
      %mul3A_281 = arith.muli %mul3A_280, %select_n3A_30 : i32
      %add3A_282 = arith.addi %mul3A_279, %mul3A_281 : i32
      %get3A_283 = arith.constant 8 : i32
      %get3A_284 = arith.index_cast %get3A_283 : i32 to index
      %get3A_285 = arith.index_cast %add3A_282 : i32 to index
      %get3A_286 = tpu.vector_load %arg6[%get3A_284, %get3A_285] {strides = array<i32>} : memref<32x1024xf32, #tpu.memory_space<vmem>>, vector<16xf32>,
      %mul3A_287 = arith.mulf %get3A_286, %gather3A_90 : vector<16xf32>
      %add3A_288 = arith.addf %add3A_244, %mul3A_287 : vector<16xf32>
      %mul3A_289 = arith.constant 32 : i32
      %mul3A_290 = arith.muli %add3A_182, %mul3A_289 : i32
      %mul3A_291 = arith.constant 16 : i32
      %mul3A_292 = arith.muli %mul3A_291, %select_n3A_30 : i32
      %add3A_293 = arith.addi %mul3A_290, %mul3A_292 : i32
      %get3A_294 = arith.constant 9 : i32
      %get3A_295 = arith.index_cast %get3A_294 : i32 to index
      %get3A_296 = arith.index_cast %add3A_293 : i32 to index
      %get3A_297 = tpu.vector_load %arg6[%get3A_295, %get3A_296] {strides = array<i32>} : memref<32x1024xf32, #tpu.memory_space<vmem>>, vector<16xf32>,
      %mul3A_298 = arith.mulf %get3A_297, %gather3A_93 : vector<16xf32>
      %add3A_299 = arith.addf %add3A_255, %mul3A_298 : vector<16xf32>
      %mul3A_300 = arith.constant 32 : i32
      %mul3A_301 = arith.muli %add3A_182, %mul3A_300 : i32
      %mul3A_302 = arith.constant 16 : i32
      %mul3A_303 = arith.muli %mul3A_302, %select_n3A_30 : i32
      %add3A_304 = arith.addi %mul3A_301, %mul3A_303 : i32
      %get3A_305 = arith.constant 10 : i32
      %get3A_306 = arith.index_cast %get3A_305 : i32 to index
      %get3A_307 = arith.index_cast %add3A_304 : i32 to index
      %get3A_308 = tpu.vector_load %arg6[%get3A_306, %get3A_307] {strides = array<i32>} : memref<32x1024xf32, #tpu.memory_space<vmem>>, vector<16xf32>,
      %mul3A_309 = arith.mulf %get3A_308, %gather3A_96 : vector<16xf32>
      %add3A_310 = arith.addf %add3A_266, %mul3A_309 : vector<16xf32>
      %mul3A_311 = arith.constant 32 : i32
      %mul3A_312 = arith.muli %add3A_182, %mul3A_311 : i32
      %mul3A_313 = arith.constant 16 : i32
      %mul3A_314 = arith.muli %mul3A_313, %select_n3A_30 : i32
      %add3A_315 = arith.addi %mul3A_312, %mul3A_314 : i32
      %get3A_316 = arith.constant 11 : i32
      %get3A_317 = arith.index_cast %get3A_316 : i32 to index
      %get3A_318 = arith.index_cast %add3A_315 : i32 to index
      %get3A_319 = tpu.vector_load %arg6[%get3A_317, %get3A_318] {strides = array<i32>} : memref<32x1024xf32, #tpu.memory_space<vmem>>, vector<16xf32>,
      %mul3A_320 = arith.mulf %get3A_319, %gather3A_99 : vector<16xf32>
      %add3A_321 = arith.addf %add3A_277, %mul3A_320 : vector<16xf32>
      %mul3A_322 = arith.constant 32 : i32
      %mul3A_323 = arith.muli %add3A_182, %mul3A_322 : i32
      %mul3A_324 = arith.constant 16 : i32
      %mul3A_325 = arith.muli %mul3A_324, %select_n3A_30 : i32
      %add3A_326 = arith.addi %mul3A_323, %mul3A_325 : i32
      %get3A_327 = arith.constant 12 : i32
      %get3A_328 = arith.index_cast %get3A_327 : i32 to index
      %get3A_329 = arith.index_cast %add3A_326 : i32 to index
      %get3A_330 = tpu.vector_load %arg6[%get3A_328, %get3A_329] {strides = array<i32>} : memref<32x1024xf32, #tpu.memory_space<vmem>>, vector<16xf32>,
      %mul3A_331 = arith.mulf %get3A_330, %gather3A_102 : vector<16xf32>
      %add3A_332 = arith.addf %add3A_288, %mul3A_331 : vector<16xf32>
      %mul3A_333 = arith.constant 32 : i32
      %mul3A_334 = arith.muli %add3A_182, %mul3A_333 : i32
      %mul3A_335 = arith.constant 16 : i32
      %mul3A_336 = arith.muli %mul3A_335, %select_n3A_30 : i32
      %add3A_337 = arith.addi %mul3A_334, %mul3A_336 : i32
      %get3A_338 = arith.constant 13 : i32
      %get3A_339 = arith.index_cast %get3A_338 : i32 to index
      %get3A_340 = arith.index_cast %add3A_337 : i32 to index
      %get3A_341 = tpu.vector_load %arg6[%get3A_339, %get3A_340] {strides = array<i32>} : memref<32x1024xf32, #tpu.memory_space<vmem>>, vector<16xf32>,
      %mul3A_342 = arith.mulf %get3A_341, %gather3A_105 : vector<16xf32>
      %add3A_343 = arith.addf %add3A_299, %mul3A_342 : vector<16xf32>
      %mul3A_344 = arith.constant 32 : i32
      %mul3A_345 = arith.muli %add3A_182, %mul3A_344 : i32
      %mul3A_346 = arith.constant 16 : i32
      %mul3A_347 = arith.muli %mul3A_346, %select_n3A_30 : i32
      %add3A_348 = arith.addi %mul3A_345, %mul3A_347 : i32
      %get3A_349 = arith.constant 14 : i32
      %get3A_350 = arith.index_cast %get3A_349 : i32 to index
      %get3A_351 = arith.index_cast %add3A_348 : i32 to index
      %get3A_352 = tpu.vector_load %arg6[%get3A_350, %get3A_351] {strides = array<i32>} : memref<32x1024xf32, #tpu.memory_space<vmem>>, vector<16xf32>,
      %mul3A_353 = arith.mulf %get3A_352, %gather3A_108 : vector<16xf32>
      %add3A_354 = arith.addf %add3A_310, %mul3A_353 : vector<16xf32>
      %mul3A_355 = arith.constant 32 : i32
      %mul3A_356 = arith.muli %add3A_182, %mul3A_355 : i32
      %mul3A_357 = arith.constant 16 : i32
      %mul3A_358 = arith.muli %mul3A_357, %select_n3A_30 : i32
      %add3A_359 = arith.addi %mul3A_356, %mul3A_358 : i32
      %get3A_360 = arith.constant 15 : i32
      %get3A_361 = arith.index_cast %get3A_360 : i32 to index
      %get3A_362 = arith.index_cast %add3A_359 : i32 to index
      %get3A_363 = tpu.vector_load %arg6[%get3A_361, %get3A_362] {strides = array<i32>} : memref<32x1024xf32, #tpu.memory_space<vmem>>, vector<16xf32>,
      %mul3A_364 = arith.mulf %get3A_363, %gather3A_111 : vector<16xf32>
      %add3A_365 = arith.addf %add3A_321, %mul3A_364 : vector<16xf32>
      %mul3A_366 = arith.constant 32 : i32
      %mul3A_367 = arith.muli %add3A_182, %mul3A_366 : i32
      %mul3A_368 = arith.constant 16 : i32
      %mul3A_369 = arith.muli %mul3A_368, %select_n3A_30 : i32
      %add3A_370 = arith.addi %mul3A_367, %mul3A_369 : i32
      %get3A_371 = arith.constant 16 : i32
      %get3A_372 = arith.index_cast %get3A_371 : i32 to index
      %get3A_373 = arith.index_cast %add3A_370 : i32 to index
      %get3A_374 = tpu.vector_load %arg6[%get3A_372, %get3A_373] {strides = array<i32>} : memref<32x1024xf32, #tpu.memory_space<vmem>>, vector<16xf32>,
      %mul3A_375 = arith.mulf %get3A_374, %gather3A_114 : vector<16xf32>
      %add3A_376 = arith.addf %add3A_332, %mul3A_375 : vector<16xf32>
      %mul3A_377 = arith.constant 32 : i32
      %mul3A_378 = arith.muli %add3A_182, %mul3A_377 : i32
      %mul3A_379 = arith.constant 16 : i32
      %mul3A_380 = arith.muli %mul3A_379, %select_n3A_30 : i32
      %add3A_381 = arith.addi %mul3A_378, %mul3A_380 : i32
      %get3A_382 = arith.constant 17 : i32
      %get3A_383 = arith.index_cast %get3A_382 : i32 to index
      %get3A_384 = arith.index_cast %add3A_381 : i32 to index
      %get3A_385 = tpu.vector_load %arg6[%get3A_383, %get3A_384] {strides = array<i32>} : memref<32x1024xf32, #tpu.memory_space<vmem>>, vector<16xf32>,
      %mul3A_386 = arith.mulf %get3A_385, %gather3A_117 : vector<16xf32>
      %add3A_387 = arith.addf %add3A_343, %mul3A_386 : vector<16xf32>
      %mul3A_388 = arith.constant 32 : i32
      %mul3A_389 = arith.muli %add3A_182, %mul3A_388 : i32
      %mul3A_390 = arith.constant 16 : i32
      %mul3A_391 = arith.muli %mul3A_390, %select_n3A_30 : i32
      %add3A_392 = arith.addi %mul3A_389, %mul3A_391 : i32
      %get3A_393 = arith.constant 18 : i32
      %get3A_394 = arith.index_cast %get3A_393 : i32 to index
      %get3A_395 = arith.index_cast %add3A_392 : i32 to index
      %get3A_396 = tpu.vector_load %arg6[%get3A_394, %get3A_395] {strides = array<i32>} : memref<32x1024xf32, #tpu.memory_space<vmem>>, vector<16xf32>,
      %mul3A_397 = arith.mulf %get3A_396, %gather3A_120 : vector<16xf32>
      %add3A_398 = arith.addf %add3A_354, %mul3A_397 : vector<16xf32>
      %mul3A_399 = arith.constant 32 : i32
      %mul3A_400 = arith.muli %add3A_182, %mul3A_399 : i32
      %mul3A_401 = arith.constant 16 : i32
      %mul3A_402 = arith.muli %mul3A_401, %select_n3A_30 : i32
      %add3A_403 = arith.addi %mul3A_400, %mul3A_402 : i32
      %get3A_404 = arith.constant 19 : i32
      %get3A_405 = arith.index_cast %get3A_404 : i32 to index
      %get3A_406 = arith.index_cast %add3A_403 : i32 to index
      %get3A_407 = tpu.vector_load %arg6[%get3A_405, %get3A_406] {strides = array<i32>} : memref<32x1024xf32, #tpu.memory_space<vmem>>, vector<16xf32>,
      %mul3A_408 = arith.mulf %get3A_407, %gather3A_123 : vector<16xf32>
      %add3A_409 = arith.addf %add3A_365, %mul3A_408 : vector<16xf32>
      %mul3A_410 = arith.constant 32 : i32
      %mul3A_411 = arith.muli %add3A_182, %mul3A_410 : i32
      %mul3A_412 = arith.constant 16 : i32
      %mul3A_413 = arith.muli %mul3A_412, %select_n3A_30 : i32
      %add3A_414 = arith.addi %mul3A_411, %mul3A_413 : i32
      %get3A_415 = arith.constant 20 : i32
      %get3A_416 = arith.index_cast %get3A_415 : i32 to index
      %get3A_417 = arith.index_cast %add3A_414 : i32 to index
      %get3A_418 = tpu.vector_load %arg6[%get3A_416, %get3A_417] {strides = array<i32>} : memref<32x1024xf32, #tpu.memory_space<vmem>>, vector<16xf32>,
      %mul3A_419 = arith.mulf %get3A_418, %gather3A_126 : vector<16xf32>
      %add3A_420 = arith.addf %add3A_376, %mul3A_419 : vector<16xf32>
      %mul3A_421 = arith.constant 32 : i32
      %mul3A_422 = arith.muli %add3A_182, %mul3A_421 : i32
      %mul3A_423 = arith.constant 16 : i32
      %mul3A_424 = arith.muli %mul3A_423, %select_n3A_30 : i32
      %add3A_425 = arith.addi %mul3A_422, %mul3A_424 : i32
      %get3A_426 = arith.constant 21 : i32
      %get3A_427 = arith.index_cast %get3A_426 : i32 to index
      %get3A_428 = arith.index_cast %add3A_425 : i32 to index
      %get3A_429 = tpu.vector_load %arg6[%get3A_427, %get3A_428] {strides = array<i32>} : memref<32x1024xf32, #tpu.memory_space<vmem>>, vector<16xf32>,
      %mul3A_430 = arith.mulf %get3A_429, %gather3A_129 : vector<16xf32>
      %add3A_431 = arith.addf %add3A_387, %mul3A_430 : vector<16xf32>
      %mul3A_432 = arith.constant 32 : i32
      %mul3A_433 = arith.muli %add3A_182, %mul3A_432 : i32
      %mul3A_434 = arith.constant 16 : i32
      %mul3A_435 = arith.muli %mul3A_434, %select_n3A_30 : i32
      %add3A_436 = arith.addi %mul3A_433, %mul3A_435 : i32
      %get3A_437 = arith.constant 22 : i32
      %get3A_438 = arith.index_cast %get3A_437 : i32 to index
      %get3A_439 = arith.index_cast %add3A_436 : i32 to index
      %get3A_440 = tpu.vector_load %arg6[%get3A_438, %get3A_439] {strides = array<i32>} : memref<32x1024xf32, #tpu.memory_space<vmem>>, vector<16xf32>,
      %mul3A_441 = arith.mulf %get3A_440, %gather3A_132 : vector<16xf32>
      %add3A_442 = arith.addf %add3A_398, %mul3A_441 : vector<16xf32>
      %mul3A_443 = arith.constant 32 : i32
      %mul3A_444 = arith.muli %add3A_182, %mul3A_443 : i32
      %mul3A_445 = arith.constant 16 : i32
      %mul3A_446 = arith.muli %mul3A_445, %select_n3A_30 : i32
      %add3A_447 = arith.addi %mul3A_444, %mul3A_446 : i32
      %get3A_448 = arith.constant 23 : i32
      %get3A_449 = arith.index_cast %get3A_448 : i32 to index
      %get3A_450 = arith.index_cast %add3A_447 : i32 to index
      %get3A_451 = tpu.vector_load %arg6[%get3A_449, %get3A_450] {strides = array<i32>} : memref<32x1024xf32, #tpu.memory_space<vmem>>, vector<16xf32>,
      %mul3A_452 = arith.mulf %get3A_451, %gather3A_135 : vector<16xf32>
      %add3A_453 = arith.addf %add3A_409, %mul3A_452 : vector<16xf32>
      %mul3A_454 = arith.constant 32 : i32
      %mul3A_455 = arith.muli %add3A_182, %mul3A_454 : i32
      %mul3A_456 = arith.constant 16 : i32
      %mul3A_457 = arith.muli %mul3A_456, %select_n3A_30 : i32
      %add3A_458 = arith.addi %mul3A_455, %mul3A_457 : i32
      %get3A_459 = arith.constant 24 : i32
      %get3A_460 = arith.index_cast %get3A_459 : i32 to index
      %get3A_461 = arith.index_cast %add3A_458 : i32 to index
      %get3A_462 = tpu.vector_load %arg6[%get3A_460, %get3A_461] {strides = array<i32>} : memref<32x1024xf32, #tpu.memory_space<vmem>>, vector<16xf32>,
      %mul3A_463 = arith.mulf %get3A_462, %gather3A_138 : vector<16xf32>
      %add3A_464 = arith.addf %add3A_420, %mul3A_463 : vector<16xf32>
      %mul3A_465 = arith.constant 32 : i32
      %mul3A_466 = arith.muli %add3A_182, %mul3A_465 : i32
      %mul3A_467 = arith.constant 16 : i32
      %mul3A_468 = arith.muli %mul3A_467, %select_n3A_30 : i32
      %add3A_469 = arith.addi %mul3A_466, %mul3A_468 : i32
      %get3A_470 = arith.constant 25 : i32
      %get3A_471 = arith.index_cast %get3A_470 : i32 to index
      %get3A_472 = arith.index_cast %add3A_469 : i32 to index
      %get3A_473 = tpu.vector_load %arg6[%get3A_471, %get3A_472] {strides = array<i32>} : memref<32x1024xf32, #tpu.memory_space<vmem>>, vector<16xf32>,
      %mul3A_474 = arith.mulf %get3A_473, %gather3A_141 : vector<16xf32>
      %add3A_475 = arith.addf %add3A_431, %mul3A_474 : vector<16xf32>
      %mul3A_476 = arith.constant 32 : i32
      %mul3A_477 = arith.muli %add3A_182, %mul3A_476 : i32
      %mul3A_478 = arith.constant 16 : i32
      %mul3A_479 = arith.muli %mul3A_478, %select_n3A_30 : i32
      %add3A_480 = arith.addi %mul3A_477, %mul3A_479 : i32
      %get3A_481 = arith.constant 26 : i32
      %get3A_482 = arith.index_cast %get3A_481 : i32 to index
      %get3A_483 = arith.index_cast %add3A_480 : i32 to index
      %get3A_484 = tpu.vector_load %arg6[%get3A_482, %get3A_483] {strides = array<i32>} : memref<32x1024xf32, #tpu.memory_space<vmem>>, vector<16xf32>,
      %mul3A_485 = arith.mulf %get3A_484, %gather3A_144 : vector<16xf32>
      %add3A_486 = arith.addf %add3A_442, %mul3A_485 : vector<16xf32>
      %mul3A_487 = arith.constant 32 : i32
      %mul3A_488 = arith.muli %add3A_182, %mul3A_487 : i32
      %mul3A_489 = arith.constant 16 : i32
      %mul3A_490 = arith.muli %mul3A_489, %select_n3A_30 : i32
      %add3A_491 = arith.addi %mul3A_488, %mul3A_490 : i32
      %get3A_492 = arith.constant 27 : i32
      %get3A_493 = arith.index_cast %get3A_492 : i32 to index
      %get3A_494 = arith.index_cast %add3A_491 : i32 to index
      %get3A_495 = tpu.vector_load %arg6[%get3A_493, %get3A_494] {strides = array<i32>} : memref<32x1024xf32, #tpu.memory_space<vmem>>, vector<16xf32>,
      %mul3A_496 = arith.mulf %get3A_495, %gather3A_147 : vector<16xf32>
      %add3A_497 = arith.addf %add3A_453, %mul3A_496 : vector<16xf32>
      %mul3A_498 = arith.constant 32 : i32
      %mul3A_499 = arith.muli %add3A_182, %mul3A_498 : i32
      %mul3A_500 = arith.constant 16 : i32
      %mul3A_501 = arith.muli %mul3A_500, %select_n3A_30 : i32
      %add3A_502 = arith.addi %mul3A_499, %mul3A_501 : i32
      %get3A_503 = arith.constant 28 : i32
      %get3A_504 = arith.index_cast %get3A_503 : i32 to index
      %get3A_505 = arith.index_cast %add3A_502 : i32 to index
      %get3A_506 = tpu.vector_load %arg6[%get3A_504, %get3A_505] {strides = array<i32>} : memref<32x1024xf32, #tpu.memory_space<vmem>>, vector<16xf32>,
      %mul3A_507 = arith.mulf %get3A_506, %gather3A_150 : vector<16xf32>
      %add3A_508 = arith.addf %add3A_464, %mul3A_507 : vector<16xf32>
      %mul3A_509 = arith.constant 32 : i32
      %mul3A_510 = arith.muli %add3A_182, %mul3A_509 : i32
      %mul3A_511 = arith.constant 16 : i32
      %mul3A_512 = arith.muli %mul3A_511, %select_n3A_30 : i32
      %add3A_513 = arith.addi %mul3A_510, %mul3A_512 : i32
      %get3A_514 = arith.constant 29 : i32
      %get3A_515 = arith.index_cast %get3A_514 : i32 to index
      %get3A_516 = arith.index_cast %add3A_513 : i32 to index
      %get3A_517 = tpu.vector_load %arg6[%get3A_515, %get3A_516] {strides = array<i32>} : memref<32x1024xf32, #tpu.memory_space<vmem>>, vector<16xf32>,
      %mul3A_518 = arith.mulf %get3A_517, %gather3A_153 : vector<16xf32>
      %add3A_519 = arith.addf %add3A_475, %mul3A_518 : vector<16xf32>
      %mul3A_520 = arith.constant 32 : i32
      %mul3A_521 = arith.muli %add3A_182, %mul3A_520 : i32
      %mul3A_522 = arith.constant 16 : i32
      %mul3A_523 = arith.muli %mul3A_522, %select_n3A_30 : i32
      %add3A_524 = arith.addi %mul3A_521, %mul3A_523 : i32
      %get3A_525 = arith.constant 30 : i32
      %get3A_526 = arith.index_cast %get3A_525 : i32 to index
      %get3A_527 = arith.index_cast %add3A_524 : i32 to index
      %get3A_528 = tpu.vector_load %arg6[%get3A_526, %get3A_527] {strides = array<i32>} : memref<32x1024xf32, #tpu.memory_space<vmem>>, vector<16xf32>,
      %mul3A_529 = arith.mulf %get3A_528, %gather3A_156 : vector<16xf32>
      %add3A_530 = arith.addf %add3A_486, %mul3A_529 : vector<16xf32>
      %mul3A_531 = arith.constant 32 : i32
      %mul3A_532 = arith.muli %add3A_182, %mul3A_531 : i32
      %mul3A_533 = arith.constant 16 : i32
      %mul3A_534 = arith.muli %mul3A_533, %select_n3A_30 : i32
      %add3A_535 = arith.addi %mul3A_532, %mul3A_534 : i32
      %get3A_536 = arith.constant 31 : i32
      %get3A_537 = arith.index_cast %get3A_536 : i32 to index
      %get3A_538 = arith.index_cast %add3A_535 : i32 to index
      %get3A_539 = tpu.vector_load %arg6[%get3A_537, %get3A_538] {strides = array<i32>} : memref<32x1024xf32, #tpu.memory_space<vmem>>, vector<16xf32>,
      %mul3A_540 = arith.mulf %get3A_539, %gather3A_159 : vector<16xf32>
      %add3A_541 = arith.addf %add3A_497, %mul3A_540 : vector<16xf32>
      %add3A_542 = arith.addf %add3A_508, %add3A_519 : vector<16xf32>
      %add3A_543 = arith.addf %add3A_530, %add3A_541 : vector<16xf32>
      %add3A_544 = arith.addf %add3A_542, %add3A_543 : vector<16xf32>
      %ne3A_545 = vector.broadcast %add3A_182 : i32 to vector<16xi32>
      %ne3A_546 = arith.cmpi ne, %add3A_63, %ne3A_545 : vector<16xi32>
      %jit3A_547 = arith.constant 0.000000e+00 : f32
      %broadcast_in_dim3A_548 = vector.broadcast %jit3A_547 : f32 to vector<16xf32>
      %select_n3A_549 = arith.select %ne3A_546, %add3A_544, %broadcast_in_dim3A_548 : vector<16xi1>, vector<16xf32>
      %add3A_550 = arith.addf %scan3A_180, %select_n3A_549 : vector<16xf32>
      %add3A_551 = arith.constant 16 : i32
      %add3A_552 = arith.addi %scan3A_179, %add3A_551 : i32
      %broadcast_in_dim3A_553 = arith.constant 0.000000e+00 : f32
      %broadcast_in_dim3A_554 = vector.broadcast %broadcast_in_dim3A_553 : f32 to vector<16xf32>
      %broadcast_in_dim3A_555 = arith.constant 0.000000e+00 : f32
      %broadcast_in_dim3A_556 = vector.broadcast %broadcast_in_dim3A_555 : f32 to vector<16xf32>
      %broadcast_in_dim3A_557 = arith.constant 0.000000e+00 : f32
      %broadcast_in_dim3A_558 = vector.broadcast %broadcast_in_dim3A_557 : f32 to vector<16xf32>
      %broadcast_in_dim3A_559 = arith.constant 0.000000e+00 : f32
      %broadcast_in_dim3A_560 = vector.broadcast %broadcast_in_dim3A_559 : f32 to vector<16xf32>
      %mul3A_561 = arith.constant 32 : i32
      %mul3A_562 = arith.muli %add3A_552, %mul3A_561 : i32
      %mul3A_563 = arith.constant 16 : i32
      %mul3A_564 = arith.muli %mul3A_563, %select_n3A_30 : i32
      %add3A_565 = arith.addi %mul3A_562, %mul3A_564 : i32
      %get3A_566 = arith.constant 0 : i32
      %get3A_567 = arith.index_cast %get3A_566 : i32 to index
      %get3A_568 = arith.index_cast %add3A_565 : i32 to index
      %get3A_569 = tpu.vector_load %arg6[%get3A_567, %get3A_568] {strides = array<i32>} : memref<32x1024xf32, #tpu.memory_space<vmem>>, vector<16xf32>,
      %mul3A_570 = arith.mulf %get3A_569, %gather3A_66 : vector<16xf32>
      %add3A_571 = arith.addf %broadcast_in_dim3A_554, %mul3A_570 : vector<16xf32>
      %mul3A_572 = arith.constant 32 : i32
      %mul3A_573 = arith.muli %add3A_552, %mul3A_572 : i32
      %mul3A_574 = arith.constant 16 : i32
      %mul3A_575 = arith.muli %mul3A_574, %select_n3A_30 : i32
      %add3A_576 = arith.addi %mul3A_573, %mul3A_575 : i32
      %get3A_577 = arith.constant 1 : i32
      %get3A_578 = arith.index_cast %get3A_577 : i32 to index
      %get3A_579 = arith.index_cast %add3A_576 : i32 to index
      %get3A_580 = tpu.vector_load %arg6[%get3A_578, %get3A_579] {strides = array<i32>} : memref<32x1024xf32, #tpu.memory_space<vmem>>, vector<16xf32>,
      %mul3A_581 = arith.mulf %get3A_580, %gather3A_69 : vector<16xf32>
      %add3A_582 = arith.addf %broadcast_in_dim3A_556, %mul3A_581 : vector<16xf32>
      %mul3A_583 = arith.constant 32 : i32
      %mul3A_584 = arith.muli %add3A_552, %mul3A_583 : i32
      %mul3A_585 = arith.constant 16 : i32
      %mul3A_586 = arith.muli %mul3A_585, %select_n3A_30 : i32
      %add3A_587 = arith.addi %mul3A_584, %mul3A_586 : i32
      %get3A_588 = arith.constant 2 : i32
      %get3A_589 = arith.index_cast %get3A_588 : i32 to index
      %get3A_590 = arith.index_cast %add3A_587 : i32 to index
      %get3A_591 = tpu.vector_load %arg6[%get3A_589, %get3A_590] {strides = array<i32>} : memref<32x1024xf32, #tpu.memory_space<vmem>>, vector<16xf32>,
      %mul3A_592 = arith.mulf %get3A_591, %gather3A_72 : vector<16xf32>
      %add3A_593 = arith.addf %broadcast_in_dim3A_558, %mul3A_592 : vector<16xf32>
      %mul3A_594 = arith.constant 32 : i32
      %mul3A_595 = arith.muli %add3A_552, %mul3A_594 : i32
      %mul3A_596 = arith.constant 16 : i32
      %mul3A_597 = arith.muli %mul3A_596, %select_n3A_30 : i32
      %add3A_598 = arith.addi %mul3A_595, %mul3A_597 : i32
      %get3A_599 = arith.constant 3 : i32
      %get3A_600 = arith.index_cast %get3A_599 : i32 to index
      %get3A_601 = arith.index_cast %add3A_598 : i32 to index
      %get3A_602 = tpu.vector_load %arg6[%get3A_600, %get3A_601] {strides = array<i32>} : memref<32x1024xf32, #tpu.memory_space<vmem>>, vector<16xf32>,
      %mul3A_603 = arith.mulf %get3A_602, %gather3A_75 : vector<16xf32>
      %add3A_604 = arith.addf %broadcast_in_dim3A_560, %mul3A_603 : vector<16xf32>
      %mul3A_605 = arith.constant 32 : i32
      %mul3A_606 = arith.muli %add3A_552, %mul3A_605 : i32
      %mul3A_607 = arith.constant 16 : i32
      %mul3A_608 = arith.muli %mul3A_607, %select_n3A_30 : i32
      %add3A_609 = arith.addi %mul3A_606, %mul3A_608 : i32
      %get3A_610 = arith.constant 4 : i32
      %get3A_611 = arith.index_cast %get3A_610 : i32 to index
      %get3A_612 = arith.index_cast %add3A_609 : i32 to index
      %get3A_613 = tpu.vector_load %arg6[%get3A_611, %get3A_612] {strides = array<i32>} : memref<32x1024xf32, #tpu.memory_space<vmem>>, vector<16xf32>,
      %mul3A_614 = arith.mulf %get3A_613, %gather3A_78 : vector<16xf32>
      %add3A_615 = arith.addf %add3A_571, %mul3A_614 : vector<16xf32>
      %mul3A_616 = arith.constant 32 : i32
      %mul3A_617 = arith.muli %add3A_552, %mul3A_616 : i32
      %mul3A_618 = arith.constant 16 : i32
      %mul3A_619 = arith.muli %mul3A_618, %select_n3A_30 : i32
      %add3A_620 = arith.addi %mul3A_617, %mul3A_619 : i32
      %get3A_621 = arith.constant 5 : i32
      %get3A_622 = arith.index_cast %get3A_621 : i32 to index
      %get3A_623 = arith.index_cast %add3A_620 : i32 to index
      %get3A_624 = tpu.vector_load %arg6[%get3A_622, %get3A_623] {strides = array<i32>} : memref<32x1024xf32, #tpu.memory_space<vmem>>, vector<16xf32>,
      %mul3A_625 = arith.mulf %get3A_624, %gather3A_81 : vector<16xf32>
      %add3A_626 = arith.addf %add3A_582, %mul3A_625 : vector<16xf32>
      %mul3A_627 = arith.constant 32 : i32
      %mul3A_628 = arith.muli %add3A_552, %mul3A_627 : i32
      %mul3A_629 = arith.constant 16 : i32
      %mul3A_630 = arith.muli %mul3A_629, %select_n3A_30 : i32
      %add3A_631 = arith.addi %mul3A_628, %mul3A_630 : i32
      %get3A_632 = arith.constant 6 : i32
      %get3A_633 = arith.index_cast %get3A_632 : i32 to index
      %get3A_634 = arith.index_cast %add3A_631 : i32 to index
      %get3A_635 = tpu.vector_load %arg6[%get3A_633, %get3A_634] {strides = array<i32>} : memref<32x1024xf32, #tpu.memory_space<vmem>>, vector<16xf32>,
      %mul3A_636 = arith.mulf %get3A_635, %gather3A_84 : vector<16xf32>
      %add3A_637 = arith.addf %add3A_593, %mul3A_636 : vector<16xf32>
      %mul3A_638 = arith.constant 32 : i32
      %mul3A_639 = arith.muli %add3A_552, %mul3A_638 : i32
      %mul3A_640 = arith.constant 16 : i32
      %mul3A_641 = arith.muli %mul3A_640, %select_n3A_30 : i32
      %add3A_642 = arith.addi %mul3A_639, %mul3A_641 : i32
      %get3A_643 = arith.constant 7 : i32
      %get3A_644 = arith.index_cast %get3A_643 : i32 to index
      %get3A_645 = arith.index_cast %add3A_642 : i32 to index
      %get3A_646 = tpu.vector_load %arg6[%get3A_644, %get3A_645] {strides = array<i32>} : memref<32x1024xf32, #tpu.memory_space<vmem>>, vector<16xf32>,
      %mul3A_647 = arith.mulf %get3A_646, %gather3A_87 : vector<16xf32>
      %add3A_648 = arith.addf %add3A_604, %mul3A_647 : vector<16xf32>
      %mul3A_649 = arith.constant 32 : i32
      %mul3A_650 = arith.muli %add3A_552, %mul3A_649 : i32
      %mul3A_651 = arith.constant 16 : i32
      %mul3A_652 = arith.muli %mul3A_651, %select_n3A_30 : i32
      %add3A_653 = arith.addi %mul3A_650, %mul3A_652 : i32
      %get3A_654 = arith.constant 8 : i32
      %get3A_655 = arith.index_cast %get3A_654 : i32 to index
      %get3A_656 = arith.index_cast %add3A_653 : i32 to index
      %get3A_657 = tpu.vector_load %arg6[%get3A_655, %get3A_656] {strides = array<i32>} : memref<32x1024xf32, #tpu.memory_space<vmem>>, vector<16xf32>,
      %mul3A_658 = arith.mulf %get3A_657, %gather3A_90 : vector<16xf32>
      %add3A_659 = arith.addf %add3A_615, %mul3A_658 : vector<16xf32>
      %mul3A_660 = arith.constant 32 : i32
      %mul3A_661 = arith.muli %add3A_552, %mul3A_660 : i32
      %mul3A_662 = arith.constant 16 : i32
      %mul3A_663 = arith.muli %mul3A_662, %select_n3A_30 : i32
      %add3A_664 = arith.addi %mul3A_661, %mul3A_663 : i32
      %get3A_665 = arith.constant 9 : i32
      %get3A_666 = arith.index_cast %get3A_665 : i32 to index
      %get3A_667 = arith.index_cast %add3A_664 : i32 to index
      %get3A_668 = tpu.vector_load %arg6[%get3A_666, %get3A_667] {strides = array<i32>} : memref<32x1024xf32, #tpu.memory_space<vmem>>, vector<16xf32>,
      %mul3A_669 = arith.mulf %get3A_668, %gather3A_93 : vector<16xf32>
      %add3A_670 = arith.addf %add3A_626, %mul3A_669 : vector<16xf32>
      %mul3A_671 = arith.constant 32 : i32
      %mul3A_672 = arith.muli %add3A_552, %mul3A_671 : i32
      %mul3A_673 = arith.constant 16 : i32
      %mul3A_674 = arith.muli %mul3A_673, %select_n3A_30 : i32
      %add3A_675 = arith.addi %mul3A_672, %mul3A_674 : i32
      %get3A_676 = arith.constant 10 : i32
      %get3A_677 = arith.index_cast %get3A_676 : i32 to index
      %get3A_678 = arith.index_cast %add3A_675 : i32 to index
      %get3A_679 = tpu.vector_load %arg6[%get3A_677, %get3A_678] {strides = array<i32>} : memref<32x1024xf32, #tpu.memory_space<vmem>>, vector<16xf32>,
      %mul3A_680 = arith.mulf %get3A_679, %gather3A_96 : vector<16xf32>
      %add3A_681 = arith.addf %add3A_637, %mul3A_680 : vector<16xf32>
      %mul3A_682 = arith.constant 32 : i32
      %mul3A_683 = arith.muli %add3A_552, %mul3A_682 : i32
      %mul3A_684 = arith.constant 16 : i32
      %mul3A_685 = arith.muli %mul3A_684, %select_n3A_30 : i32
      %add3A_686 = arith.addi %mul3A_683, %mul3A_685 : i32
      %get3A_687 = arith.constant 11 : i32
      %get3A_688 = arith.index_cast %get3A_687 : i32 to index
      %get3A_689 = arith.index_cast %add3A_686 : i32 to index
      %get3A_690 = tpu.vector_load %arg6[%get3A_688, %get3A_689] {strides = array<i32>} : memref<32x1024xf32, #tpu.memory_space<vmem>>, vector<16xf32>,
      %mul3A_691 = arith.mulf %get3A_690, %gather3A_99 : vector<16xf32>
      %add3A_692 = arith.addf %add3A_648, %mul3A_691 : vector<16xf32>
      %mul3A_693 = arith.constant 32 : i32
      %mul3A_694 = arith.muli %add3A_552, %mul3A_693 : i32
      %mul3A_695 = arith.constant 16 : i32
      %mul3A_696 = arith.muli %mul3A_695, %select_n3A_30 : i32
      %add3A_697 = arith.addi %mul3A_694, %mul3A_696 : i32
      %get3A_698 = arith.constant 12 : i32
      %get3A_699 = arith.index_cast %get3A_698 : i32 to index
      %get3A_700 = arith.index_cast %add3A_697 : i32 to index
      %get3A_701 = tpu.vector_load %arg6[%get3A_699, %get3A_700] {strides = array<i32>} : memref<32x1024xf32, #tpu.memory_space<vmem>>, vector<16xf32>,
      %mul3A_702 = arith.mulf %get3A_701, %gather3A_102 : vector<16xf32>
      %add3A_703 = arith.addf %add3A_659, %mul3A_702 : vector<16xf32>
      %mul3A_704 = arith.constant 32 : i32
      %mul3A_705 = arith.muli %add3A_552, %mul3A_704 : i32
      %mul3A_706 = arith.constant 16 : i32
      %mul3A_707 = arith.muli %mul3A_706, %select_n3A_30 : i32
      %add3A_708 = arith.addi %mul3A_705, %mul3A_707 : i32
      %get3A_709 = arith.constant 13 : i32
      %get3A_710 = arith.index_cast %get3A_709 : i32 to index
      %get3A_711 = arith.index_cast %add3A_708 : i32 to index
      %get3A_712 = tpu.vector_load %arg6[%get3A_710, %get3A_711] {strides = array<i32>} : memref<32x1024xf32, #tpu.memory_space<vmem>>, vector<16xf32>,
      %mul3A_713 = arith.mulf %get3A_712, %gather3A_105 : vector<16xf32>
      %add3A_714 = arith.addf %add3A_670, %mul3A_713 : vector<16xf32>
      %mul3A_715 = arith.constant 32 : i32
      %mul3A_716 = arith.muli %add3A_552, %mul3A_715 : i32
      %mul3A_717 = arith.constant 16 : i32
      %mul3A_718 = arith.muli %mul3A_717, %select_n3A_30 : i32
      %add3A_719 = arith.addi %mul3A_716, %mul3A_718 : i32
      %get3A_720 = arith.constant 14 : i32
      %get3A_721 = arith.index_cast %get3A_720 : i32 to index
      %get3A_722 = arith.index_cast %add3A_719 : i32 to index
      %get3A_723 = tpu.vector_load %arg6[%get3A_721, %get3A_722] {strides = array<i32>} : memref<32x1024xf32, #tpu.memory_space<vmem>>, vector<16xf32>,
      %mul3A_724 = arith.mulf %get3A_723, %gather3A_108 : vector<16xf32>
      %add3A_725 = arith.addf %add3A_681, %mul3A_724 : vector<16xf32>
      %mul3A_726 = arith.constant 32 : i32
      %mul3A_727 = arith.muli %add3A_552, %mul3A_726 : i32
      %mul3A_728 = arith.constant 16 : i32
      %mul3A_729 = arith.muli %mul3A_728, %select_n3A_30 : i32
      %add3A_730 = arith.addi %mul3A_727, %mul3A_729 : i32
      %get3A_731 = arith.constant 15 : i32
      %get3A_732 = arith.index_cast %get3A_731 : i32 to index
      %get3A_733 = arith.index_cast %add3A_730 : i32 to index
      %get3A_734 = tpu.vector_load %arg6[%get3A_732, %get3A_733] {strides = array<i32>} : memref<32x1024xf32, #tpu.memory_space<vmem>>, vector<16xf32>,
      %mul3A_735 = arith.mulf %get3A_734, %gather3A_111 : vector<16xf32>
      %add3A_736 = arith.addf %add3A_692, %mul3A_735 : vector<16xf32>
      %mul3A_737 = arith.constant 32 : i32
      %mul3A_738 = arith.muli %add3A_552, %mul3A_737 : i32
      %mul3A_739 = arith.constant 16 : i32
      %mul3A_740 = arith.muli %mul3A_739, %select_n3A_30 : i32
      %add3A_741 = arith.addi %mul3A_738, %mul3A_740 : i32
      %get3A_742 = arith.constant 16 : i32
      %get3A_743 = arith.index_cast %get3A_742 : i32 to index
      %get3A_744 = arith.index_cast %add3A_741 : i32 to index
      %get3A_745 = tpu.vector_load %arg6[%get3A_743, %get3A_744] {strides = array<i32>} : memref<32x1024xf32, #tpu.memory_space<vmem>>, vector<16xf32>,
      %mul3A_746 = arith.mulf %get3A_745, %gather3A_114 : vector<16xf32>
      %add3A_747 = arith.addf %add3A_703, %mul3A_746 : vector<16xf32>
      %mul3A_748 = arith.constant 32 : i32
      %mul3A_749 = arith.muli %add3A_552, %mul3A_748 : i32
      %mul3A_750 = arith.constant 16 : i32
      %mul3A_751 = arith.muli %mul3A_750, %select_n3A_30 : i32
      %add3A_752 = arith.addi %mul3A_749, %mul3A_751 : i32
      %get3A_753 = arith.constant 17 : i32
      %get3A_754 = arith.index_cast %get3A_753 : i32 to index
      %get3A_755 = arith.index_cast %add3A_752 : i32 to index
      %get3A_756 = tpu.vector_load %arg6[%get3A_754, %get3A_755] {strides = array<i32>} : memref<32x1024xf32, #tpu.memory_space<vmem>>, vector<16xf32>,
      %mul3A_757 = arith.mulf %get3A_756, %gather3A_117 : vector<16xf32>
      %add3A_758 = arith.addf %add3A_714, %mul3A_757 : vector<16xf32>
      %mul3A_759 = arith.constant 32 : i32
      %mul3A_760 = arith.muli %add3A_552, %mul3A_759 : i32
      %mul3A_761 = arith.constant 16 : i32
      %mul3A_762 = arith.muli %mul3A_761, %select_n3A_30 : i32
      %add3A_763 = arith.addi %mul3A_760, %mul3A_762 : i32
      %get3A_764 = arith.constant 18 : i32
      %get3A_765 = arith.index_cast %get3A_764 : i32 to index
      %get3A_766 = arith.index_cast %add3A_763 : i32 to index
      %get3A_767 = tpu.vector_load %arg6[%get3A_765, %get3A_766] {strides = array<i32>} : memref<32x1024xf32, #tpu.memory_space<vmem>>, vector<16xf32>,
      %mul3A_768 = arith.mulf %get3A_767, %gather3A_120 : vector<16xf32>
      %add3A_769 = arith.addf %add3A_725, %mul3A_768 : vector<16xf32>
      %mul3A_770 = arith.constant 32 : i32
      %mul3A_771 = arith.muli %add3A_552, %mul3A_770 : i32
      %mul3A_772 = arith.constant 16 : i32
      %mul3A_773 = arith.muli %mul3A_772, %select_n3A_30 : i32
      %add3A_774 = arith.addi %mul3A_771, %mul3A_773 : i32
      %get3A_775 = arith.constant 19 : i32
      %get3A_776 = arith.index_cast %get3A_775 : i32 to index
      %get3A_777 = arith.index_cast %add3A_774 : i32 to index
      %get3A_778 = tpu.vector_load %arg6[%get3A_776, %get3A_777] {strides = array<i32>} : memref<32x1024xf32, #tpu.memory_space<vmem>>, vector<16xf32>,
      %mul3A_779 = arith.mulf %get3A_778, %gather3A_123 : vector<16xf32>
      %add3A_780 = arith.addf %add3A_736, %mul3A_779 : vector<16xf32>
      %mul3A_781 = arith.constant 32 : i32
      %mul3A_782 = arith.muli %add3A_552, %mul3A_781 : i32
      %mul3A_783 = arith.constant 16 : i32
      %mul3A_784 = arith.muli %mul3A_783, %select_n3A_30 : i32
      %add3A_785 = arith.addi %mul3A_782, %mul3A_784 : i32
      %get3A_786 = arith.constant 20 : i32
      %get3A_787 = arith.index_cast %get3A_786 : i32 to index
      %get3A_788 = arith.index_cast %add3A_785 : i32 to index
      %get3A_789 = tpu.vector_load %arg6[%get3A_787, %get3A_788] {strides = array<i32>} : memref<32x1024xf32, #tpu.memory_space<vmem>>, vector<16xf32>,
      %mul3A_790 = arith.mulf %get3A_789, %gather3A_126 : vector<16xf32>
      %add3A_791 = arith.addf %add3A_747, %mul3A_790 : vector<16xf32>
      %mul3A_792 = arith.constant 32 : i32
      %mul3A_793 = arith.muli %add3A_552, %mul3A_792 : i32
      %mul3A_794 = arith.constant 16 : i32
      %mul3A_795 = arith.muli %mul3A_794, %select_n3A_30 : i32
      %add3A_796 = arith.addi %mul3A_793, %mul3A_795 : i32
      %get3A_797 = arith.constant 21 : i32
      %get3A_798 = arith.index_cast %get3A_797 : i32 to index
      %get3A_799 = arith.index_cast %add3A_796 : i32 to index
      %get3A_800 = tpu.vector_load %arg6[%get3A_798, %get3A_799] {strides = array<i32>} : memref<32x1024xf32, #tpu.memory_space<vmem>>, vector<16xf32>,
      %mul3A_801 = arith.mulf %get3A_800, %gather3A_129 : vector<16xf32>
      %add3A_802 = arith.addf %add3A_758, %mul3A_801 : vector<16xf32>
      %mul3A_803 = arith.constant 32 : i32
      %mul3A_804 = arith.muli %add3A_552, %mul3A_803 : i32
      %mul3A_805 = arith.constant 16 : i32
      %mul3A_806 = arith.muli %mul3A_805, %select_n3A_30 : i32
      %add3A_807 = arith.addi %mul3A_804, %mul3A_806 : i32
      %get3A_808 = arith.constant 22 : i32
      %get3A_809 = arith.index_cast %get3A_808 : i32 to index
      %get3A_810 = arith.index_cast %add3A_807 : i32 to index
      %get3A_811 = tpu.vector_load %arg6[%get3A_809, %get3A_810] {strides = array<i32>} : memref<32x1024xf32, #tpu.memory_space<vmem>>, vector<16xf32>,
      %mul3A_812 = arith.mulf %get3A_811, %gather3A_132 : vector<16xf32>
      %add3A_813 = arith.addf %add3A_769, %mul3A_812 : vector<16xf32>
      %mul3A_814 = arith.constant 32 : i32
      %mul3A_815 = arith.muli %add3A_552, %mul3A_814 : i32
      %mul3A_816 = arith.constant 16 : i32
      %mul3A_817 = arith.muli %mul3A_816, %select_n3A_30 : i32
      %add3A_818 = arith.addi %mul3A_815, %mul3A_817 : i32
      %get3A_819 = arith.constant 23 : i32
      %get3A_820 = arith.index_cast %get3A_819 : i32 to index
      %get3A_821 = arith.index_cast %add3A_818 : i32 to index
      %get3A_822 = tpu.vector_load %arg6[%get3A_820, %get3A_821] {strides = array<i32>} : memref<32x1024xf32, #tpu.memory_space<vmem>>, vector<16xf32>,
      %mul3A_823 = arith.mulf %get3A_822, %gather3A_135 : vector<16xf32>
      %add3A_824 = arith.addf %add3A_780, %mul3A_823 : vector<16xf32>
      %mul3A_825 = arith.constant 32 : i32
      %mul3A_826 = arith.muli %add3A_552, %mul3A_825 : i32
      %mul3A_827 = arith.constant 16 : i32
      %mul3A_828 = arith.muli %mul3A_827, %select_n3A_30 : i32
      %add3A_829 = arith.addi %mul3A_826, %mul3A_828 : i32
      %get3A_830 = arith.constant 24 : i32
      %get3A_831 = arith.index_cast %get3A_830 : i32 to index
      %get3A_832 = arith.index_cast %add3A_829 : i32 to index
      %get3A_833 = tpu.vector_load %arg6[%get3A_831, %get3A_832] {strides = array<i32>} : memref<32x1024xf32, #tpu.memory_space<vmem>>, vector<16xf32>,
      %mul3A_834 = arith.mulf %get3A_833, %gather3A_138 : vector<16xf32>
      %add3A_835 = arith.addf %add3A_791, %mul3A_834 : vector<16xf32>
      %mul3A_836 = arith.constant 32 : i32
      %mul3A_837 = arith.muli %add3A_552, %mul3A_836 : i32
      %mul3A_838 = arith.constant 16 : i32
      %mul3A_839 = arith.muli %mul3A_838, %select_n3A_30 : i32
      %add3A_840 = arith.addi %mul3A_837, %mul3A_839 : i32
      %get3A_841 = arith.constant 25 : i32
      %get3A_842 = arith.index_cast %get3A_841 : i32 to index
      %get3A_843 = arith.index_cast %add3A_840 : i32 to index
      %get3A_844 = tpu.vector_load %arg6[%get3A_842, %get3A_843] {strides = array<i32>} : memref<32x1024xf32, #tpu.memory_space<vmem>>, vector<16xf32>,
      %mul3A_845 = arith.mulf %get3A_844, %gather3A_141 : vector<16xf32>
      %add3A_846 = arith.addf %add3A_802, %mul3A_845 : vector<16xf32>
      %mul3A_847 = arith.constant 32 : i32
      %mul3A_848 = arith.muli %add3A_552, %mul3A_847 : i32
      %mul3A_849 = arith.constant 16 : i32
      %mul3A_850 = arith.muli %mul3A_849, %select_n3A_30 : i32
      %add3A_851 = arith.addi %mul3A_848, %mul3A_850 : i32
      %get3A_852 = arith.constant 26 : i32
      %get3A_853 = arith.index_cast %get3A_852 : i32 to index
      %get3A_854 = arith.index_cast %add3A_851 : i32 to index
      %get3A_855 = tpu.vector_load %arg6[%get3A_853, %get3A_854] {strides = array<i32>} : memref<32x1024xf32, #tpu.memory_space<vmem>>, vector<16xf32>,
      %mul3A_856 = arith.mulf %get3A_855, %gather3A_144 : vector<16xf32>
      %add3A_857 = arith.addf %add3A_813, %mul3A_856 : vector<16xf32>
      %mul3A_858 = arith.constant 32 : i32
      %mul3A_859 = arith.muli %add3A_552, %mul3A_858 : i32
      %mul3A_860 = arith.constant 16 : i32
      %mul3A_861 = arith.muli %mul3A_860, %select_n3A_30 : i32
      %add3A_862 = arith.addi %mul3A_859, %mul3A_861 : i32
      %get3A_863 = arith.constant 27 : i32
      %get3A_864 = arith.index_cast %get3A_863 : i32 to index
      %get3A_865 = arith.index_cast %add3A_862 : i32 to index
      %get3A_866 = tpu.vector_load %arg6[%get3A_864, %get3A_865] {strides = array<i32>} : memref<32x1024xf32, #tpu.memory_space<vmem>>, vector<16xf32>,
      %mul3A_867 = arith.mulf %get3A_866, %gather3A_147 : vector<16xf32>
      %add3A_868 = arith.addf %add3A_824, %mul3A_867 : vector<16xf32>
      %mul3A_869 = arith.constant 32 : i32
      %mul3A_870 = arith.muli %add3A_552, %mul3A_869 : i32
      %mul3A_871 = arith.constant 16 : i32
      %mul3A_872 = arith.muli %mul3A_871, %select_n3A_30 : i32
      %add3A_873 = arith.addi %mul3A_870, %mul3A_872 : i32
      %get3A_874 = arith.constant 28 : i32
      %get3A_875 = arith.index_cast %get3A_874 : i32 to index
      %get3A_876 = arith.index_cast %add3A_873 : i32 to index
      %get3A_877 = tpu.vector_load %arg6[%get3A_875, %get3A_876] {strides = array<i32>} : memref<32x1024xf32, #tpu.memory_space<vmem>>, vector<16xf32>,
      %mul3A_878 = arith.mulf %get3A_877, %gather3A_150 : vector<16xf32>
      %add3A_879 = arith.addf %add3A_835, %mul3A_878 : vector<16xf32>
      %mul3A_880 = arith.constant 32 : i32
      %mul3A_881 = arith.muli %add3A_552, %mul3A_880 : i32
      %mul3A_882 = arith.constant 16 : i32
      %mul3A_883 = arith.muli %mul3A_882, %select_n3A_30 : i32
      %add3A_884 = arith.addi %mul3A_881, %mul3A_883 : i32
      %get3A_885 = arith.constant 29 : i32
      %get3A_886 = arith.index_cast %get3A_885 : i32 to index
      %get3A_887 = arith.index_cast %add3A_884 : i32 to index
      %get3A_888 = tpu.vector_load %arg6[%get3A_886, %get3A_887] {strides = array<i32>} : memref<32x1024xf32, #tpu.memory_space<vmem>>, vector<16xf32>,
      %mul3A_889 = arith.mulf %get3A_888, %gather3A_153 : vector<16xf32>
      %add3A_890 = arith.addf %add3A_846, %mul3A_889 : vector<16xf32>
      %mul3A_891 = arith.constant 32 : i32
      %mul3A_892 = arith.muli %add3A_552, %mul3A_891 : i32
      %mul3A_893 = arith.constant 16 : i32
      %mul3A_894 = arith.muli %mul3A_893, %select_n3A_30 : i32
      %add3A_895 = arith.addi %mul3A_892, %mul3A_894 : i32
      %get3A_896 = arith.constant 30 : i32
      %get3A_897 = arith.index_cast %get3A_896 : i32 to index
      %get3A_898 = arith.index_cast %add3A_895 : i32 to index
      %get3A_899 = tpu.vector_load %arg6[%get3A_897, %get3A_898] {strides = array<i32>} : memref<32x1024xf32, #tpu.memory_space<vmem>>, vector<16xf32>,
      %mul3A_900 = arith.mulf %get3A_899, %gather3A_156 : vector<16xf32>
      %add3A_901 = arith.addf %add3A_857, %mul3A_900 : vector<16xf32>
      %mul3A_902 = arith.constant 32 : i32
      %mul3A_903 = arith.muli %add3A_552, %mul3A_902 : i32
      %mul3A_904 = arith.constant 16 : i32
      %mul3A_905 = arith.muli %mul3A_904, %select_n3A_30 : i32
      %add3A_906 = arith.addi %mul3A_903, %mul3A_905 : i32
      %get3A_907 = arith.constant 31 : i32
      %get3A_908 = arith.index_cast %get3A_907 : i32 to index
      %get3A_909 = arith.index_cast %add3A_906 : i32 to index
      %get3A_910 = tpu.vector_load %arg6[%get3A_908, %get3A_909] {strides = array<i32>} : memref<32x1024xf32, #tpu.memory_space<vmem>>, vector<16xf32>,
      %mul3A_911 = arith.mulf %get3A_910, %gather3A_159 : vector<16xf32>
      %add3A_912 = arith.addf %add3A_868, %mul3A_911 : vector<16xf32>
      %add3A_913 = arith.addf %add3A_879, %add3A_890 : vector<16xf32>
      %add3A_914 = arith.addf %add3A_901, %add3A_912 : vector<16xf32>
      %add3A_915 = arith.addf %add3A_913, %add3A_914 : vector<16xf32>
      %ne3A_916 = vector.broadcast %add3A_552 : i32 to vector<16xi32>
      %ne3A_917 = arith.cmpi ne, %add3A_63, %ne3A_916 : vector<16xi32>
      %jit3A_918 = arith.constant 0.000000e+00 : f32
      %broadcast_in_dim3A_919 = vector.broadcast %jit3A_918 : f32 to vector<16xf32>
      %select_n3A_920 = arith.select %ne3A_917, %add3A_915, %broadcast_in_dim3A_919 : vector<16xi1>, vector<16xf32>
      %add3A_921 = arith.addf %add3A_550, %select_n3A_920 : vector<16xf32>
      scf.yield %add3A_921 : vector<16xf32>
    }
    %scan3A_166 = arith.constant 16 : i32
    %mul3A_167 = arith.constant 0.176776692 : f32
    %mul3A_168 = vector.broadcast %mul3A_167 : f32 to vector<16xf32>
    %mul3A_169 = arith.mulf %mul3A_168, %scan3A_165 : vector<16xf32>
    %add3A_170 = arith.addf %gather3A_58, %mul3A_169 : vector<16xf32>
    %mul3A_171 = arith.constant 1.250000e-01 : f32
    %mul3A_172 = vector.broadcast %mul3A_171 : f32 to vector<16xf32>
    %mul3A_173 = arith.mulf %mul3A_172, %add3A_170 : vector<16xf32>
    %reduce_sum3A = arith.constant true
    %reduce_sum3A_174 = vector.broadcast %reduce_sum3A : i1 to vector<16xi1>
    %reduce_sum3A_175 = tpu.scan <sum>, %mul3A_173 masked %reduce_sum3A_174 : vector<16xf32>, vector<16xi1> -> vector<16xf32>
    %reduce_sum3A_176 = vector.extract %reduce_sum3A_175[15] : f32 from vector<16xf32>
    %broadcast_in_dim3A_177 = vector.broadcast %reduce_sum3A_176 : f32 to vector<16xf32>
    %swap3A = arith.constant 0 : index
    %swap3A_178 = tpu.vector_load %arg9[%swap3A] {strides = array<i32>} : memref<16xf32, #tpu.memory_space<vmem>>, vector<16xf32>,
    tpu.vector_store %arg9[%swap3A], %broadcast_in_dim3A_177 {strides = array<i32>} : memref<16xf32, #tpu.memory_space<vmem>>, vector<16xf32>,
    "tpu.region"() ({
      %run_scoped3A = tpu.sem_alloc : memref<!tpu.dma_semaphore, #tpu.memory_space<semaphore_mem>>
      %dma_start3A = arith.constant 0 : i32
      %dma_start3A_179 = tpu.memref_slice %arg5[%select_n3A, %select_n3A_30, %dma_start3A] : memref<16x2x16xf32, #tpu.memory_space<hbm>> -> memref<1x1x16xf32, #tpu.memory_space<hbm>>
      %dma_start3A_180 = tpu.memref_squeeze %dma_start3A_179 : memref<1x1x16xf32, #tpu.memory_space<hbm>> -> memref<16xf32, #tpu.memory_space<hbm>>
      %dma_start3A_181 = arith.constant 0 : i32
      %dma_start3A_182 = tpu.memref_slice %arg5[%select_n3A, %select_n3A_30, %dma_start3A_181] : memref<16x2x16xf32, #tpu.memory_space<hbm>> -> memref<1x1x16xf32, #tpu.memory_space<hbm>>
      %dma_start3A_183 = tpu.memref_squeeze %dma_start3A_182 : memref<1x1x16xf32, #tpu.memory_space<hbm>> -> memref<16xf32, #tpu.memory_space<hbm>>
      tpu.enqueue_dma source(%arg9 : memref<16xf32, #tpu.memory_space<vmem>>) target(%dma_start3A_183 : memref<16xf32, #tpu.memory_space<hbm>>) target_semaphore(%run_scoped3A : memref<!tpu.dma_semaphore, #tpu.memory_space<semaphore_mem>>)
      %dma_wait3A = arith.constant 0 : i32
      %dma_wait3A_184 = tpu.memref_slice %arg5[%select_n3A, %select_n3A_30, %dma_wait3A] : memref<16x2x16xf32, #tpu.memory_space<hbm>> -> memref<1x1x16xf32, #tpu.memory_space<hbm>>
      %dma_wait3A_185 = tpu.memref_squeeze %dma_wait3A_184 : memref<1x1x16xf32, #tpu.memory_space<hbm>> -> memref<16xf32, #tpu.memory_space<hbm>>
      %dma_wait3A_186 = arith.constant 0 : i32
      %dma_wait3A_187 = tpu.memref_slice %arg5[%select_n3A, %select_n3A_30, %dma_wait3A_186] : memref<16x2x16xf32, #tpu.memory_space<hbm>> -> memref<1x1x16xf32, #tpu.memory_space<hbm>>
      %dma_wait3A_188 = tpu.memref_squeeze %dma_wait3A_187 : memref<1x1x16xf32, #tpu.memory_space<hbm>> -> memref<16xf32, #tpu.memory_space<hbm>>
      tpu.wait_dma2 semaphore(%run_scoped3A : memref<!tpu.dma_semaphore, #tpu.memory_space<semaphore_mem>>) src(%arg9 : memref<16xf32, #tpu.memory_space<vmem>>) dst(%dma_wait3A_188 : memref<16xf32, #tpu.memory_space<hbm>>)
      tpu.yield
    }) : () -> ()
    return
  }
}

module attributes {stable_mosaic.version = 14 : i64} {
  func.func @_tc_body(%arg0: i32, %arg1: memref<8x32x3xf32, #tpu.memory_space<vmem>>, %arg2: memref<20x32xf32, #tpu.memory_space<vmem>>, %arg3: memref<1x32xf32, #tpu.memory_space<vmem>>, %arg4: memref<1x1xf32, #tpu.memory_space<vmem>>, %arg5: memref<3x2048xf32, #tpu.memory_space<vmem>>, %arg6: memref<2048x32xf32, #tpu.memory_space<vmem>>, %arg7: memref<2048x1xf32, #tpu.memory_space<vmem>>, %arg8: memref<32x64xf32, #tpu.memory_space<vmem>>, %arg9: memref<64x1xf32, #tpu.memory_space<vmem>>, %arg10: memref<3x32xf32, #tpu.memory_space<vmem>>, %arg11: memref<8x32x1024xf32, #tpu.memory_space<vmem>>, %arg12: memref<3x33xf32, #tpu.memory_space<vmem>>) attributes {dimension_semantics = [#tpu.dimension_semantics<arbitrary>], iteration_bounds = array<i64: 2>, scalar_prefetch = 0 : i64, scratch_operands = 0 : i64, tpu.core_type = #tpu.core_type<tc>, window_params = [{transform_indices = @transform_0, window_bounds = array<i64: 8, 32, 3>}, {pipeline_mode = #tpu.pipeline_mode<synchronous>, transform_indices = @transform_1, window_bounds = array<i64: 20, 32>}, {pipeline_mode = #tpu.pipeline_mode<synchronous>, transform_indices = @transform_2, window_bounds = array<i64: 1, 32>}, {pipeline_mode = #tpu.pipeline_mode<synchronous>, transform_indices = @transform_3, window_bounds = array<i64: 1, 1>}, {pipeline_mode = #tpu.pipeline_mode<synchronous>, transform_indices = @transform_4, window_bounds = array<i64: 3, 2048>}, {pipeline_mode = #tpu.pipeline_mode<synchronous>, transform_indices = @transform_5, window_bounds = array<i64: 2048, 32>}, {pipeline_mode = #tpu.pipeline_mode<synchronous>, transform_indices = @transform_6, window_bounds = array<i64: 2048, 1>}, {pipeline_mode = #tpu.pipeline_mode<synchronous>, transform_indices = @transform_7, window_bounds = array<i64: 32, 64>}, {pipeline_mode = #tpu.pipeline_mode<synchronous>, transform_indices = @transform_8, window_bounds = array<i64: 64, 1>}, {pipeline_mode = #tpu.pipeline_mode<synchronous>, transform_indices = @transform_9, window_bounds = array<i64: 3, 32>}, {transform_indices = @transform_10, window_bounds = array<i64: 8, 32, 1024>}, {pipeline_mode = #tpu.pipeline_mode<synchronous>, transform_indices = @transform_11, window_bounds = array<i64: 3, 33>}]} {
    %eq3A = arith.constant 0 : i32
    %eq3A_0 = arith.cmpi eq, %arg0, %eq3A : i32
    %convert_element_type3A = arith.extui %eq3A_0 : i1 to i32
    %cond3A = arith.constant 0 : i32
    %cond3A_1 = arith.cmpi ne, %convert_element_type3A, %cond3A : i32
    scf.if %cond3A_1 {
      %get3A_45 = arith.constant 0 : index
      %get3A_46 = arith.constant 0 : index
      %get3A_47 = vector.load %arg5[%get3A_45, %get3A_46] : memref<3x2048xf32, #tpu.memory_space<vmem>>, vector<3x2048xf32>
      %get3A_48 = arith.constant 0 : index
      %get3A_49 = arith.constant 0 : index
      %get3A_50 = vector.load %arg6[%get3A_48, %get3A_49] : memref<2048x32xf32, #tpu.memory_space<vmem>>, vector<2048x32xf32>
      %dot_general3A_51 = arith.constant dense<0.000000e+00> : vector<3x32xf32>
      %dot_general3A_52 = tpu.matmul %get3A_47, %get3A_50, %dot_general3A_51 {dimension_numbers = #tpu.dot_dimension_numbers<[1], [0], [0], [1], [0, 0, 1, 1], [], []>, transpose_lhs_hint = false} : vector<3x2048xf32>, vector<2048x32xf32>, vector<3x32xf32> -> vector<3x32xf32>
      %get3A_53 = arith.constant 0 : index
      %get3A_54 = arith.constant 0 : index
      %get3A_55 = vector.load %arg5[%get3A_53, %get3A_54] : memref<3x2048xf32, #tpu.memory_space<vmem>>, vector<3x2048xf32>
      %get3A_56 = arith.constant 0 : index
      %get3A_57 = arith.constant 0 : index
      %get3A_58 = vector.load %arg7[%get3A_56, %get3A_57] : memref<2048x1xf32, #tpu.memory_space<vmem>>, vector<2048x1xf32>
      %dot_general3A_59 = arith.constant dense<0.000000e+00> : vector<3x1xf32>
      %dot_general3A_60 = tpu.matmul %get3A_55, %get3A_58, %dot_general3A_59 {dimension_numbers = #tpu.dot_dimension_numbers<[1], [0], [0], [1], [0, 0, 1, 1], [], []>, transpose_lhs_hint = false} : vector<3x2048xf32>, vector<2048x1xf32>, vector<3x1xf32> -> vector<3x1xf32>
      %get3A_61 = arith.constant 0 : index
      %get3A_62 = arith.constant 0 : index
      %get3A_63 = vector.load %arg8[%get3A_61, %get3A_62] : memref<32x64xf32, #tpu.memory_space<vmem>>, vector<32x64xf32>
      %get3A_64 = arith.constant 0 : index
      %get3A_65 = arith.constant 0 : index
      %get3A_66 = vector.load %arg9[%get3A_64, %get3A_65] : memref<64x1xf32, #tpu.memory_space<vmem>>, vector<64x1xf32>
      %dot_general3A_67 = arith.constant dense<0.000000e+00> : vector<32x1xf32>
      %dot_general3A_68 = tpu.matmul %get3A_63, %get3A_66, %dot_general3A_67 {dimension_numbers = #tpu.dot_dimension_numbers<[1], [0], [0], [1], [0, 0, 1, 1], [], []>, transpose_lhs_hint = false} : vector<32x64xf32>, vector<64x1xf32>, vector<32x1xf32> -> vector<32x1xf32>
      %get3A_69 = arith.constant 0 : index
      %get3A_70 = arith.constant 0 : index
      %get3A_71 = vector.load %arg10[%get3A_69, %get3A_70] : memref<3x32xf32, #tpu.memory_space<vmem>>, vector<3x32xf32>
      %dot_general3A_72 = arith.constant dense<0.000000e+00> : vector<3x1xf32>
      %dot_general3A_73 = tpu.matmul %get3A_71, %dot_general3A_68, %dot_general3A_72 {dimension_numbers = #tpu.dot_dimension_numbers<[1], [0], [0], [1], [0, 0, 1, 1], [], []>, transpose_lhs_hint = false} : vector<3x32xf32>, vector<32x1xf32>, vector<3x1xf32> -> vector<3x1xf32>
      %mul3A_74 = arith.constant 0.176776692 : f32
      %mul3A_75 = vector.broadcast %mul3A_74 : f32 to vector<3x1xf32>
      %mul3A_76 = arith.mulf %dot_general3A_73, %mul3A_75 : vector<3x1xf32>
      %mul3A_77 = arith.constant 5.48007774 : f32
      %mul3A_78 = vector.broadcast %mul3A_77 : f32 to vector<3x1xf32>
      %mul3A_79 = arith.mulf %mul3A_78, %dot_general3A_60 : vector<3x1xf32>
      %add3A_80 = arith.addf %mul3A_79, %mul3A_76 : vector<3x1xf32>
      %concatenate3A = tpu.concatenate %dot_general3A_52, %add3A_80 in 1 : vector<3x32xf32>, vector<3x1xf32> -> vector<3x33xf32>
      %swap3A_81 = arith.constant 0 : index
      %swap3A_82 = arith.constant 0 : index
      %swap3A_83 = vector.load %arg12[%swap3A_81, %swap3A_82] : memref<3x33xf32, #tpu.memory_space<vmem>>, vector<3x33xf32>
      tpu.vector_store %arg12[%swap3A_81, %swap3A_82], %concatenate3A {strides = array<i32>} : memref<3x33xf32, #tpu.memory_space<vmem>>, vector<3x33xf32>,
    } else {
    }
    %get3A = arith.constant 0 : index
    %get3A_2 = arith.constant 0 : index
    %get3A_3 = arith.constant 0 : index
    %get3A_4 = vector.load %arg1[%get3A, %get3A_2, %get3A_3] : memref<8x32x3xf32, #tpu.memory_space<vmem>>, vector<8x32x3xf32>
    %broadcast_in_dim3A = vector.shape_cast %get3A_4 : vector<8x32x3xf32> to vector<8x32x1x3xf32>
    %broadcast_in_dim3A_5 = vector.shape_cast %broadcast_in_dim3A : vector<8x32x1x3xf32> to vector<8x32x1x3xf32>
    %broadcast_in_dim3A_6 = vector.broadcast %broadcast_in_dim3A_5 : vector<8x32x1x3xf32> to vector<8x32x32x3xf32>
    %reshape3A = vector.shape_cast %broadcast_in_dim3A_6 : vector<8x32x32x3xf32> to vector<8192x3xf32>
    %broadcast_in_dim3A_7 = vector.shape_cast %get3A_4 : vector<8x32x3xf32> to vector<8x1x32x3xf32>
    %broadcast_in_dim3A_8 = vector.shape_cast %broadcast_in_dim3A_7 : vector<8x1x32x3xf32> to vector<8x1x32x3xf32>
    %broadcast_in_dim3A_9 = vector.broadcast %broadcast_in_dim3A_8 : vector<8x1x32x3xf32> to vector<8x32x32x3xf32>
    %reshape3A_10 = vector.shape_cast %broadcast_in_dim3A_9 : vector<8x32x32x3xf32> to vector<8192x3xf32>
    %sub3A = arith.subf %reshape3A, %reshape3A_10 : vector<8192x3xf32>
    %mul3A = arith.mulf %sub3A, %sub3A : vector<8192x3xf32>
    %reduce_sum3A = arith.constant dense<0.000000e+00> : vector<8192xf32>
    %reduce_sum3A_11 = vector.multi_reduction <add>, %mul3A, %reduce_sum3A [1] : vector<8192x3xf32> to vector<8192xf32>
    %broadcast_in_dim3A_12 = vector.shape_cast %reduce_sum3A_11 : vector<8192xf32> to vector<8192x1xf32>
    %max3A = arith.constant 0.000000e+00 : f32
    %max3A_13 = vector.broadcast %max3A : f32 to vector<8192x1xf32>
    %max3A_14 = arith.maximumf %broadcast_in_dim3A_12, %max3A_13 : vector<8192x1xf32>
    %sqrt3A = math.sqrt %max3A_14 : vector<8192x1xf32>
    %iota3A = tpu.iota {dimensions = array<i32: 1>} : vector<1x20xi32>
    %convert_element_type3A_15 = arith.sitofp %iota3A : vector<1x20xi32> to vector<1x20xf32>
    %mul3A_16 = arith.constant 0.526315808 : f32
    %mul3A_17 = vector.broadcast %mul3A_16 : f32 to vector<1x20xf32>
    %mul3A_18 = arith.mulf %convert_element_type3A_15, %mul3A_17 : vector<1x20xf32>
    %get3A_19 = arith.constant 0 : index
    %get3A_20 = arith.constant 0 : index
    %get3A_21 = vector.load %arg4[%get3A_19, %get3A_20] : memref<1x1xf32, #tpu.memory_space<vmem>>, vector<1x1xf32>
    %sub3A_22 = vector.broadcast %sqrt3A : vector<8192x1xf32> to vector<8192x20xf32>
    %sub3A_23 = vector.broadcast %mul3A_18 : vector<1x20xf32> to vector<8192x20xf32>
    %sub3A_24 = arith.subf %sub3A_22, %sub3A_23 : vector<8192x20xf32>
    %neg3A = arith.constant 0.000000e+00 : f32
    %neg3A_25 = vector.broadcast %neg3A : f32 to vector<1x1xf32>
    %neg3A_26 = arith.subf %neg3A_25, %get3A_21 : vector<1x1xf32>
    %mul3A_27 = vector.broadcast %neg3A_26 : vector<1x1xf32> to vector<8192x20xf32>
    %mul3A_28 = arith.mulf %mul3A_27, %sub3A_24 : vector<8192x20xf32>
    %mul3A_29 = arith.mulf %mul3A_28, %sub3A_24 : vector<8192x20xf32>
    %exp3A = math.exp %mul3A_29 : vector<8192x20xf32>
    %get3A_30 = arith.constant 0 : index
    %get3A_31 = arith.constant 0 : index
    %get3A_32 = vector.load %arg2[%get3A_30, %get3A_31] : memref<20x32xf32, #tpu.memory_space<vmem>>, vector<20x32xf32>
    %dot_general3A = arith.constant dense<0.000000e+00> : vector<8192x32xf32>
    %dot_general3A_33 = tpu.matmul %exp3A, %get3A_32, %dot_general3A {dimension_numbers = #tpu.dot_dimension_numbers<[1], [0], [0], [1], [0, 0, 1, 1], [], []>, transpose_lhs_hint = false} : vector<8192x20xf32>, vector<20x32xf32>, vector<8192x32xf32> -> vector<8192x32xf32>
    %get3A_34 = arith.constant 0 : index
    %get3A_35 = arith.constant 0 : index
    %get3A_36 = vector.load %arg3[%get3A_34, %get3A_35] : memref<1x32xf32, #tpu.memory_space<vmem>>, vector<1x32xf32>
    %add3A = vector.broadcast %get3A_36 : vector<1x32xf32> to vector<8192x32xf32>
    %add3A_37 = arith.addf %dot_general3A_33, %add3A : vector<8192x32xf32>
    %max3A_38 = arith.constant 0.000000e+00 : f32
    %max3A_39 = vector.broadcast %max3A_38 : f32 to vector<8192x32xf32>
    %max3A_40 = arith.maximumf %add3A_37, %max3A_39 : vector<8192x32xf32>
    %reshape3A_41 = vector.shape_cast %max3A_40 : vector<8192x32xf32> to vector<8x1024x32xf32>
    %transpose3A = tpu.transpose %reshape3A_41, [0, 2, 1] : vector<8x1024x32xf32> -> vector<8x32x1024xf32>
    %swap3A = arith.constant 0 : index
    %swap3A_42 = arith.constant 0 : index
    %swap3A_43 = arith.constant 0 : index
    %swap3A_44 = vector.load %arg11[%swap3A, %swap3A_42, %swap3A_43] : memref<8x32x1024xf32, #tpu.memory_space<vmem>>, vector<8x32x1024xf32>
    tpu.vector_store %arg11[%swap3A, %swap3A_42, %swap3A_43], %transpose3A {strides = array<i32>} : memref<8x32x1024xf32, #tpu.memory_space<vmem>>, vector<8x32x1024xf32>,
    return
  }
  func.func @transform_0(%arg0: i32) -> (i32, i32, i32) {
    %c0_i32 = arith.constant 0 : i32
    %c0_i32_0 = arith.constant 0 : i32
    %c0_i32_1 = arith.constant 0 : i32
    return %arg0, %c0_i32, %c0_i32_0 : i32, i32, i32
  }
  func.func @transform_1(%arg0: i32) -> (i32, i32) {
    %c0_i32 = arith.constant 0 : i32
    %c0_i32_0 = arith.constant 0 : i32
    %c0_i32_1 = arith.constant 0 : i32
    return %c0_i32, %c0_i32_0 : i32, i32
  }
  func.func @transform_2(%arg0: i32) -> (i32, i32) {
    %c0_i32 = arith.constant 0 : i32
    %c0_i32_0 = arith.constant 0 : i32
    %c0_i32_1 = arith.constant 0 : i32
    return %c0_i32, %c0_i32_0 : i32, i32
  }
  func.func @transform_3(%arg0: i32) -> (i32, i32) {
    %c0_i32 = arith.constant 0 : i32
    %c0_i32_0 = arith.constant 0 : i32
    %c0_i32_1 = arith.constant 0 : i32
    return %c0_i32, %c0_i32_0 : i32, i32
  }
  func.func @transform_4(%arg0: i32) -> (i32, i32) {
    %c0_i32 = arith.constant 0 : i32
    %c0_i32_0 = arith.constant 0 : i32
    %c0_i32_1 = arith.constant 0 : i32
    return %c0_i32, %c0_i32_0 : i32, i32
  }
  func.func @transform_5(%arg0: i32) -> (i32, i32) {
    %c0_i32 = arith.constant 0 : i32
    %c0_i32_0 = arith.constant 0 : i32
    %c0_i32_1 = arith.constant 0 : i32
    return %c0_i32, %c0_i32_0 : i32, i32
  }
  func.func @transform_6(%arg0: i32) -> (i32, i32) {
    %c0_i32 = arith.constant 0 : i32
    %c0_i32_0 = arith.constant 0 : i32
    %c0_i32_1 = arith.constant 0 : i32
    return %c0_i32, %c0_i32_0 : i32, i32
  }
  func.func @transform_7(%arg0: i32) -> (i32, i32) {
    %c0_i32 = arith.constant 0 : i32
    %c0_i32_0 = arith.constant 0 : i32
    %c0_i32_1 = arith.constant 0 : i32
    return %c0_i32, %c0_i32_0 : i32, i32
  }
  func.func @transform_8(%arg0: i32) -> (i32, i32) {
    %c0_i32 = arith.constant 0 : i32
    %c0_i32_0 = arith.constant 0 : i32
    %c0_i32_1 = arith.constant 0 : i32
    return %c0_i32, %c0_i32_0 : i32, i32
  }
  func.func @transform_9(%arg0: i32) -> (i32, i32) {
    %c0_i32 = arith.constant 0 : i32
    %c0_i32_0 = arith.constant 0 : i32
    %c0_i32_1 = arith.constant 0 : i32
    return %c0_i32, %c0_i32_0 : i32, i32
  }
  func.func @transform_10(%arg0: i32) -> (i32, i32, i32) {
    %c0_i32 = arith.constant 0 : i32
    %c0_i32_0 = arith.constant 0 : i32
    %c0_i32_1 = arith.constant 0 : i32
    return %arg0, %c0_i32, %c0_i32_0 : i32, i32, i32
  }
  func.func @transform_11(%arg0: i32) -> (i32, i32) {
    %c0_i32 = arith.constant 0 : i32
    %c0_i32_0 = arith.constant 0 : i32
    %c0_i32_1 = arith.constant 0 : i32
    return %c0_i32, %c0_i32_0 : i32, i32
  }
}

</mosaic_0001>

<sc_bundles>
// kernel: kernel.6.cloned.1.call-start
scs
__scs_entry_jumppad:
0x0: {  	(pc) =	sbr.rel $0x88, $3  }
0x1: {  	(tag) =	ssettag $0x0;
	lr =	simm.s32 $0x1  }
0x2: {  	[smem:$0x3F97] =	sst lr;
	_ =	strace $0xD0000000  }
0x3: {  	_ = 	snop  }
0x4: {  	_ = 	snop  }
0x5: {  	_ = 	snop  }
0x6: {  	_ = 	snop  }
0x7: {  	_ = 	snop  }
__scs_overlays_trampoline_lowered:
0x8: {  	[smem:$0x3FA6] =	sst s0  }
0x9: {  	[smem:$0x3FA7] =	sst s1  }
0xa: {  	[smem:$0x3FA8] =	sst s2  }
0xb: {  	[smem:$0x3FA9] =	sst s3  }
0xc: {  	[smem:$0x3FAA] =	sst s4  }
0xd: {  	[smem:$0x3FAB] =	sst s5  }
0xe: {  	[smem:$0x3FAC] =	sst s6  }
0xf: {  	[smem:$0x3FAD] =	sst s7  }
0x10: {  	[smem:$0x3FAE] =	sst s8  }
0x11: {  	[smem:$0x3FAF] =	sst s9;
	s0 =	simm.s32 @!p0 $0x0  }
0x12: {  	s1 =	sld [smem:$0x3F95];
	s0 =	simm.s32 @p0 $0x1  }
0x13: {  	[smem:$0x3FB0] =	sst s0;
	s0 =	simm.s32 @!p1 $0x0  }
0x14: {  	s2 =	sld [smem:$0x3F94];
	s0 =	simm.s32 @p1 $0x1  }
0x15: {  	[smem:$0x3FB1] =	sst s0;
	s0 =	simm.s32 @!p2 $0x0  }
0x16: {  	s3 =	sld [smem:$0x3FDB];
	s0 =	simm.s32 @p2 $0x1  }
0x17: {  	s4 =	simm.s32 $0x1BF5;
	[smem:$0x3FB3] =	sst s0  }
0x18: {  	s0 =	sld [smem:$0x3F96];
	_ =	swait.ge [sflag:s4], $0x0  }
0x19: {  	s7 =	sld [smem:$0x3F97]  }
0x1a: {  	s8 =	sadd.s32 $0xFFFFE003, lr  }
0x1b: {  	s9 =	sadd.s32 $0xFFFFFEF7, lr;
	s5 =	simm.s32 $0xFFFFFFFF;
	p2 =	slt.u32 s8, $0xFFFFF086  }
0x1c: {  	p1 =	slt.u32 s9, $0xF7A;
	s5 =	simm.s32 @!p2 $0x0  }
0x1d: {  	s5 =	simm.s32 @p1 $0x1;
	p0 =	seq.s32 s7, s2  }
0x1e: {  	s7 =	smul.u32 @!p0 $0xF7A, s2;
	p2 =	seq.s32 @!p0 s5, $0x0  }
0x1f: {  	s9 =	smul.u32 $0xF7A, s1;
	s8 =	simm.s32 @!p0 $0x1BF5;
	p2 =	por !p2, p0  }
0x20: {  	[sflag:s8] =	ssyncset.s32 @!p0 $0xFFFFF086;
	s6 =	sadd.s32 @!p0 s3, s7;
	s7 =	simm.s32 @!p0 $0x108  }
0x21: {  	s3 =	sadd.s32 s3, s9;
	s6 =	sadd.s32 @!p0 $0x88, s6;
	s7 =	simm.s32 @p2 $0x1082  }
0x22: {  	[simem:s7], [sflag:s8] =	dma.local @!p0 [hbm:s6], $0xF7A  }
0x23: {  	s9 =	sor.u32 $0xD0000000, s2;
	s6 =	simm.s32 $0x108;
	_ =	swait.ge @!p0 [sflag:s8], $0x0  }
0x24: {  	s3 =	sadd.s32 $0x88, s3;
	s6 =	simm.s32 @!p1 $0x1082;
	[sflag:s4] =	ssyncset.s32 $0xFFFFF086  }
0x25: {  	[simem:s6], [sflag:s4] =	dma.local [hbm:s3], $0xF7A  }
0x26: {  	[smem:$0x3F97] =	sst s1;
	(tag) =	ssettag s2;
	_ =	strace s9  }
0x27: {  	s1 =	sld [smem:$0x3FA7]  }
0x28: {  	s2 =	sld [smem:$0x3FA8]  }
0x29: {  	s4 =	sld [smem:$0x3FAA]  }
0x2a: {  	p0 =	seq.s32 s5, $0x0;
	s5 =	sld [smem:$0x3FAB]  }
0x2b: {  	s6 =	sld [smem:$0x3FAC]  }
0x2c: {  	s7 =	sld [smem:$0x3FAD]  }
0x2d: {  	s3 =	simm.s32 $0x108;
	s8 =	sld [smem:$0x3FAE]  }
0x2e: {  	s3 =	simm.s32 @!p0 $0x1082;
	s9 =	sld [smem:$0x3FAF]  }
0x2f: {  	lr =	sadd.s32 s0, s3;
	s0 =	sld [smem:$0x3FA6]  }
0x30: {  	s3 =	sld [smem:$0x3FA9]  }
0x31: {  	[smem:$0x3FB2] =	sst s10  }
0x32: {  	s10 =	sld [smem:$0x3FB0];
	_ =	sdelay $0x3  }
0x33: {  	p0 =	seq.s32 s10, $0x1;
	s10 =	sld [smem:$0x3FB2];
	_ =	sdelay $0x3  }
0x34: {  	[smem:$0x3FB2] =	sst s10  }
0x35: {  	s10 =	sld [smem:$0x3FB1];
	_ =	sdelay $0x3  }
0x36: {  	p1 =	seq.s32 s10, $0x1;
	s10 =	sld [smem:$0x3FB2];
	_ =	sdelay $0x3  }
0x37: {  	[smem:$0x3FB2] =	sst s10  }
0x38: {  	s10 =	sld [smem:$0x3FB3]  }
0x39: {  	_ = 	snop;
	(pc) =	sbr.ind lr, $3  }
0x3a: {  	_ = 	snop  }
0x3b: {  	_ = 	snop  }
0x3c: {  	p2 =	seq.s32 s10, $0x1;
	s10 =	sld [smem:$0x3FB2]  }
0x3d: {  	_ =	shalt  }
0x3e: {  	_ =	shalt  }
0x3f: {  	_ =	shalt  }
0x40: {  	_ =	shalt  }
0x41: {  	_ =	shalt  }
0x42: {  	_ =	shalt  }
0x43: {  	_ =	shalt  }
0x44: {  	_ =	shalt  }
0x45: {  	_ =	shalt  }
0x46: {  	_ =	shalt  }
0x47: {  	_ =	shalt  }
0x48: {  	_ =	shalt  }
0x49: {  	_ =	shalt  }
0x4a: {  	_ =	shalt  }
0x4b: {  	_ =	shalt  }
0x4c: {  	_ =	shalt  }
0x4d: {  	_ =	shalt  }
0x4e: {  	_ =	shalt  }
0x4f: {  	_ =	shalt  }
0x50: {  	_ =	shalt  }
0x51: {  	_ =	shalt  }
0x52: {  	_ =	shalt  }
0x53: {  	_ =	shalt  }
0x54: {  	_ =	shalt  }
0x55: {  	_ =	shalt  }
0x56: {  	_ =	shalt  }
0x57: {  	_ =	shalt  }
0x58: {  	_ =	shalt  }
0x59: {  	_ =	shalt  }
0x5a: {  	_ =	shalt  }
0x5b: {  	_ =	shalt  }
0x5c: {  	_ =	shalt  }
0x5d: {  	_ =	shalt  }
0x5e: {  	_ =	shalt  }
0x5f: {  	_ =	shalt  }
0x60: {  	_ =	shalt  }
0x61: {  	_ =	shalt  }
0x62: {  	_ =	shalt  }
0x63: {  	_ =	shalt  }
0x64: {  	_ =	shalt  }
0x65: {  	_ =	shalt  }
0x66: {  	_ =	shalt  }
0x67: {  	_ =	shalt  }
0x68: {  	_ =	shalt  }
0x69: {  	_ =	shalt  }
0x6a: {  	_ =	shalt  }
0x6b: {  	_ =	shalt  }
0x6c: {  	_ =	shalt  }
0x6d: {  	_ =	shalt  }
0x6e: {  	_ =	shalt  }
0x6f: {  	_ =	shalt  }
0x70: {  	_ =	shalt  }
0x71: {  	_ =	shalt  }
0x72: {  	_ =	shalt  }
0x73: {  	_ =	shalt  }
0x74: {  	_ =	shalt  }
0x75: {  	_ =	shalt  }
0x76: {  	_ =	shalt  }
0x77: {  	_ =	shalt  }
0x78: {  	_ =	shalt  }
0x79: {  	_ =	shalt  }
0x7a: {  	_ =	shalt  }
0x7b: {  	_ =	shalt  }
0x7c: {  	_ =	shalt  }
0x7d: {  	_ =	shalt  }
0x7e: {  	_ =	shalt  }
0x7f: {  	_ =	shalt  }
0x80: {  	_ =	shalt  }
0x81: {  	_ =	shalt  }
0x82: {  	_ =	shalt  }
0x83: {  	_ =	shalt  }
0x84: {  	_ =	shalt  }
0x85: {  	_ =	shalt  }
0x86: {  	_ =	shalt  }
0x87: {  	_ =	shalt  }
.Lfunc_end0:
.L_simem_size_0:
called_computation_lowered:
.L_overlay_start_0:
0x88: {  	s2 =	sld [smem:$0x3FD9]  }
0x89: {  	s3 =	sld [smem:$0x3FFE];
	_ =	sdelay $0x1  }
0x8a: {  	s1 =	srdreg.scid  }
0x8b: {  	s0 =	sand.u32 $0x1, s1  }
0x8c: {  	s16 =	sshll.u32 s0, $0xA;
	s2 =	sadd.s32 s3, s2  }
0x8d: {  	s2 =	sadd.s32 s2, s16  }
0x8e: {  	[smem:$0x3FBE] =	sst s2  }
0x8f: {  	_ = 	snop  }
0x90: {  	(tm) =	ssettm $0x1  }
0x91: {  	s17 =	sld [smem:$0x3FFB];
	_ =	sdelay $0x3  }
0x92: {  	_ =	strace s17  }
0x93: {  	s2 =	sld [smem:$0x3FFC];
	_ =	sdelay $0x3  }
0x94: {  	_ =	strace s2  }
0x95: {  	s2 =	sld [smem:$0x3FFD];
	_ =	sdelay $0x3  }
0x96: {  	_ =	strace s2  }
0x97: {  	_ =	strace $0x8FFFFFFF  }
0x98: {  	s18 =	sld [smem:$0x3FDB];
	_ =	sdelay $0x1  }
0x99: {  	s19 =	simm.s32 $_scs_section_size  }
0x9a: {  	s4 =	simm.s32 $_size__tile_overlayer_lowered;
	s5 =	simm.s32 $_tile_overlayer_lowered  }
0x9b: {  	s22 =	simm.s32 $0x1BFF;
	s21 =	sshll.u32 s5, $0x1;
	s2 =	sadd.s32 s19, s18  }
0x9c: {  	s6 =	simm.s32 $0x0;
	s20 =	sshll.u32 s4, $0x1;
	s4 =	sadd.s32 s21, s2  }
0x9d: {  	[timem:s6], [sflag:s22] =	dma.local [hbm:s4], s20  }
0x9e: {  	_ =	swait.ge [sflag:s22], s20  }
0x9f: {  	s3 =	ssub.s32 $0x0, s20;
	[sflag:s22] =	ssyncset.done $0x0  }
0xa0: {  	[sflag:s22] =	ssyncadd.s32 s3;
	_ =	sdelay $0x1  }
0xa1: {  	s23 =	simm.s32 $0x1B8B  }
0xa2: {  	_ =	swait.ge [sflag:s23], $0x1  }
0xa3: {  	[sflag:s23] =	ssyncset.done $0x0  }
0xa4: {  	s25 =	simm.s32 $0x1B8E;
	s24 =	sld [smem:$0x3FFE];
	[sflag:s23] =	ssyncadd.s32 $0xFFFFFFFF  }
0xa5: {  	s26 =	simm.s32 $execute0_lowered;
	[smem:$0x3FD2] =	sst s25  }
0xa6: {  	s4 =	sshll.u32 s26, $0x1;
	_ =	strace $0x80000046;
	[dreg:$0x1] =	wrdreg $0xFFFFFFFF  }
0xa7: {  	s28 =	simm.s32 $_size_execute0_lowered;
	s2 =	sadd.s32 s2, s4;
	[dreg:$0x0] =	wrdreg $0x0  }
0xa8: {  	s4 =	sshll.u32 s28, $0x1;
	[dreg:$0x2] =	wrdreg s2  }
0xa9: {  	[dreg:$0x3] =	wrdreg s4  }
0xaa: {  	[dreg:$0x4] =	wrdreg $0xC0  }
0xab: {  	_ =	task [dreg:s6], $0x5FFFF  }
0xac: {  	[dreg:$0x1] =	wrdreg $0xFFFFFFFF  }
0xad: {  	[dreg:$0x0] =	wrdreg $0x60  }
0xae: {  	[dreg:$0x2] =	wrdreg s24  }
0xaf: {  	[dreg:$0x3] =	wrdreg $0x9  }
0xb0: {  	_ =	task.clear_ibuf [dreg:s6], $0x4FFFF;
	_ =	strace $0x90000046  }
0xb1: {  	s29 =	simm.s32 $0x9;
	_ =	strace $0x80000048  }
0xb2: {  	_ =	swait.ge [sflag:s29], $0x1  }
0xb3: {  	[sflag:s29] =	ssyncadd.s32 $0xFFFFFFFF  }
0xb4: {  	_ =	strace $0x90000048  }
0xb5: {  	_ =	sfence  }
0xb6: {  	s30 =	sld [smem:$0x0];
	_ =	sdelay $0x2  }
0xb7: {  	s31 =	sshll.u32 s1, $0xD;
	s1 =	sshrl.u32 s1, $0x2  }
0xb8: {  	s3 =	sand.u32 $0x4000, s31;
	s1 =	sadd.s32 s1, s30  }
0xb9: {  	s0 =	sor.u32 s3, s0;
	s1 =	sshll.u32 s1, $0x11  }
0xba: {  	s0 =	sor.u32 s1, s0  }
0xbb: {  	s0 =	sadd.s32 $0x8F2B, s0  }
0xbc: {  	[sflag:s0] =	ssyncadd.remote.s32 $0x1  }
0xbd: {  	_ =	sfence.sel $0xFFFF  }
0xbe: {  	[dreg:$0x0] =	wrdreg $0xFFFFFFFF;
	(pc) =	sbr.abs _section_cstart, $3  }
0xbf: {  	[dreg:$0x1] =	wrdreg $0xFFFFFFFF  }
0xc0: {  	_ =	task.clear_ibuf [dreg:s6], $0x2FFFF;
	_ =	strace $0x9FFFFFFF  }
0xc1: {  	(tm) =	ssettm $0x7FFFFFFF  }
tec
execute0_lowered:
.L_overlay_start_1:
0x0: {  	(tag) =	ssettag $0x1  }
0x1: {  	s1 =	srdreg.scid;
	s0 =	stileid.u32  }
0x2: {  	s6 =	rddreg [dreg:$0x0];
	s3 =	simm.s32 $0x1;
	s5 =	sand.u32 $0x1, s1  }
0x3: {  	s2 =	simm.s32 $0x0;
	s11 =	simm.s32 $0x9000;
	s1 =	sor.u32 s5, s0  }
0x4: {  	s12 =	simm.s32 $0x9200;
	p1 =	seq.s32 s5, $0x1;
	p0 =	seq.s32 s1, $0x0  }
0x5: {  	s13 =	simm.s32 $0x0;
	[smem:$0x7FF] =	sst s2;
	p0 =	por !p0, !p1  }
0x6: {  	s9 =	sshll.u32 s5, $0x7;
	s10 =	ssub.s32 $0x2, s5;
	p0 =	por !p0, !p0  }
0x7: {  	s5 =	sshll.u32 s5, $0x4;
	s1 =	rddreg [dreg:$0x1];
	s3 =	simm.s32 @!p0 $0x0  }
0x8: {  	_ =	strace $0x80000047;
	s31 =	sshrl.u32 s10, $0x1;
	s4 =	ssub.s32 s0, s3  }
0x9: {  	v0 =	vlaneseq.u32;
	s10 =	ssub.s32 s10, s31;
	s3 =	simm.s32 $0x1;
	s7 =	sshll.u32 s4, $0xC  }
0xa: {  	v17 =	vor.u32 s5, v0;
	s8 =	sshll.u32 s4, $0x9;
	s4 =	sshll.u32 s4, $0x8;
	s7 =	sand.u32 $0x1FFFF000, s7  }
0xb: {  	v0 =	vshll.u32 v17, $0x7;
	s8 =	sand.u32 $0x1FFFFE00, s8;
	s9 =	sor.u32 s9, s4;
	s4 =	sadd.s32 $0x13C00, s6  }
0xc: {  	v1 =	vor.u32 $0x1, v0;
	[tilespmem:$0x1FFE0] =	vst v0;
	s7 =	sadd.s32 s7, s6;
	s8 =	sadd.s32 s8, s6;
	s9 =	sshrl.u32 s9, $0x3  }
0xd: {  	v0 =	vor.u32 $0x2, v0;
	[tilespmem:$0x1FFD0] =	vst v1;
	s9 =	sadd.s32 s9, s6;
	s6 =	sadd.s32 $0x3C00, s7;
	s7 =	sadd.s32 $0x1C00, s8  }
0xe: {  	[tilespmem:$0x1FFF0] =	vst v0;
	s8 =	sadd.s32 $0x13E00, s9;
	s9 =	smax.u32 s10, $0x1;
	s10 =	simm.s32 $0x8000  }
.LBB2_1:
0xf: {  	[tilespmem:s2], [sflag:$0x1] =	stream.linear.gather [hbm4b:s6+s2], $0x8000, $0x38;
	[tilespmem:$0x9280] =	vst v63  }
0x10: {  	_ =	swait.ge [sflag:s3], $0x8000  }
0x11: {  	[sflag:s3] =	ssyncset.done $0x0  }
0x12: {  	[sflag:s3] =	ssyncadd.s32 $0xFFFF8000  }
0x13: {  	[tilespmem:s10], [sflag:$0x1] =	stream.linear.gather [hbm4b:s7+s2], $0x1000, $0x38;
	[tilespmem:$0x9280] =	vst v63  }
0x14: {  	_ =	swait.ge [sflag:s3], $0x1000  }
0x15: {  	[sflag:s3] =	ssyncset.done $0x0  }
0x16: {  	[sflag:s3] =	ssyncadd.s32 $0xFFFFF000  }
0x17: {  	[tilespmem:s11], [sflag:$0x1] =	stream.linear.gather [hbm4b:s4+s2], $0x180, $0x38;
	[tilespmem:$0x9280] =	vst v63  }
0x18: {  	_ =	swait.ge [sflag:s3], $0x180  }
0x19: {  	v0 =	vld [tilespmem:$0x1FFE0]  }
0x1a: {  	v1 =	vld [tilespmem:$0x1FFD0]  }
0x1b: {  	v2 =	vld [tilespmem:$0x1FFF0];
	_ =	sdelay $0x3  }
0x1c: {  	[sflag:s3] =	ssyncset.done $0x0  }
0x1d: {  	[sflag:s3] =	ssyncadd.s32 $0xFFFFFE80  }
0x1e: {  	v0 =	vld.idx.msk [tilespmem:v0+s10+$0x0], $0xffff  }
0x1f: {  	v1 =	vld.idx.msk [tilespmem:v1+s10+$0x0], $0xffff  }
0x20: {  	v2 =	vld.idx.msk [tilespmem:v2+s10+$0x0], $0xffff;
	_ =	sdelay $0x3  }
0x21: {  	vm0 =	vgt.f32 v1, v0;
	v0 =	vmax.f32 v0, v1  }
0x22: {  	vm1 =	vgt.f32 v2, v0;
	v0 =	vimm.s32 $0x0  }
0x23: {  	v0 =	vsel vm0, $0x80, v0  }
0x24: {  	v0 =	vsel vm1, $0x100, v0  }
0x25: {  	v1 =	vor.u32 $0x20, v0;
	_ =	sdelay $0x2  }
0x26: {  	s14 =	sand.u32 $0x60, s2;
	s15 =	simm.s32 $0x1000  }
0x27: {  	s16 =	sor.u32 s5, s14;
	s28 =	sand.u32 $0x1C00, s15  }
0x28: {  	s14 =	sor.u32 s16, s28;
	v1 =	vld.idx.msk [tilespmem:v1+s11+$0x0], $0xffff  }
0x29: {  	v6 =	vld [tilespmem:s14+$0x6100]  }
0x2a: {  	v7 =	vld [tilespmem:s14+$0x6180]  }
0x2b: {  	v8 =	vld [tilespmem:s14+$0x4200]  }
0x2c: {  	v9 =	vld [tilespmem:s14+$0x4280];
	v5 =	vor.u32 $0x5, v0  }
0x2d: {  	v10 =	vld [tilespmem:s14+$0x4300];
	[tilespmem:$0x1FE20] =	vst v1;
	v1 =	vor.u32 $0x4, v0  }
0x2e: {  	v11 =	vld [tilespmem:s14+$0x4380];
	v2 =	vor.u32 $0x1, v0  }
0x2f: {  	v12 =	vld [tilespmem:s14+$0x4000];
	v3 =	vor.u32 $0x2, v0  }
0x30: {  	v13 =	vld [tilespmem:s14+$0x4080];
	v4 =	vor.u32 $0x3, v0  }
0x31: {  	v30 =	vld.idx.msk [tilespmem:v5+s11+$0x0], $0xffff;
	v5 =	vor.u32 $0xA, v0  }
0x32: {  	v26 =	vld.idx.msk [tilespmem:v1+s11+$0x0], $0xffff;
	v1 =	vor.u32 $0x9, v0  }
0x33: {  	v59 =	vld.idx.msk [tilespmem:v2+s11+$0x0], $0xffff;
	v2 =	vor.u32 $0x6, v0  }
0x34: {  	v61 =	vld.idx.msk [tilespmem:v3+s11+$0x0], $0xffff;
	v3 =	vor.u32 $0x7, v0  }
0x35: {  	v27 =	vld.idx.msk [tilespmem:v4+s11+$0x0], $0xffff;
	v4 =	vor.u32 $0x8, v0  }
0x36: {  	v35 =	vld.idx.msk [tilespmem:v5+s11+$0x0], $0xffff;
	v5 =	vor.u32 $0xF, v0  }
0x37: {  	v34 =	vld.idx.msk [tilespmem:v1+s11+$0x0], $0xffff;
	v1 =	vor.u32 $0xE, v0  }
0x38: {  	v31 =	vld.idx.msk [tilespmem:v2+s11+$0x0], $0xffff;
	v2 =	vor.u32 $0xB, v0  }
0x39: {  	v33 =	vld.idx.msk [tilespmem:v3+s11+$0x0], $0xffff;
	v3 =	vor.u32 $0xC, v0  }
0x3a: {  	v36 =	vld.idx.msk [tilespmem:v4+s11+$0x0], $0xffff;
	v4 =	vor.u32 $0xD, v0  }
0x3b: {  	v5 =	vld.idx.msk [tilespmem:v5+s11+$0x0], $0xffff  }
0x3c: {  	v1 =	vld.idx.msk [tilespmem:v1+s11+$0x0], $0xffff  }
0x3d: {  	v32 =	vld.idx.msk [tilespmem:v2+s11+$0x0], $0xffff;
	v2 =	vor.u32 $0x10, v0  }
0x3e: {  	v29 =	vld.idx.msk [tilespmem:v3+s11+$0x0], $0xffff;
	v3 =	vor.u32 $0x11, v0  }
0x3f: {  	v28 =	vld.idx.msk [tilespmem:v4+s11+$0x0], $0xffff;
	v4 =	vor.u32 $0x12, v0  }
0x40: {  	v14 =	vld [tilespmem:s14+$0x4100];
	[tilespmem:$0x1FF50] =	vst v5;
	v5 =	vor.u32 $0x14, v0  }
0x41: {  	v58 =	vld.idx.msk [tilespmem:v0+s11+$0x0], $0xffff;
	[tilespmem:$0x1FF30] =	vst v1;
	v1 =	vor.u32 $0x13, v0  }
0x42: {  	v25 =	vld.idx.msk [tilespmem:v2+s11+$0x0], $0xffff;
	v2 =	vor.u32 $0x15, v0  }
0x43: {  	v23 =	vld.idx.msk [tilespmem:v3+s11+$0x0], $0xffff;
	v3 =	vor.u32 $0x16, v0  }
0x44: {  	v24 =	vld.idx.msk [tilespmem:v4+s11+$0x0], $0xffff;
	v4 =	vor.u32 $0x17, v0  }
0x45: {  	v48 =	vld.idx.msk [tilespmem:v5+s11+$0x0], $0xffff;
	v5 =	vor.u32 $0x19, v0  }
0x46: {  	v54 =	vld.idx.msk [tilespmem:v1+s11+$0x0], $0xffff;
	v1 =	vor.u32 $0x18, v0  }
0x47: {  	v47 =	vld.idx.msk [tilespmem:v2+s11+$0x0], $0xffff  }
0x48: {  	v50 =	vld.idx.msk [tilespmem:v3+s11+$0x0], $0xffff  }
0x49: {  	v22 =	vld.idx.msk [tilespmem:v4+s11+$0x0], $0xffff  }
0x4a: {  	v2 =	vor.u32 $0x1A, v0;
	v3 =	vor.u32 $0x1B, v0;
	v4 =	vor.u32 $0x1C, v0;
	v19 =	vld.idx.msk [tilespmem:v5+s11+$0x0], $0xffff  }
0x4b: {  	v5 =	vor.u32 $0x1E, v0;
	v21 =	vld.idx.msk [tilespmem:v1+s11+$0x0], $0xffff;
	v1 =	vor.u32 $0x1D, v0;
	v0 =	vor.u32 $0x1F, v0  }
0x4c: {  	v57 =	vld [tilespmem:s14+$0x2300]  }
0x4d: {  	v38 =	vld [tilespmem:s14+$0x2080]  }
0x4e: {  	v63 =	vld [tilespmem:s14+$0x2180]  }
0x4f: {  	v52 =	vld [tilespmem:s14+$0x200]  }
0x50: {  	v0 =	vld.idx.msk [tilespmem:v0+s11+$0x0], $0xffff  }
0x51: {  	v20 =	vld.idx.msk [tilespmem:v2+s11+$0x0], $0xffff  }
0x52: {  	v18 =	vld.idx.msk [tilespmem:v3+s11+$0x0], $0xffff  }
0x53: {  	v37 =	vld.idx.msk [tilespmem:v4+s11+$0x0], $0xffff  }
0x54: {  	v15 =	vld.idx.msk [tilespmem:v1+s11+$0x0], $0xffff  }
0x55: {  	[tilespmem:$0x1FE30] =	vst v0;
	v0 =	vld [tilespmem:s14+$0x6200]  }
0x56: {  	v1 =	vld [tilespmem:s14+$0x6280]  }
0x57: {  	s29 =	sand.u32 $0xC00, s2;
	v2 =	vld [tilespmem:s14+$0x6300]  }
0x58: {  	s15 =	sor.u32 s16, s29;
	v16 =	vld.idx.msk [tilespmem:v5+s11+$0x0], $0xffff  }
0x59: {  	v3 =	vld [tilespmem:s15+$0x6200]  }
0x5a: {  	v40 =	vmul.f32 v0, v37;
	v0 =	vld [tilespmem:s14+$0x0]  }
0x5b: {  	s30 =	sand.u32 $0x3, s2;
	v41 =	vmul.f32 v1, v15;
	v1 =	vld [tilespmem:s14+$0x80]  }
0x5c: {  	s16 =	sshll.u32 s30, $0x5;
	v4 =	vld [tilespmem:s14+$0x6000]  }
0x5d: {  	s16 =	sadd.s32 s16, s5;
	[tilespmem:$0x1FF80] =	vst v38;
	v38 =	vmul.f32 v2, v16;
	v2 =	vld [tilespmem:s14+$0x280]  }
0x5e: {  	s17 =	sadd.s32 $0x1000, s16;
	[tilespmem:$0x1FEA0] =	vst v48;
	v48 =	vmul.f32 v8, v48;
	v39 =	vmul.f32 v3, v37;
	v3 =	vld [tilespmem:s14+$0x100]  }
0x5f: {  	s18 =	sor.u32 $0x300, s17;
	v43 =	vmul.f32 v6, v20;
	v6 =	vld [tilespmem:s14+$0x180];
	v0 =	vmul.f32 v0, v58  }
0x60: {  	s17 =	sor.u32 $0x380, s17;
	v44 =	vmul.f32 v7, v18;
	v7 =	vld [tilespmem:s18+$0x0];
	v1 =	vmul.f32 v1, v59  }
0x61: {  	v8 =	vld [tilespmem:s17+$0x0];
	v45 =	vmul.f32 v4, v21;
	v4 =	vmul.f32 v52, v26;
	v0 =	vadd.f32 $0.0e+00, v0  }
0x62: {  	v60 =	vld [tilespmem:s14+$0x2380];
	v2 =	vmul.f32 v2, v30;
	v1 =	vadd.f32 $0.0e+00, v1  }
0x63: {  	v53 =	vld [tilespmem:s14+$0x2100];
	[tilespmem:$0x1FFC0] =	vst v63;
	v63 =	vadd.f32 v4, v0;
	v0 =	vmul.f32 v3, v61  }
0x64: {  	v5 =	vld [tilespmem:s14+$0x6080];
	v4 =	vadd.f32 v2, v1;
	v1 =	vmul.f32 v6, v27  }
0x65: {  	v49 =	vmul.f32 v9, v47;
	v9 =	vld [tilespmem:s15+$0x0];
	v2 =	vmul.f32 v7, v31;
	v0 =	vadd.f32 $0.0e+00, v0  }
0x66: {  	[tilespmem:$0x1FEB0] =	vst v47;
	v47 =	vmul.f32 v10, v50;
	v10 =	vld [tilespmem:s15+$0x80];
	v3 =	vmul.f32 v8, v33;
	v1 =	vadd.f32 $0.0e+00, v1  }
0x67: {  	v2 =	vadd.f32 v2, v0;
	v0 =	vld [tilespmem:$0x1FF30]  }
0x68: {  	v3 =	vadd.f32 v3, v1;
	v1 =	vld [tilespmem:$0x1FF50]  }
0x69: {  	[tilespmem:$0x1FFB0] =	vst v53;
	v46 =	vmul.f32 v5, v19;
	v5 =	vld [tilespmem:s15+$0x200]  }
0x6a: {  	[tilespmem:$0x1FF40] =	vst v58;
	v6 =	vld [tilespmem:s15+$0x280]  }
0x6b: {  	v42 =	vld [tilespmem:s14+$0x4180];
	[tilespmem:$0x1FF60] =	vst v59;
	v51 =	vmul.f32 v12, v25  }
0x6c: {  	v55 =	vld [tilespmem:s14+$0x2200];
	[tilespmem:$0x1FF90] =	vst v61;
	v57 =	vmul.f32 v57, v0;
	v0 =	vmul.f32 v9, v58  }
0x6d: {  	v56 =	vld [tilespmem:s14+$0x2280];
	[tilespmem:$0x1FFA0] =	vst v27;
	v58 =	vmul.f32 v60, v1;
	v1 =	vmul.f32 v10, v59  }
0x6e: {  	v62 =	vld [tilespmem:s14+$0x2000];
	[tilespmem:$0x1FEC0] =	vst v50;
	v50 =	vmul.f32 v11, v22;
	v5 =	vmul.f32 v5, v26  }
0x6f: {  	[tilespmem:$0x1FF70] =	vst v26;
	v26 =	vld [tilespmem:s15+$0x2000];
	v6 =	vmul.f32 v6, v30;
	v11 =	vadd.f32 $0.0e+00, v0;
	v12 =	vadd.f32 $0.0e+00, v1  }
0x70: {  	[tilespmem:$0x1FF20] =	vst v28;
	v7 =	vld [tilespmem:s15+$0x100]  }
0x71: {  	[tilespmem:$0x1FEE0] =	vst v25;
	v1 =	vadd.f32 v5, v11;
	v5 =	vadd.f32 v6, v12;
	v6 =	vld [tilespmem:$0x1FFB0]  }
0x72: {  	s31 =	sor.u32 $0x300, s16;
	[tilespmem:$0x1FEF0] =	vst v23;
	v8 =	vld [tilespmem:s15+$0x180]  }
0x73: {  	s16 =	sor.u32 $0x380, s16;
	[tilespmem:$0x1FF00] =	vst v24;
	v9 =	vld [tilespmem:s31+$0x0]  }
0x74: {  	[tilespmem:$0x1FED0] =	vst v22;
	v10 =	vld [tilespmem:s16+$0x0]  }
0x75: {  	v55 =	vmul.f32 v55, v29;
	v56 =	vmul.f32 v56, v28;
	[tilespmem:$0x1FE70] =	vst v19;
	v0 =	vld [tilespmem:$0x1FF80]  }
0x76: {  	[tilespmem:$0x1FE80] =	vst v20;
	v11 =	vmul.f32 v7, v61;
	v61 =	vmul.f32 v6, v35;
	v6 =	vld [tilespmem:$0x1FFC0]  }
0x77: {  	[tilespmem:$0x1FE90] =	vst v18;
	v52 =	vmul.f32 v13, v23;
	v13 =	vmul.f32 v8, v27;
	v8 =	vld [tilespmem:s15+$0x2100]  }
0x78: {  	v53 =	vmul.f32 v14, v24;
	[tilespmem:$0x1FF10] =	vst v54;
	v54 =	vmul.f32 v42, v54;
	v7 =	vld [tilespmem:s15+$0x2180]  }
0x79: {  	[tilespmem:$0x1FE50] =	vst v16;
	v59 =	vmul.f32 v62, v36;
	v12 =	vadd.f32 $0.0e+00, v13;
	v13 =	vmul.f32 v9, v31;
	v9 =	vld [tilespmem:s15+$0x2280]  }
0x7a: {  	s19 =	simm.s32 $0x0;
	s20 =	simm.s32 $0x0;
	s21 =	smov.u32 s5;
	v42 =	vimm.f32 $0.0e+00;
	[tilespmem:$0x1FE60] =	vst v21;
	v14 =	vmul.f32 v10, v33;
	v60 =	vmul.f32 v0, v34;
	v0 =	vld [tilespmem:s15+$0x2080]  }
0x7b: {  	s17 =	simm.s32 $0x1;
	s18 =	simm.s32 $0x0;
	[tilespmem:$0x1FE40] =	vst v15;
	s16 =	simm.s32 $0x0;
	v10 =	vmul.f32 v26, v36;
	v11 =	vadd.f32 $0.0e+00, v11;
	v62 =	vmul.f32 v6, v32;
	v6 =	vld [tilespmem:s15+$0x2200]  }
.LBB2_2:
0x7c: {  	v23 =	vld [tilespmem:s15+$0x4000]  }
0x7d: {  	v27 =	vld [tilespmem:$0x1FF20]  }
0x7e: {  	v28 =	vld [tilespmem:$0x1FF30]  }
0x7f: {  	v26 =	vld [tilespmem:$0x1FF50]  }
0x80: {  	v25 =	vld [tilespmem:$0x1FEE0]  }
0x81: {  	v24 =	vld [tilespmem:$0x1FF00]  }
0x82: {  	v22 =	vld [tilespmem:$0x1FE60]  }
0x83: {  	v20 =	vld [tilespmem:$0x1FE70]  }
0x84: {  	v21 =	vld [tilespmem:$0x1FE80]  }
0x85: {  	v19 =	vld [tilespmem:$0x1FE90]  }
0x86: {  	v16 =	vld [tilespmem:$0x1FE40]  }
0x87: {  	v18 =	vld [tilespmem:$0x1FE50]  }
0x88: {  	v15 =	vld [tilespmem:$0x1FE30]  }
0x89: {  	v11 =	vadd.f32 v13, v11;
	v13 =	vld [tilespmem:s15+$0x2300]  }
0x8a: {  	v12 =	vadd.f32 v14, v12;
	v14 =	vld [tilespmem:s15+$0x2380]  }
0x8b: {  	v2 =	vadd.f32 v61, v2;
	v1 =	vadd.f32 v10, v1;
	v10 =	vld [tilespmem:s15+$0x4100]  }
0x8c: {  	v59 =	vadd.f32 v59, v63;
	v3 =	vadd.f32 v62, v3;
	v63 =	vld [tilespmem:$0x1FF10]  }
0x8d: {  	v4 =	vadd.f32 v60, v4;
	v62 =	vld [tilespmem:$0x1FEA0];
	v2 =	vadd.f32 v57, v2  }
0x8e: {  	v61 =	vld [tilespmem:s15+$0x6280];
	v3 =	vadd.f32 v58, v3  }
0x8f: {  	v4 =	vadd.f32 v56, v4;
	v2 =	vadd.f32 v53, v2;
	v53 =	vld [tilespmem:$0x1FEB0]  }
0x90: {  	v0 =	vmul.f32 v0, v34;
	v3 =	vadd.f32 v54, v3;
	v54 =	vld [tilespmem:$0x1FEC0]  }
0x91: {  	v7 =	vmul.f32 v7, v32;
	v4 =	vadd.f32 v52, v4;
	v52 =	vld [tilespmem:$0x1FED0]  }
0x92: {  	v8 =	vmul.f32 v8, v35;
	v0 =	vadd.f32 v0, v5;
	v5 =	vmul.f32 v6, v29;
	v6 =	vld [tilespmem:s15+$0x4080]  }
0x93: {  	v7 =	vadd.f32 v7, v12;
	v12 =	vld [tilespmem:s15+$0x4180]  }
0x94: {  	v8 =	vadd.f32 v8, v11;
	v11 =	vmul.f32 v13, v28;
	v13 =	vadd.f32 v55, v59;
	v55 =	vld [tilespmem:s15+$0x4200]  }
0x95: {  	v14 =	vmul.f32 v14, v26;
	v1 =	vadd.f32 v5, v1;
	v5 =	vmul.f32 v23, v25;
	v23 =	vld [tilespmem:$0x1FEF0]  }
0x96: {  	v8 =	vadd.f32 v11, v8;
	v11 =	vld [tilespmem:s15+$0x4300]  }
0x97: {  	v9 =	vmul.f32 v9, v27;
	v7 =	vadd.f32 v14, v7;
	v14 =	vld [tilespmem:s15+$0x4380]  }
0x98: {  	v10 =	vmul.f32 v10, v24;
	v59 =	vld [tilespmem:s15+$0x6000]  }
0x99: {  	v0 =	vadd.f32 v9, v0;
	v9 =	vld [tilespmem:s15+$0x4280];
	v12 =	vmul.f32 v12, v63  }
0x9a: {  	v8 =	vadd.f32 v10, v8;
	v10 =	vld [tilespmem:s15+$0x6100];
	v6 =	vmul.f32 v6, v23  }
0x9b: {  	s18 =	sadd.s32 $0x100, s18;
	s19 =	sadd.s32 $0x20, s19;
	v7 =	vadd.f32 v12, v7;
	v11 =	vmul.f32 v11, v54;
	v12 =	vld [tilespmem:s15+$0x6180]  }
0x9c: {  	s22 =	sand.u32 $0x60, s19;
	s23 =	sadd.s32 $0x1000, s18;
	v14 =	vmul.f32 v14, v52;
	v0 =	vadd.f32 v6, v0;
	v6 =	vld [tilespmem:s15+$0x6080]  }
0x9d: {  	s22 =	sor.u32 s5, s22;
	s23 =	sand.u32 $0x1C00, s23;
	v8 =	vadd.f32 v11, v8;
	v11 =	vld [tilespmem:s15+$0x6380]  }
0x9e: {  	v7 =	vadd.f32 v14, v7;
	v14 =	vld [tilespmem:s14+$0x6380];
	s14 =	sor.u32 s22, s23  }
0x9f: {  	v3 =	vadd.f32 v50, v3;
	v50 =	vld [tilespmem:s14+$0x6200]  }
0xa0: {  	v13 =	vadd.f32 v51, v13;
	v51 =	vld [tilespmem:s14+$0x6280]  }
0xa1: {  	v56 =	vld [tilespmem:s14+$0x2280]  }
0xa2: {  	v1 =	vadd.f32 v5, v1;
	v5 =	vmul.f32 v55, v62;
	v57 =	vld [tilespmem:s14+$0x2300]  }
0xa3: {  	v58 =	vld [tilespmem:s14+$0x2380]  }
0xa4: {  	v1 =	vadd.f32 v5, v1;
	v5 =	vmul.f32 v59, v22;
	v59 =	vld [tilespmem:s14+$0x2000]  }
0xa5: {  	v4 =	vadd.f32 v49, v4;
	v13 =	vadd.f32 v48, v13;
	v9 =	vmul.f32 v9, v53;
	v60 =	vld [tilespmem:s14+$0x2080]  }
0xa6: {  	s26 =	sand.u32 $0xC00, s18;
	v10 =	vmul.f32 v10, v21;
	v1 =	vadd.f32 v5, v1;
	v5 =	vmul.f32 v61, v16;
	v61 =	vld [tilespmem:s14+$0x2100]  }
0xa7: {  	v13 =	vadd.f32 v45, v13;
	v0 =	vadd.f32 v9, v0;
	v9 =	vld [tilespmem:s15+$0x6300];
	s15 =	sor.u32 s22, s26;
	v12 =	vmul.f32 v12, v19  }
0xa8: {  	v4 =	vadd.f32 v46, v4;
	v8 =	vadd.f32 v10, v8;
	v10 =	vld [tilespmem:s15+$0x6200]  }
0xa9: {  	v6 =	vmul.f32 v6, v20;
	v7 =	vadd.f32 v12, v7;
	v12 =	vadd.f32 v40, v13;
	v13 =	vld [tilespmem:s14+$0x6000]  }
0xaa: {  	v4 =	vadd.f32 v41, v4;
	v11 =	vmul.f32 v11, v15;
	v41 =	vmul.f32 v51, v16;
	v16 =	vld [tilespmem:$0x1FF90]  }
0xab: {  	v0 =	vadd.f32 v6, v0;
	v6 =	vld [tilespmem:s14+$0x6300]  }
0xac: {  	v7 =	vadd.f32 v11, v7;
	v11 =	vld [tilespmem:s14+$0x4080]  }
0xad: {  	v4 =	vadd.f32 v4, v12;
	v12 =	vld [tilespmem:s14+$0x4100]  }
0xae: {  	v1 =	vadd.f32 v39, v1;
	v9 =	vmul.f32 v9, v18;
	v39 =	vmul.f32 v10, v37;
	v10 =	vld [tilespmem:s14+$0x2180]  }
0xaf: {  	v2 =	vadd.f32 v47, v2;
	v0 =	vadd.f32 v5, v0;
	v5 =	vmul.f32 v14, v15;
	v14 =	vld [tilespmem:s14+$0x6080]  }
0xb0: {  	v3 =	vadd.f32 v44, v3;
	v8 =	vadd.f32 v9, v8;
	v9 =	vld [tilespmem:s14+$0x6100]  }
0xb1: {  	v45 =	vmul.f32 v13, v22;
	v13 =	vld [tilespmem:s14+$0x280]  }
0xb2: {  	v2 =	vadd.f32 v43, v2;
	v3 =	vadd.f32 v5, v3;
	v5 =	vld [tilespmem:s14+$0x6180]  }
0xb3: {  	v0 =	vadd.f32 v0, v1;
	v1 =	vadd.f32 v7, v8;
	v7 =	vld [tilespmem:s14+$0x4200]  }
0xb4: {  	v8 =	vld [tilespmem:s14+$0x4280]  }
0xb5: {  	v2 =	vadd.f32 v38, v2;
	v38 =	vmul.f32 v6, v18;
	v6 =	vld [tilespmem:s14+$0x200]  }
0xb6: {  	v18 =	vld [tilespmem:$0x1FFA0]  }
0xb7: {  	v0 =	vadd.f32 v1, v0;
	v1 =	vadd.f32 v3, v2;
	v2 =	vld [tilespmem:s14+$0x4300]  }
0xb8: {  	v3 =	vld [tilespmem:s14+$0x4380]  }
0xb9: {  	v43 =	vmul.f32 v9, v21;
	v9 =	vld [tilespmem:s15+$0x100]  }
0xba: {  	v46 =	vmul.f32 v14, v20;
	v14 =	vld [tilespmem:$0x1FF60]  }
0xbb: {  	v1 =	vadd.f32 v1, v4;
	v4 =	vld [tilespmem:s14+$0x4000]  }
0xbc: {  	vm0 =	veq.s32 v17, s16;
	v44 =	vmul.f32 v5, v19;
	v5 =	vld [tilespmem:s15+$0x200]  }
0xbd: {  	s28 =	sadd.s32 $0x10, s16;
	v0 =	vsel vm0, $0x0, v0;
	v48 =	vmul.f32 v7, v62;
	v7 =	vld [tilespmem:s15+$0x280]  }
0xbe: {  	vm15 =	veq.s32 v17, s28;
	v0 =	vadd.f32 v0, v42;
	v49 =	vmul.f32 v8, v53;
	v8 =	vld [tilespmem:s15+$0x80]  }
0xbf: {  	v53 =	vmul.f32 v12, v24;
	v12 =	vld [tilespmem:$0x1FF70];
	v1 =	vsel vm15, $0x0, v1  }
0xc0: {  	v40 =	vmul.f32 v50, v37;
	v42 =	vadd.f32 v1, v0;
	v0 =	vld [tilespmem:s14+$0x4180]  }
0xc1: {  	v56 =	vmul.f32 v56, v27;
	v57 =	vmul.f32 v57, v28;
	v1 =	vld [tilespmem:s14+$0x2200]  }
0xc2: {  	v58 =	vmul.f32 v58, v26;
	v47 =	vmul.f32 v2, v54;
	v2 =	vld [tilespmem:s14+$0x0]  }
0xc3: {  	s20 =	sadd.s32 $0x1, s20;
	v59 =	vmul.f32 v59, v36;
	v50 =	vmul.f32 v3, v52;
	v3 =	vld [tilespmem:s14+$0x80]  }
0xc4: {  	s29 =	sand.u32 $0x3, s20;
	v60 =	vmul.f32 v60, v34;
	v52 =	vmul.f32 v11, v23;
	v11 =	vld [tilespmem:s15+$0x180]  }
0xc5: {  	s21 =	sadd.s32 $0x100, s21;
	s22 =	sshll.u32 s29, $0x5;
	v61 =	vmul.f32 v61, v35;
	v51 =	vmul.f32 v4, v25;
	v4 =	vld [tilespmem:s15+$0x0]  }
0xc6: {  	s22 =	sadd.s32 s22, s21;
	v6 =	vmul.f32 v6, v12;
	v5 =	vmul.f32 v5, v12;
	v12 =	vld [tilespmem:$0x1FF40]  }
0xc7: {  	s30 =	sadd.s32 $0x1000, s22;
	v62 =	vmul.f32 v10, v32;
	v54 =	vmul.f32 v0, v63;
	v0 =	vld [tilespmem:s14+$0x100]  }
0xc8: {  	s24 =	sor.u32 $0x300, s30;
	v15 =	vmul.f32 v7, v30;
	v55 =	vmul.f32 v1, v29;
	v1 =	vld [tilespmem:s14+$0x180]  }
0xc9: {  	s23 =	sor.u32 $0x380, s30;
	v7 =	vld [tilespmem:s24+$0x0];
	v8 =	vmul.f32 v8, v14;
	v3 =	vmul.f32 v3, v14  }
0xca: {  	s31 =	sor.u32 $0x300, s22;
	v10 =	vmul.f32 v13, v30;
	v13 =	vld [tilespmem:s23+$0x0];
	v9 =	vmul.f32 v9, v16  }
0xcb: {  	v14 =	vld [tilespmem:s31+$0x0];
	v25 =	vadd.f32 $0.0e+00, v8;
	v3 =	vadd.f32 $0.0e+00, v3;
	v2 =	vmul.f32 v2, v12  }
0xcc: {  	s22 =	sor.u32 $0x380, s22;
	v24 =	vmovc v17;
	v17 =	vld [tilespmem:s15+$0x2000];
	v4 =	vmul.f32 v4, v12;
	v12 =	vmul.f32 v11, v18;
	v11 =	vadd.f32 $0.0e+00, v9  }
0xcd: {  	p0 =	sne.s32 s17, $0xF;
	v0 =	vmul.f32 v0, v16;
	v1 =	vmul.f32 v1, v18;
	v16 =	vld [tilespmem:s22+$0x0];
	v2 =	vadd.f32 $0.0e+00, v2  }
.Ltmp0:
0xce: {  	v8 =	vld [tilespmem:s15+$0x2100];
	v26 =	vmul.f32 v7, v31;
	v19 =	vadd.f32 $0.0e+00, v4;
	v12 =	vadd.f32 $0.0e+00, v12;
	(pc) =	sbr.rel @p0 .LBB2_2-.Ltmp0, $4  }
0xcf: {  	v9 =	vmul.f32 v13, v33;
	v7 =	vld [tilespmem:s15+$0x2180];
	v18 =	vadd.f32 $0.0e+00, v0;
	v1 =	vadd.f32 $0.0e+00, v1  }
0xd0: {  	v13 =	vmul.f32 v14, v31;
	v4 =	vadd.f32 v10, v3;
	v0 =	vld [tilespmem:s15+$0x2080];
	v63 =	vadd.f32 v6, v2  }
0xd1: {  	v10 =	vmul.f32 v17, v36;
	v6 =	vld [tilespmem:s15+$0x2200];
	v2 =	vadd.f32 v26, v18;
	v3 =	vadd.f32 v9, v1  }
0xd2: {  	s16 =	smov.u32 s17;
	s17 =	sadd.s32 $0x1, s17;
	v17 =	vmovc v24;
	v1 =	vadd.f32 v5, v19;
	v5 =	vadd.f32 v15, v25;
	v9 =	vld [tilespmem:s15+$0x2280];
	v14 =	vmul.f32 v16, v33  }
0xd3: {  	v37 =	vld [tilespmem:s15+$0x2300]  }
0xd4: {  	v15 =	vld [tilespmem:s15+$0x2380]  }
0xd5: {  	v16 =	vld [tilespmem:s15+$0x4000]  }
0xd6: {  	v59 =	vadd.f32 v59, v63;
	v63 =	vld [tilespmem:s15+$0x4080]  }
0xd7: {  	v20 =	vld [tilespmem:$0x1FF20]  }
0xd8: {  	v21 =	vld [tilespmem:s15+$0x4100]  }
0xd9: {  	v22 =	vld [tilespmem:$0x1FF30]  }
0xda: {  	v24 =	vld [tilespmem:s15+$0x4180]  }
0xdb: {  	v25 =	vld [tilespmem:$0x1FF50]  }
0xdc: {  	v26 =	vld [tilespmem:$0x1FEE0]  }
0xdd: {  	v27 =	vld [tilespmem:s15+$0x4280]  }
0xde: {  	v28 =	vld [tilespmem:$0x1FEF0]  }
0xdf: {  	v30 =	vld [tilespmem:$0x1FF00]  }
0xe0: {  	v31 =	vld [tilespmem:s15+$0x4380]  }
0xe1: {  	v33 =	vld [tilespmem:s15+$0x6080]  }
0xe2: {  	v8 =	vmul.f32 v8, v35;
	v35 =	vld [tilespmem:s15+$0x6100]  }
0xe3: {  	v36 =	vld [tilespmem:$0x1FEC0]  }
0xe4: {  	v4 =	vadd.f32 v60, v4;
	v7 =	vmul.f32 v7, v32;
	v32 =	vld [tilespmem:$0x1FEA0]  }
0xe5: {  	v11 =	vadd.f32 v13, v11;
	v3 =	vadd.f32 v62, v3;
	v0 =	vmul.f32 v0, v34;
	v34 =	vld [tilespmem:$0x1FEB0]  }
0xe6: {  	v2 =	vadd.f32 v61, v2;
	v4 =	vadd.f32 v56, v4;
	v56 =	vld [tilespmem:$0x1FE50]  }
0xe7: {  	v12 =	vadd.f32 v14, v12;
	v3 =	vadd.f32 v58, v3;
	v58 =	vld [tilespmem:$0x1FE30]  }
0xe8: {  	v1 =	vadd.f32 v10, v1;
	v23 =	vadd.f32 v55, v59;
	v62 =	vmul.f32 v6, v29;
	v29 =	vld [tilespmem:s15+$0x4300]  }
0xe9: {  	v2 =	vadd.f32 v57, v2;
	v0 =	vadd.f32 v0, v5;
	v5 =	vmul.f32 v16, v26;
	v16 =	vld [tilespmem:$0x1FF10]  }
0xea: {  	v7 =	vadd.f32 v7, v12;
	v12 =	vadd.f32 v51, v23;
	v51 =	vld [tilespmem:s15+$0x6380]  }
0xeb: {  	v8 =	vadd.f32 v8, v11;
	v4 =	vadd.f32 v52, v4;
	v14 =	vmul.f32 v15, v25;
	v15 =	vld [tilespmem:s15+$0x4200]  }
0xec: {  	v2 =	vadd.f32 v53, v2;
	v3 =	vadd.f32 v54, v3;
	v52 =	vld [tilespmem:$0x1FE80]  }
0xed: {  	v9 =	vmul.f32 v9, v20;
	v11 =	vmul.f32 v37, v22;
	v12 =	vadd.f32 v48, v12;
	v48 =	vld [tilespmem:$0x1FE60]  }
0xee: {  	v1 =	vadd.f32 v62, v1;
	v4 =	vadd.f32 v49, v4;
	v13 =	vmul.f32 v24, v16;
	v16 =	vld [tilespmem:s15+$0x6000]  }
0xef: {  	v54 =	vld [tilespmem:$0x1FE40];
	v6 =	vmul.f32 v63, v28;
	v2 =	vadd.f32 v47, v2;
	v3 =	vadd.f32 v50, v3  }
0xf0: {  	v0 =	vadd.f32 v9, v0;
	v1 =	vadd.f32 v5, v1;
	v5 =	vmul.f32 v15, v32;
	v15 =	vld [tilespmem:$0x1FED0]  }
0xf1: {  	v10 =	vmul.f32 v21, v30;
	v37 =	vld [tilespmem:s15+$0x6180];
	v8 =	vadd.f32 v11, v8;
	v7 =	vadd.f32 v14, v7  }
0xf2: {  	v50 =	vld [tilespmem:$0x1FE70];
	v9 =	vmul.f32 v27, v34;
	v12 =	vadd.f32 v45, v12;
	v4 =	vadd.f32 v46, v4  }
0xf3: {  	v2 =	vadd.f32 v43, v2;
	v1 =	vadd.f32 v5, v1;
	v5 =	vmul.f32 v16, v48;
	v16 =	vld [tilespmem:$0x1FE90]  }
0xf4: {  	v49 =	vld [tilespmem:s15+$0x6300];
	v11 =	vmul.f32 v29, v36;
	v3 =	vadd.f32 v44, v3;
	v0 =	vadd.f32 v6, v0  }
0xf5: {  	v8 =	vadd.f32 v10, v8;
	v57 =	vadd.f32 v40, v12;
	v14 =	vmul.f32 v31, v15;
	v15 =	vld [tilespmem:s15+$0x6280]  }
0xf6: {  	v53 =	vld [tilespmem:s14+$0x6380];
	v10 =	vmul.f32 v35, v52;
	v4 =	vadd.f32 v41, v4;
	v7 =	vadd.f32 v13, v7  }
0xf7: {  	v59 =	vmul.f32 v51, v58;
	v0 =	vadd.f32 v9, v0;
	v8 =	vadd.f32 v11, v8  }
0xf8: {  	v6 =	vmul.f32 v33, v50;
	v7 =	vadd.f32 v14, v7;
	v13 =	vmul.f32 v37, v16  }
0xf9: {  	v55 =	vadd.f32 v10, v8;
	v8 =	vmul.f32 v49, v56;
	v1 =	vadd.f32 v5, v1  }
0xfa: {  	v0 =	vadd.f32 v6, v0;
	v5 =	vmul.f32 v15, v54;
	v7 =	vadd.f32 v13, v7  }
0xfb: {  	v60 =	vmul.f32 v53, v58;
	v6 =	vadd.f32 v8, v55;
	v1 =	vadd.f32 v39, v1  }
0xfc: {  	v0 =	vadd.f32 v5, v0;
	v7 =	vadd.f32 v59, v7  }
0xfd: {  	v2 =	vadd.f32 v38, v2;
	v3 =	vadd.f32 v60, v3  }
0xfe: {  	v0 =	vadd.f32 v0, v1;
	v61 =	vadd.f32 v7, v6  }
0xff: {  	v4 =	vadd.f32 v4, v57  }
0x100: {  	v62 =	vadd.f32 v3, v2;
	v0 =	vadd.f32 v61, v0  }
0x101: {  	vm0 =	veq.s32 v17, s16  }
0x102: {  	s31 =	sadd.s32 $0x10, s16;
	v1 =	vadd.f32 v62, v4;
	v0 =	vsel vm0, $0x0, v0  }
0x103: {  	vm15 =	veq.s32 v17, s31;
	v0 =	vadd.f32 v0, v42  }
0x104: {  	v63 =	vld [tilespmem:$0x1FE20];
	v1 =	vsel vm15, $0x0, v1  }
0x105: {  	v0 =	vadd.f32 v1, v0;
	_ =	sdelay $0x1  }
0x106: {  	v0 =	vmul.f32 $1.767766920e-01, v0;
	_ =	sdelay $0x1  }
0x107: {  	v0 =	vadd.f32 v0, v63;
	_ =	sdelay $0x1  }
0x108: {  	v0 =	vmul.f32 $1.250000000e-01, v0;
	_ =	sdelay $0x1  }
0x109: {  	(xrf2) =	vadd.scan.msk.f32 $0xffff, v0;
	_ =	sdelay $0x9  }
0x10a: {  	v0, _, _ =	vpop (xrf2)  }
0x10b: {  	s13 =	sadd.s32 $0x1, s13;
	v0 =	vbroadcast v0, $0xF  }
0x10c: {  	p0 =	sne.s32 s13, s9  }
.Ltmp1:
0x10d: {  	[tilespmem:$0x9200] =	vst v0;
	(pc) =	sbr.rel @p0 .LBB2_1-.Ltmp1, $4  }
0x10e: {  	[hbm4b:s8+s2] =	stream.linear.scatter [tilespmem:s12], [sflag:$0x1], $0x80, $0x38;
	[tilespmem:$0x9280] =	vst v63  }
0x10f: {  	_ =	swait.ge [sflag:s3], $0x80  }
0x110: {  	[sflag:s3] =	ssyncset.done $0x0  }
0x111: {  	[sflag:s3] =	ssyncadd.s32 $0xFFFFFF80  }
0x112: {  	_ =	sfence.sel $0x180000  }
0x113: {  	[bflag:$0x0] =	sbarrier.arrive $0xFFFF  }
0x114: {  	p0 =	sne.s32 s0, $0x0;
	_ =	strace $0x90000047  }
0x115: {  	s0 =	sadd.s32 @!p0 $0x100000, s1;
	[bflag:$0x2] =	sbarrier.arrive $0xFFFF  }
0x116: {  	[sflag:s0] =	ssyncadd.tile.s32 @!p0 $0x1;
	_ =	shalt  }
.Lfunc_end2:
_tile_overlayer_lowered:
.L_overlay_start_2:
0x117: {  	(tag) =	ssettag $0x2  }
0x118: {  	s0 =	rddreg [dreg:$0x0];
	s2 =	stileid.u32  }
0x119: {  	s1 =	rddreg [dreg:$0x1];
	p0 =	sne.s32 s2, $0x0  }
0x11a: {  	s3 =	rddreg [dreg:$0x2];
	[bflag:$0x3] =	sbarrier.arrive $0xFFFF;
	s2 =	simm.s32 @!p0 $0x1C01  }
0x11b: {  	[timem:s3], [sflag:s2] =	dma.local @!p0 [hbm:s0], s1  }
0x11c: {  	s0 =	simm.s32 @!p0 $0x1  }
0x11d: {  	_ =	swait.ge @!p0 [sflag:s0], s1  }
0x11e: {  	s1 =	ssub.s32 @!p0 $0x0, s1;
	[sflag:s0] =	ssyncset.done @!p0 $0x0  }
0x11f: {  	[sflag:s0] =	ssyncadd.s32 @!p0 s1  }
0x120: {  	[bflag:$0x3] =	sbarrier.arrive $0xFFFF  }
0x121: {  	_ =	shalt  }

// kernel: kernel.9.cloned.1.call-start
scs
__scs_entry_jumppad:
0x0: {  	(pc) =	sbr.rel $0x88, $3  }
0x1: {  	(tag) =	ssettag $0x0;
	lr =	simm.s32 $0x1  }
0x2: {  	[smem:$0x3F97] =	sst lr;
	_ =	strace $0xD0000000  }
0x3: {  	_ = 	snop  }
0x4: {  	_ = 	snop  }
0x5: {  	_ = 	snop  }
0x6: {  	_ = 	snop  }
0x7: {  	_ = 	snop  }
__scs_overlays_trampoline_lowered:
0x8: {  	[smem:$0x3FA6] =	sst s0  }
0x9: {  	[smem:$0x3FA7] =	sst s1  }
0xa: {  	[smem:$0x3FA8] =	sst s2  }
0xb: {  	[smem:$0x3FA9] =	sst s3  }
0xc: {  	[smem:$0x3FAA] =	sst s4  }
0xd: {  	[smem:$0x3FAB] =	sst s5  }
0xe: {  	[smem:$0x3FAC] =	sst s6  }
0xf: {  	[smem:$0x3FAD] =	sst s7  }
0x10: {  	[smem:$0x3FAE] =	sst s8  }
0x11: {  	[smem:$0x3FAF] =	sst s9;
	s0 =	simm.s32 @!p0 $0x0  }
0x12: {  	s1 =	sld [smem:$0x3F95];
	s0 =	simm.s32 @p0 $0x1  }
0x13: {  	[smem:$0x3FB0] =	sst s0;
	s0 =	simm.s32 @!p1 $0x0  }
0x14: {  	s2 =	sld [smem:$0x3F94];
	s0 =	simm.s32 @p1 $0x1  }
0x15: {  	[smem:$0x3FB1] =	sst s0;
	s0 =	simm.s32 @!p2 $0x0  }
0x16: {  	s3 =	sld [smem:$0x3FDB];
	s0 =	simm.s32 @p2 $0x1  }
0x17: {  	s4 =	simm.s32 $0x1BF5;
	[smem:$0x3FB3] =	sst s0  }
0x18: {  	s0 =	sld [smem:$0x3F96];
	_ =	swait.ge [sflag:s4], $0x0  }
0x19: {  	s7 =	sld [smem:$0x3F97]  }
0x1a: {  	s8 =	sadd.s32 $0xFFFFE003, lr  }
0x1b: {  	s9 =	sadd.s32 $0xFFFFFEF7, lr;
	s5 =	simm.s32 $0xFFFFFFFF;
	p2 =	slt.u32 s8, $0xFFFFF086  }
0x1c: {  	p1 =	slt.u32 s9, $0xF7A;
	s5 =	simm.s32 @!p2 $0x0  }
0x1d: {  	s5 =	simm.s32 @p1 $0x1;
	p0 =	seq.s32 s7, s2  }
0x1e: {  	s7 =	smul.u32 @!p0 $0xF7A, s2;
	p2 =	seq.s32 @!p0 s5, $0x0  }
0x1f: {  	s9 =	smul.u32 $0xF7A, s1;
	s8 =	simm.s32 @!p0 $0x1BF5;
	p2 =	por !p2, p0  }
0x20: {  	[sflag:s8] =	ssyncset.s32 @!p0 $0xFFFFF086;
	s6 =	sadd.s32 @!p0 s3, s7;
	s7 =	simm.s32 @!p0 $0x108  }
0x21: {  	s3 =	sadd.s32 s3, s9;
	s6 =	sadd.s32 @!p0 $0x88, s6;
	s7 =	simm.s32 @p2 $0x1082  }
0x22: {  	[simem:s7], [sflag:s8] =	dma.local @!p0 [hbm:s6], $0xF7A  }
0x23: {  	s9 =	sor.u32 $0xD0000000, s2;
	s6 =	simm.s32 $0x108;
	_ =	swait.ge @!p0 [sflag:s8], $0x0  }
0x24: {  	s3 =	sadd.s32 $0x88, s3;
	s6 =	simm.s32 @!p1 $0x1082;
	[sflag:s4] =	ssyncset.s32 $0xFFFFF086  }
0x25: {  	[simem:s6], [sflag:s4] =	dma.local [hbm:s3], $0xF7A  }
0x26: {  	[smem:$0x3F97] =	sst s1;
	(tag) =	ssettag s2;
	_ =	strace s9  }
0x27: {  	s1 =	sld [smem:$0x3FA7]  }
0x28: {  	s2 =	sld [smem:$0x3FA8]  }
0x29: {  	s4 =	sld [smem:$0x3FAA]  }
0x2a: {  	p0 =	seq.s32 s5, $0x0;
	s5 =	sld [smem:$0x3FAB]  }
0x2b: {  	s6 =	sld [smem:$0x3FAC]  }
0x2c: {  	s7 =	sld [smem:$0x3FAD]  }
0x2d: {  	s3 =	simm.s32 $0x108;
	s8 =	sld [smem:$0x3FAE]  }
0x2e: {  	s3 =	simm.s32 @!p0 $0x1082;
	s9 =	sld [smem:$0x3FAF]  }
0x2f: {  	lr =	sadd.s32 s0, s3;
	s0 =	sld [smem:$0x3FA6]  }
0x30: {  	s3 =	sld [smem:$0x3FA9]  }
0x31: {  	[smem:$0x3FB2] =	sst s10  }
0x32: {  	s10 =	sld [smem:$0x3FB0];
	_ =	sdelay $0x3  }
0x33: {  	p0 =	seq.s32 s10, $0x1;
	s10 =	sld [smem:$0x3FB2];
	_ =	sdelay $0x3  }
0x34: {  	[smem:$0x3FB2] =	sst s10  }
0x35: {  	s10 =	sld [smem:$0x3FB1];
	_ =	sdelay $0x3  }
0x36: {  	p1 =	seq.s32 s10, $0x1;
	s10 =	sld [smem:$0x3FB2];
	_ =	sdelay $0x3  }
0x37: {  	[smem:$0x3FB2] =	sst s10  }
0x38: {  	s10 =	sld [smem:$0x3FB3]  }
0x39: {  	_ = 	snop;
	(pc) =	sbr.ind lr, $3  }
0x3a: {  	_ = 	snop  }
0x3b: {  	_ = 	snop  }
0x3c: {  	p2 =	seq.s32 s10, $0x1;
	s10 =	sld [smem:$0x3FB2]  }
0x3d: {  	_ =	shalt  }
0x3e: {  	_ =	shalt  }
0x3f: {  	_ =	shalt  }
0x40: {  	_ =	shalt  }
0x41: {  	_ =	shalt  }
0x42: {  	_ =	shalt  }
0x43: {  	_ =	shalt  }
0x44: {  	_ =	shalt  }
0x45: {  	_ =	shalt  }
0x46: {  	_ =	shalt  }
0x47: {  	_ =	shalt  }
0x48: {  	_ =	shalt  }
0x49: {  	_ =	shalt  }
0x4a: {  	_ =	shalt  }
0x4b: {  	_ =	shalt  }
0x4c: {  	_ =	shalt  }
0x4d: {  	_ =	shalt  }
0x4e: {  	_ =	shalt  }
0x4f: {  	_ =	shalt  }
0x50: {  	_ =	shalt  }
0x51: {  	_ =	shalt  }
0x52: {  	_ =	shalt  }
0x53: {  	_ =	shalt  }
0x54: {  	_ =	shalt  }
0x55: {  	_ =	shalt  }
0x56: {  	_ =	shalt  }
0x57: {  	_ =	shalt  }
0x58: {  	_ =	shalt  }
0x59: {  	_ =	shalt  }
0x5a: {  	_ =	shalt  }
0x5b: {  	_ =	shalt  }
0x5c: {  	_ =	shalt  }
0x5d: {  	_ =	shalt  }
0x5e: {  	_ =	shalt  }
0x5f: {  	_ =	shalt  }
0x60: {  	_ =	shalt  }
0x61: {  	_ =	shalt  }
0x62: {  	_ =	shalt  }
0x63: {  	_ =	shalt  }
0x64: {  	_ =	shalt  }
0x65: {  	_ =	shalt  }
0x66: {  	_ =	shalt  }
0x67: {  	_ =	shalt  }
0x68: {  	_ =	shalt  }
0x69: {  	_ =	shalt  }
0x6a: {  	_ =	shalt  }
0x6b: {  	_ =	shalt  }
0x6c: {  	_ =	shalt  }
0x6d: {  	_ =	shalt  }
0x6e: {  	_ =	shalt  }
0x6f: {  	_ =	shalt  }
0x70: {  	_ =	shalt  }
0x71: {  	_ =	shalt  }
0x72: {  	_ =	shalt  }
0x73: {  	_ =	shalt  }
0x74: {  	_ =	shalt  }
0x75: {  	_ =	shalt  }
0x76: {  	_ =	shalt  }
0x77: {  	_ =	shalt  }
0x78: {  	_ =	shalt  }
0x79: {  	_ =	shalt  }
0x7a: {  	_ =	shalt  }
0x7b: {  	_ =	shalt  }
0x7c: {  	_ =	shalt  }
0x7d: {  	_ =	shalt  }
0x7e: {  	_ =	shalt  }
0x7f: {  	_ =	shalt  }
0x80: {  	_ =	shalt  }
0x81: {  	_ =	shalt  }
0x82: {  	_ =	shalt  }
0x83: {  	_ =	shalt  }
0x84: {  	_ =	shalt  }
0x85: {  	_ =	shalt  }
0x86: {  	_ =	shalt  }
0x87: {  	_ =	shalt  }
.Lfunc_end0:
.L_simem_size_0:
called_computation.1_lowered:
.L_overlay_start_0:
0x88: {  	s2 =	sld [smem:$0x3FD9]  }
0x89: {  	s3 =	sld [smem:$0x3FFE];
	_ =	sdelay $0x1  }
0x8a: {  	s1 =	srdreg.scid  }
0x8b: {  	s0 =	sand.u32 $0x1, s1  }
0x8c: {  	s17 =	sshll.u32 s0, $0xA;
	s2 =	sadd.s32 s3, s2  }
0x8d: {  	s2 =	sadd.s32 s2, s17  }
0x8e: {  	[smem:$0x3FBE] =	sst s2  }
0x8f: {  	_ = 	snop  }
0x90: {  	(tm) =	ssettm $0x1  }
0x91: {  	s18 =	sld [smem:$0x3FFB];
	_ =	sdelay $0x3  }
0x92: {  	_ =	strace s18  }
0x93: {  	s2 =	sld [smem:$0x3FFC];
	_ =	sdelay $0x3  }
0x94: {  	_ =	strace s2  }
0x95: {  	s2 =	sld [smem:$0x3FFD];
	_ =	sdelay $0x3  }
0x96: {  	_ =	strace s2  }
0x97: {  	_ =	strace $0x8FFFFFFF  }
0x98: {  	s19 =	sld [smem:$0x3FDB];
	_ =	sdelay $0x1  }
0x99: {  	s20 =	simm.s32 $_scs_section_size  }
0x9a: {  	s4 =	simm.s32 $_size__tile_overlayer_lowered;
	s5 =	simm.s32 $_tile_overlayer_lowered  }
0x9b: {  	s6 =	simm.s32 $0x1BFF;
	s21 =	sshll.u32 s5, $0x1;
	s3 =	sadd.s32 s20, s19  }
0x9c: {  	s22 =	simm.s32 $0x0;
	s4 =	sshll.u32 s4, $0x1;
	s5 =	sadd.s32 s21, s3  }
0x9d: {  	[timem:s22], [sflag:s6] =	dma.local [hbm:s5], s4  }
0x9e: {  	_ =	swait.ge [sflag:s6], s4  }
0x9f: {  	s4 =	ssub.s32 $0x0, s4;
	[sflag:s6] =	ssyncset.done $0x0  }
0xa0: {  	[sflag:s6] =	ssyncadd.s32 s4;
	_ =	sdelay $0x1  }
0xa1: {  	s23 =	simm.s32 $0x1B8B  }
0xa2: {  	_ =	swait.ge [sflag:s23], $0x1  }
0xa3: {  	[sflag:s23] =	ssyncset.done $0x0  }
0xa4: {  	[sflag:s23] =	ssyncadd.s32 $0xFFFFFFFF  }
0xa5: {  	s4 =	sld [smem:$0x0]  }
0xa6: {  	s5 =	sand.u32 $0xFFFFFFFE, s1  }
0xa7: {  	p0 =	sne.s32 s1, s5  }
0xa8: {  	s5 =	sshll.u32 @p0 s5, $0xE  }
0xa9: {  	s5 =	sadd.s32 @p0 $0x11B8D, s5;
	s6 =	sshll.u32 @p0 s4, $0x11  }
0xaa: {  	s5 =	sor.u32 @p0 s6, s5  }
0xab: {  	[sflag:s5] =	ssyncadd.remote.s32 @p0 $0x1;
	_ =	sdelay $0x1  }
0xac: {  	s5 =	simm.s32 @p0 $0x1B8D  }
0xad: {  	_ =	swait.eq @p0 [sflag:s5], $0x1  }
0xae: {  	[sflag:s5] =	ssyncadd.s32 @p0 $0xFFFFFFFF  }
0xaf: {  	s6 =	sshll.u32 @!p0 s1, $0xE  }
0xb0: {  	s6 =	sor.u32 @!p0 $0x4000, s6;
	s5 =	simm.s32 @!p0 $0x1B8D  }
0xb1: {  	s4 =	sshll.u32 @!p0 s4, $0x11;
	s6 =	sadd.s32 @!p0 $0x11B8D, s6;
	_ =	swait.eq @!p0 [sflag:s5], $0x1  }
0xb2: {  	s4 =	sor.u32 @!p0 s4, s6;
	[sflag:s5] =	ssyncadd.s32 @!p0 $0xFFFFFFFF  }
0xb3: {  	s25 =	simm.s32 $0x1B8E;
	s24 =	sld [smem:$0x3FFE];
	[sflag:s4] =	ssyncadd.remote.s32 @!p0 $0x1  }
0xb4: {  	s26 =	simm.s32 $execute0_lowered;
	[smem:$0x3FD2] =	sst s25  }
0xb5: {  	s5 =	sshll.u32 s26, $0x1;
	_ =	strace $0x80000049;
	[dreg:$0x1] =	wrdreg $0xFFFFFFFF  }
0xb6: {  	s28 =	simm.s32 $_size_execute0_lowered;
	s3 =	sadd.s32 s3, s5;
	[dreg:$0x0] =	wrdreg $0x0  }
0xb7: {  	s5 =	sshll.u32 s28, $0x1;
	[dreg:$0x2] =	wrdreg s3  }
0xb8: {  	[dreg:$0x3] =	wrdreg s5  }
0xb9: {  	[dreg:$0x4] =	wrdreg $0xC0  }
0xba: {  	_ =	task [dreg:s22], $0x5FFFF  }
0xbb: {  	[dreg:$0x1] =	wrdreg $0xFFFFFFFF  }
0xbc: {  	[dreg:$0x0] =	wrdreg $0x60  }
0xbd: {  	[dreg:$0x2] =	wrdreg s24  }
0xbe: {  	[dreg:$0x3] =	wrdreg $0xA  }
0xbf: {  	_ =	task.clear_ibuf [dreg:s22], $0x4FFFF;
	_ =	strace $0x90000049  }
0xc0: {  	s29 =	simm.s32 $0xA;
	_ =	strace $0x8000004B  }
0xc1: {  	_ =	swait.ge [sflag:s29], $0x1  }
0xc2: {  	[sflag:s29] =	ssyncadd.s32 $0xFFFFFFFF  }
0xc3: {  	_ =	strace $0x9000004B  }
0xc4: {  	_ =	sfence  }
0xc5: {  	s30 =	sld [smem:$0x0];
	_ =	sdelay $0x2  }
0xc6: {  	s31 =	sshll.u32 s1, $0xD;
	s1 =	sshrl.u32 s1, $0x2  }
0xc7: {  	s4 =	sand.u32 $0x4000, s31;
	s1 =	sadd.s32 s1, s30  }
0xc8: {  	s0 =	sor.u32 s4, s0;
	s1 =	sshll.u32 s1, $0x11  }
0xc9: {  	s0 =	sor.u32 s1, s0  }
0xca: {  	s0 =	sadd.s32 $0x8F2B, s0  }
0xcb: {  	[sflag:s0] =	ssyncadd.remote.s32 $0x1  }
0xcc: {  	_ =	sfence.sel $0xFFFF  }
0xcd: {  	[dreg:$0x0] =	wrdreg $0xFFFFFFFF;
	(pc) =	sbr.abs _section_cstart, $3  }
0xce: {  	[dreg:$0x1] =	wrdreg $0xFFFFFFFF  }
0xcf: {  	_ =	task.clear_ibuf [dreg:s22], $0x2FFFF;
	_ =	strace $0x9FFFFFFF  }
0xd0: {  	(tm) =	ssettm $0x7FFFFFFF  }
0xd1: {  	_ =	shalt  }
tec
execute0_lowered:
.L_overlay_start_1:
0x0: {  	(tag) =	ssettag $0x1  }
0x1: {  	s1 =	srdreg.scid;
	s0 =	stileid.u32  }
0x2: {  	s6 =	rddreg [dreg:$0x0];
	s3 =	simm.s32 $0x1;
	s5 =	sand.u32 $0x1, s1  }
0x3: {  	s2 =	simm.s32 $0x0;
	s11 =	simm.s32 $0x9000;
	s1 =	sor.u32 s5, s0  }
0x4: {  	s12 =	simm.s32 $0x9200;
	p1 =	seq.s32 s5, $0x1;
	p0 =	seq.s32 s1, $0x0  }
0x5: {  	s13 =	simm.s32 $0x0;
	[smem:$0x7FF] =	sst s2;
	p0 =	por !p0, !p1  }
0x6: {  	s9 =	sshll.u32 s5, $0x7;
	s10 =	ssub.s32 $0x2, s5;
	p0 =	por !p0, !p0  }
0x7: {  	s5 =	sshll.u32 s5, $0x4;
	s1 =	rddreg [dreg:$0x1];
	s3 =	simm.s32 @!p0 $0x0  }
0x8: {  	_ =	strace $0x8000004A;
	s31 =	sshrl.u32 s10, $0x1;
	s4 =	ssub.s32 s0, s3  }
0x9: {  	v0 =	vlaneseq.u32;
	s10 =	ssub.s32 s10, s31;
	s3 =	simm.s32 $0x1;
	s7 =	sshll.u32 s4, $0xC  }
0xa: {  	v17 =	vor.u32 s5, v0;
	s8 =	sshll.u32 s4, $0x9;
	s4 =	sshll.u32 s4, $0x8;
	s7 =	sand.u32 $0x1FFFF000, s7  }
0xb: {  	v0 =	vshll.u32 v17, $0x7;
	s8 =	sand.u32 $0x1FFFFE00, s8;
	s9 =	sor.u32 s9, s4;
	s4 =	sadd.s32 $0x26000, s6  }
0xc: {  	v1 =	vor.u32 $0x1, v0;
	[tilespmem:$0x1FFE0] =	vst v0;
	s7 =	sadd.s32 s7, s6;
	s8 =	sadd.s32 s8, s6;
	s9 =	sshrl.u32 s9, $0x3  }
0xd: {  	v0 =	vor.u32 $0x2, v0;
	[tilespmem:$0x1FFD0] =	vst v1;
	s9 =	sadd.s32 s9, s6;
	s6 =	sadd.s32 $0x16000, s7;
	s7 =	sadd.s32 $0x14000, s8  }
0xe: {  	[tilespmem:$0x1FFF0] =	vst v0;
	s8 =	sadd.s32 $0x26200, s9;
	s9 =	smax.u32 s10, $0x1;
	s10 =	simm.s32 $0x8000  }
.LBB2_1:
0xf: {  	[tilespmem:s2], [sflag:$0x1] =	stream.linear.gather [hbm4b:s6+s2], $0x8000, $0x38;
	[tilespmem:$0x9280] =	vst v63  }
0x10: {  	_ =	swait.ge [sflag:s3], $0x8000  }
0x11: {  	[sflag:s3] =	ssyncset.done $0x0  }
0x12: {  	[sflag:s3] =	ssyncadd.s32 $0xFFFF8000  }
0x13: {  	[tilespmem:s10], [sflag:$0x1] =	stream.linear.gather [hbm4b:s7+s2], $0x1000, $0x38;
	[tilespmem:$0x9280] =	vst v63  }
0x14: {  	_ =	swait.ge [sflag:s3], $0x1000  }
0x15: {  	[sflag:s3] =	ssyncset.done $0x0  }
0x16: {  	[sflag:s3] =	ssyncadd.s32 $0xFFFFF000  }
0x17: {  	[tilespmem:s11], [sflag:$0x1] =	stream.linear.gather [hbm4b:s4+s2], $0x180, $0x38;
	[tilespmem:$0x9280] =	vst v63  }
0x18: {  	_ =	swait.ge [sflag:s3], $0x180  }
0x19: {  	v0 =	vld [tilespmem:$0x1FFE0]  }
0x1a: {  	v1 =	vld [tilespmem:$0x1FFD0]  }
0x1b: {  	v2 =	vld [tilespmem:$0x1FFF0];
	_ =	sdelay $0x3  }
0x1c: {  	[sflag:s3] =	ssyncset.done $0x0  }
0x1d: {  	[sflag:s3] =	ssyncadd.s32 $0xFFFFFE80  }
0x1e: {  	v0 =	vld.idx.msk [tilespmem:v0+s10+$0x0], $0xffff  }
0x1f: {  	v1 =	vld.idx.msk [tilespmem:v1+s10+$0x0], $0xffff  }
0x20: {  	v2 =	vld.idx.msk [tilespmem:v2+s10+$0x0], $0xffff;
	_ =	sdelay $0x3  }
0x21: {  	vm0 =	vgt.f32 v1, v0;
	v0 =	vmax.f32 v0, v1  }
0x22: {  	vm1 =	vgt.f32 v2, v0;
	v0 =	vimm.s32 $0x0  }
0x23: {  	v0 =	vsel vm0, $0x80, v0  }
0x24: {  	v0 =	vsel vm1, $0x100, v0  }
0x25: {  	v1 =	vor.u32 $0x20, v0;
	_ =	sdelay $0x2  }
0x26: {  	s14 =	sand.u32 $0x60, s2;
	s15 =	simm.s32 $0x1000  }
0x27: {  	s16 =	sor.u32 s5, s14;
	s28 =	sand.u32 $0x1C00, s15  }
0x28: {  	s14 =	sor.u32 s16, s28;
	v1 =	vld.idx.msk [tilespmem:v1+s11+$0x0], $0xffff  }
0x29: {  	v6 =	vld [tilespmem:s14+$0x6100]  }
0x2a: {  	v7 =	vld [tilespmem:s14+$0x6180]  }
0x2b: {  	v8 =	vld [tilespmem:s14+$0x4200]  }
0x2c: {  	v9 =	vld [tilespmem:s14+$0x4280];
	v5 =	vor.u32 $0x5, v0  }
0x2d: {  	v10 =	vld [tilespmem:s14+$0x4300];
	[tilespmem:$0x1FE20] =	vst v1;
	v1 =	vor.u32 $0x4, v0  }
0x2e: {  	v11 =	vld [tilespmem:s14+$0x4380];
	v2 =	vor.u32 $0x1, v0  }
0x2f: {  	v12 =	vld [tilespmem:s14+$0x4000];
	v3 =	vor.u32 $0x2, v0  }
0x30: {  	v13 =	vld [tilespmem:s14+$0x4080];
	v4 =	vor.u32 $0x3, v0  }
0x31: {  	v30 =	vld.idx.msk [tilespmem:v5+s11+$0x0], $0xffff;
	v5 =	vor.u32 $0xA, v0  }
0x32: {  	v26 =	vld.idx.msk [tilespmem:v1+s11+$0x0], $0xffff;
	v1 =	vor.u32 $0x9, v0  }
0x33: {  	v59 =	vld.idx.msk [tilespmem:v2+s11+$0x0], $0xffff;
	v2 =	vor.u32 $0x6, v0  }
0x34: {  	v61 =	vld.idx.msk [tilespmem:v3+s11+$0x0], $0xffff;
	v3 =	vor.u32 $0x7, v0  }
0x35: {  	v27 =	vld.idx.msk [tilespmem:v4+s11+$0x0], $0xffff;
	v4 =	vor.u32 $0x8, v0  }
0x36: {  	v35 =	vld.idx.msk [tilespmem:v5+s11+$0x0], $0xffff;
	v5 =	vor.u32 $0xF, v0  }
0x37: {  	v34 =	vld.idx.msk [tilespmem:v1+s11+$0x0], $0xffff;
	v1 =	vor.u32 $0xE, v0  }
0x38: {  	v31 =	vld.idx.msk [tilespmem:v2+s11+$0x0], $0xffff;
	v2 =	vor.u32 $0xB, v0  }
0x39: {  	v33 =	vld.idx.msk [tilespmem:v3+s11+$0x0], $0xffff;
	v3 =	vor.u32 $0xC, v0  }
0x3a: {  	v36 =	vld.idx.msk [tilespmem:v4+s11+$0x0], $0xffff;
	v4 =	vor.u32 $0xD, v0  }
0x3b: {  	v5 =	vld.idx.msk [tilespmem:v5+s11+$0x0], $0xffff  }
0x3c: {  	v1 =	vld.idx.msk [tilespmem:v1+s11+$0x0], $0xffff  }
0x3d: {  	v32 =	vld.idx.msk [tilespmem:v2+s11+$0x0], $0xffff;
	v2 =	vor.u32 $0x10, v0  }
0x3e: {  	v29 =	vld.idx.msk [tilespmem:v3+s11+$0x0], $0xffff;
	v3 =	vor.u32 $0x11, v0  }
0x3f: {  	v28 =	vld.idx.msk [tilespmem:v4+s11+$0x0], $0xffff;
	v4 =	vor.u32 $0x12, v0  }
0x40: {  	v14 =	vld [tilespmem:s14+$0x4100];
	[tilespmem:$0x1FF50] =	vst v5;
	v5 =	vor.u32 $0x14, v0  }
0x41: {  	v58 =	vld.idx.msk [tilespmem:v0+s11+$0x0], $0xffff;
	[tilespmem:$0x1FF30] =	vst v1;
	v1 =	vor.u32 $0x13, v0  }
0x42: {  	v25 =	vld.idx.msk [tilespmem:v2+s11+$0x0], $0xffff;
	v2 =	vor.u32 $0x15, v0  }
0x43: {  	v23 =	vld.idx.msk [tilespmem:v3+s11+$0x0], $0xffff;
	v3 =	vor.u32 $0x16, v0  }
0x44: {  	v24 =	vld.idx.msk [tilespmem:v4+s11+$0x0], $0xffff;
	v4 =	vor.u32 $0x17, v0  }
0x45: {  	v48 =	vld.idx.msk [tilespmem:v5+s11+$0x0], $0xffff;
	v5 =	vor.u32 $0x19, v0  }
0x46: {  	v54 =	vld.idx.msk [tilespmem:v1+s11+$0x0], $0xffff;
	v1 =	vor.u32 $0x18, v0  }
0x47: {  	v47 =	vld.idx.msk [tilespmem:v2+s11+$0x0], $0xffff  }
0x48: {  	v50 =	vld.idx.msk [tilespmem:v3+s11+$0x0], $0xffff  }
0x49: {  	v22 =	vld.idx.msk [tilespmem:v4+s11+$0x0], $0xffff  }
0x4a: {  	v2 =	vor.u32 $0x1A, v0;
	v3 =	vor.u32 $0x1B, v0;
	v4 =	vor.u32 $0x1C, v0;
	v19 =	vld.idx.msk [tilespmem:v5+s11+$0x0], $0xffff  }
0x4b: {  	v5 =	vor.u32 $0x1E, v0;
	v21 =	vld.idx.msk [tilespmem:v1+s11+$0x0], $0xffff;
	v1 =	vor.u32 $0x1D, v0;
	v0 =	vor.u32 $0x1F, v0  }
0x4c: {  	v57 =	vld [tilespmem:s14+$0x2300]  }
0x4d: {  	v38 =	vld [tilespmem:s14+$0x2080]  }
0x4e: {  	v63 =	vld [tilespmem:s14+$0x2180]  }
0x4f: {  	v52 =	vld [tilespmem:s14+$0x200]  }
0x50: {  	v0 =	vld.idx.msk [tilespmem:v0+s11+$0x0], $0xffff  }
0x51: {  	v20 =	vld.idx.msk [tilespmem:v2+s11+$0x0], $0xffff  }
0x52: {  	v18 =	vld.idx.msk [tilespmem:v3+s11+$0x0], $0xffff  }
0x53: {  	v37 =	vld.idx.msk [tilespmem:v4+s11+$0x0], $0xffff  }
0x54: {  	v15 =	vld.idx.msk [tilespmem:v1+s11+$0x0], $0xffff  }
0x55: {  	[tilespmem:$0x1FE30] =	vst v0;
	v0 =	vld [tilespmem:s14+$0x6200]  }
0x56: {  	v1 =	vld [tilespmem:s14+$0x6280]  }
0x57: {  	s29 =	sand.u32 $0xC00, s2;
	v2 =	vld [tilespmem:s14+$0x6300]  }
0x58: {  	s15 =	sor.u32 s16, s29;
	v16 =	vld.idx.msk [tilespmem:v5+s11+$0x0], $0xffff  }
0x59: {  	v3 =	vld [tilespmem:s15+$0x6200]  }
0x5a: {  	v40 =	vmul.f32 v0, v37;
	v0 =	vld [tilespmem:s14+$0x0]  }
0x5b: {  	s30 =	sand.u32 $0x3, s2;
	v41 =	vmul.f32 v1, v15;
	v1 =	vld [tilespmem:s14+$0x80]  }
0x5c: {  	s16 =	sshll.u32 s30, $0x5;
	v4 =	vld [tilespmem:s14+$0x6000]  }
0x5d: {  	s16 =	sadd.s32 s16, s5;
	[tilespmem:$0x1FF80] =	vst v38;
	v38 =	vmul.f32 v2, v16;
	v2 =	vld [tilespmem:s14+$0x280]  }
0x5e: {  	s17 =	sadd.s32 $0x1000, s16;
	[tilespmem:$0x1FEA0] =	vst v48;
	v48 =	vmul.f32 v8, v48;
	v39 =	vmul.f32 v3, v37;
	v3 =	vld [tilespmem:s14+$0x100]  }
0x5f: {  	s18 =	sor.u32 $0x300, s17;
	v43 =	vmul.f32 v6, v20;
	v6 =	vld [tilespmem:s14+$0x180];
	v0 =	vmul.f32 v0, v58  }
0x60: {  	s17 =	sor.u32 $0x380, s17;
	v44 =	vmul.f32 v7, v18;
	v7 =	vld [tilespmem:s18+$0x0];
	v1 =	vmul.f32 v1, v59  }
0x61: {  	v8 =	vld [tilespmem:s17+$0x0];
	v45 =	vmul.f32 v4, v21;
	v4 =	vmul.f32 v52, v26;
	v0 =	vadd.f32 $0.0e+00, v0  }
0x62: {  	v60 =	vld [tilespmem:s14+$0x2380];
	v2 =	vmul.f32 v2, v30;
	v1 =	vadd.f32 $0.0e+00, v1  }
0x63: {  	v53 =	vld [tilespmem:s14+$0x2100];
	[tilespmem:$0x1FFC0] =	vst v63;
	v63 =	vadd.f32 v4, v0;
	v0 =	vmul.f32 v3, v61  }
0x64: {  	v5 =	vld [tilespmem:s14+$0x6080];
	v4 =	vadd.f32 v2, v1;
	v1 =	vmul.f32 v6, v27  }
0x65: {  	v49 =	vmul.f32 v9, v47;
	v9 =	vld [tilespmem:s15+$0x0];
	v2 =	vmul.f32 v7, v31;
	v0 =	vadd.f32 $0.0e+00, v0  }
0x66: {  	[tilespmem:$0x1FEB0] =	vst v47;
	v47 =	vmul.f32 v10, v50;
	v10 =	vld [tilespmem:s15+$0x80];
	v3 =	vmul.f32 v8, v33;
	v1 =	vadd.f32 $0.0e+00, v1  }
0x67: {  	v2 =	vadd.f32 v2, v0;
	v0 =	vld [tilespmem:$0x1FF30]  }
0x68: {  	v3 =	vadd.f32 v3, v1;
	v1 =	vld [tilespmem:$0x1FF50]  }
0x69: {  	[tilespmem:$0x1FFB0] =	vst v53;
	v46 =	vmul.f32 v5, v19;
	v5 =	vld [tilespmem:s15+$0x200]  }
0x6a: {  	[tilespmem:$0x1FF40] =	vst v58;
	v6 =	vld [tilespmem:s15+$0x280]  }
0x6b: {  	v42 =	vld [tilespmem:s14+$0x4180];
	[tilespmem:$0x1FF60] =	vst v59;
	v51 =	vmul.f32 v12, v25  }
0x6c: {  	v55 =	vld [tilespmem:s14+$0x2200];
	[tilespmem:$0x1FF90] =	vst v61;
	v57 =	vmul.f32 v57, v0;
	v0 =	vmul.f32 v9, v58  }
0x6d: {  	v56 =	vld [tilespmem:s14+$0x2280];
	[tilespmem:$0x1FFA0] =	vst v27;
	v58 =	vmul.f32 v60, v1;
	v1 =	vmul.f32 v10, v59  }
0x6e: {  	v62 =	vld [tilespmem:s14+$0x2000];
	[tilespmem:$0x1FEC0] =	vst v50;
	v50 =	vmul.f32 v11, v22;
	v5 =	vmul.f32 v5, v26  }
0x6f: {  	[tilespmem:$0x1FF70] =	vst v26;
	v26 =	vld [tilespmem:s15+$0x2000];
	v6 =	vmul.f32 v6, v30;
	v11 =	vadd.f32 $0.0e+00, v0;
	v12 =	vadd.f32 $0.0e+00, v1  }
0x70: {  	[tilespmem:$0x1FF20] =	vst v28;
	v7 =	vld [tilespmem:s15+$0x100]  }
0x71: {  	[tilespmem:$0x1FEE0] =	vst v25;
	v1 =	vadd.f32 v5, v11;
	v5 =	vadd.f32 v6, v12;
	v6 =	vld [tilespmem:$0x1FFB0]  }
0x72: {  	s31 =	sor.u32 $0x300, s16;
	[tilespmem:$0x1FEF0] =	vst v23;
	v8 =	vld [tilespmem:s15+$0x180]  }
0x73: {  	s16 =	sor.u32 $0x380, s16;
	[tilespmem:$0x1FF00] =	vst v24;
	v9 =	vld [tilespmem:s31+$0x0]  }
0x74: {  	[tilespmem:$0x1FED0] =	vst v22;
	v10 =	vld [tilespmem:s16+$0x0]  }
0x75: {  	v55 =	vmul.f32 v55, v29;
	v56 =	vmul.f32 v56, v28;
	[tilespmem:$0x1FE70] =	vst v19;
	v0 =	vld [tilespmem:$0x1FF80]  }
0x76: {  	[tilespmem:$0x1FE80] =	vst v20;
	v11 =	vmul.f32 v7, v61;
	v61 =	vmul.f32 v6, v35;
	v6 =	vld [tilespmem:$0x1FFC0]  }
0x77: {  	[tilespmem:$0x1FE90] =	vst v18;
	v52 =	vmul.f32 v13, v23;
	v13 =	vmul.f32 v8, v27;
	v8 =	vld [tilespmem:s15+$0x2100]  }
0x78: {  	v53 =	vmul.f32 v14, v24;
	[tilespmem:$0x1FF10] =	vst v54;
	v54 =	vmul.f32 v42, v54;
	v7 =	vld [tilespmem:s15+$0x2180]  }
0x79: {  	[tilespmem:$0x1FE50] =	vst v16;
	v59 =	vmul.f32 v62, v36;
	v12 =	vadd.f32 $0.0e+00, v13;
	v13 =	vmul.f32 v9, v31;
	v9 =	vld [tilespmem:s15+$0x2280]  }
0x7a: {  	s19 =	simm.s32 $0x0;
	s20 =	simm.s32 $0x0;
	s21 =	smov.u32 s5;
	v42 =	vimm.f32 $0.0e+00;
	[tilespmem:$0x1FE60] =	vst v21;
	v14 =	vmul.f32 v10, v33;
	v60 =	vmul.f32 v0, v34;
	v0 =	vld [tilespmem:s15+$0x2080]  }
0x7b: {  	s17 =	simm.s32 $0x1;
	s18 =	simm.s32 $0x0;
	[tilespmem:$0x1FE40] =	vst v15;
	s16 =	simm.s32 $0x0;
	v10 =	vmul.f32 v26, v36;
	v11 =	vadd.f32 $0.0e+00, v11;
	v62 =	vmul.f32 v6, v32;
	v6 =	vld [tilespmem:s15+$0x2200]  }
.LBB2_2:
0x7c: {  	v23 =	vld [tilespmem:s15+$0x4000]  }
0x7d: {  	v27 =	vld [tilespmem:$0x1FF20]  }
0x7e: {  	v28 =	vld [tilespmem:$0x1FF30]  }
0x7f: {  	v26 =	vld [tilespmem:$0x1FF50]  }
0x80: {  	v25 =	vld [tilespmem:$0x1FEE0]  }
0x81: {  	v24 =	vld [tilespmem:$0x1FF00]  }
0x82: {  	v22 =	vld [tilespmem:$0x1FE60]  }
0x83: {  	v20 =	vld [tilespmem:$0x1FE70]  }
0x84: {  	v21 =	vld [tilespmem:$0x1FE80]  }
0x85: {  	v19 =	vld [tilespmem:$0x1FE90]  }
0x86: {  	v16 =	vld [tilespmem:$0x1FE40]  }
0x87: {  	v18 =	vld [tilespmem:$0x1FE50]  }
0x88: {  	v15 =	vld [tilespmem:$0x1FE30]  }
0x89: {  	v11 =	vadd.f32 v13, v11;
	v13 =	vld [tilespmem:s15+$0x2300]  }
0x8a: {  	v12 =	vadd.f32 v14, v12;
	v14 =	vld [tilespmem:s15+$0x2380]  }
0x8b: {  	v2 =	vadd.f32 v61, v2;
	v1 =	vadd.f32 v10, v1;
	v10 =	vld [tilespmem:s15+$0x4100]  }
0x8c: {  	v59 =	vadd.f32 v59, v63;
	v3 =	vadd.f32 v62, v3;
	v63 =	vld [tilespmem:$0x1FF10]  }
0x8d: {  	v4 =	vadd.f32 v60, v4;
	v62 =	vld [tilespmem:$0x1FEA0];
	v2 =	vadd.f32 v57, v2  }
0x8e: {  	v61 =	vld [tilespmem:s15+$0x6280];
	v3 =	vadd.f32 v58, v3  }
0x8f: {  	v4 =	vadd.f32 v56, v4;
	v2 =	vadd.f32 v53, v2;
	v53 =	vld [tilespmem:$0x1FEB0]  }
0x90: {  	v0 =	vmul.f32 v0, v34;
	v3 =	vadd.f32 v54, v3;
	v54 =	vld [tilespmem:$0x1FEC0]  }
0x91: {  	v7 =	vmul.f32 v7, v32;
	v4 =	vadd.f32 v52, v4;
	v52 =	vld [tilespmem:$0x1FED0]  }
0x92: {  	v8 =	vmul.f32 v8, v35;
	v0 =	vadd.f32 v0, v5;
	v5 =	vmul.f32 v6, v29;
	v6 =	vld [tilespmem:s15+$0x4080]  }
0x93: {  	v7 =	vadd.f32 v7, v12;
	v12 =	vld [tilespmem:s15+$0x4180]  }
0x94: {  	v8 =	vadd.f32 v8, v11;
	v11 =	vmul.f32 v13, v28;
	v13 =	vadd.f32 v55, v59;
	v55 =	vld [tilespmem:s15+$0x4200]  }
0x95: {  	v14 =	vmul.f32 v14, v26;
	v1 =	vadd.f32 v5, v1;
	v5 =	vmul.f32 v23, v25;
	v23 =	vld [tilespmem:$0x1FEF0]  }
0x96: {  	v8 =	vadd.f32 v11, v8;
	v11 =	vld [tilespmem:s15+$0x4300]  }
0x97: {  	v9 =	vmul.f32 v9, v27;
	v7 =	vadd.f32 v14, v7;
	v14 =	vld [tilespmem:s15+$0x4380]  }
0x98: {  	v10 =	vmul.f32 v10, v24;
	v59 =	vld [tilespmem:s15+$0x6000]  }
0x99: {  	v0 =	vadd.f32 v9, v0;
	v9 =	vld [tilespmem:s15+$0x4280];
	v12 =	vmul.f32 v12, v63  }
0x9a: {  	v8 =	vadd.f32 v10, v8;
	v10 =	vld [tilespmem:s15+$0x6100];
	v6 =	vmul.f32 v6, v23  }
0x9b: {  	s18 =	sadd.s32 $0x100, s18;
	s19 =	sadd.s32 $0x20, s19;
	v7 =	vadd.f32 v12, v7;
	v11 =	vmul.f32 v11, v54;
	v12 =	vld [tilespmem:s15+$0x6180]  }
0x9c: {  	s22 =	sand.u32 $0x60, s19;
	s23 =	sadd.s32 $0x1000, s18;
	v14 =	vmul.f32 v14, v52;
	v0 =	vadd.f32 v6, v0;
	v6 =	vld [tilespmem:s15+$0x6080]  }
0x9d: {  	s22 =	sor.u32 s5, s22;
	s23 =	sand.u32 $0x1C00, s23;
	v8 =	vadd.f32 v11, v8;
	v11 =	vld [tilespmem:s15+$0x6380]  }
0x9e: {  	v7 =	vadd.f32 v14, v7;
	v14 =	vld [tilespmem:s14+$0x6380];
	s14 =	sor.u32 s22, s23  }
0x9f: {  	v3 =	vadd.f32 v50, v3;
	v50 =	vld [tilespmem:s14+$0x6200]  }
0xa0: {  	v13 =	vadd.f32 v51, v13;
	v51 =	vld [tilespmem:s14+$0x6280]  }
0xa1: {  	v56 =	vld [tilespmem:s14+$0x2280]  }
0xa2: {  	v1 =	vadd.f32 v5, v1;
	v5 =	vmul.f32 v55, v62;
	v57 =	vld [tilespmem:s14+$0x2300]  }
0xa3: {  	v58 =	vld [tilespmem:s14+$0x2380]  }
0xa4: {  	v1 =	vadd.f32 v5, v1;
	v5 =	vmul.f32 v59, v22;
	v59 =	vld [tilespmem:s14+$0x2000]  }
0xa5: {  	v4 =	vadd.f32 v49, v4;
	v13 =	vadd.f32 v48, v13;
	v9 =	vmul.f32 v9, v53;
	v60 =	vld [tilespmem:s14+$0x2080]  }
0xa6: {  	s26 =	sand.u32 $0xC00, s18;
	v10 =	vmul.f32 v10, v21;
	v1 =	vadd.f32 v5, v1;
	v5 =	vmul.f32 v61, v16;
	v61 =	vld [tilespmem:s14+$0x2100]  }
0xa7: {  	v13 =	vadd.f32 v45, v13;
	v0 =	vadd.f32 v9, v0;
	v9 =	vld [tilespmem:s15+$0x6300];
	s15 =	sor.u32 s22, s26;
	v12 =	vmul.f32 v12, v19  }
0xa8: {  	v4 =	vadd.f32 v46, v4;
	v8 =	vadd.f32 v10, v8;
	v10 =	vld [tilespmem:s15+$0x6200]  }
0xa9: {  	v6 =	vmul.f32 v6, v20;
	v7 =	vadd.f32 v12, v7;
	v12 =	vadd.f32 v40, v13;
	v13 =	vld [tilespmem:s14+$0x6000]  }
0xaa: {  	v4 =	vadd.f32 v41, v4;
	v11 =	vmul.f32 v11, v15;
	v41 =	vmul.f32 v51, v16;
	v16 =	vld [tilespmem:$0x1FF90]  }
0xab: {  	v0 =	vadd.f32 v6, v0;
	v6 =	vld [tilespmem:s14+$0x6300]  }
0xac: {  	v7 =	vadd.f32 v11, v7;
	v11 =	vld [tilespmem:s14+$0x4080]  }
0xad: {  	v4 =	vadd.f32 v4, v12;
	v12 =	vld [tilespmem:s14+$0x4100]  }
0xae: {  	v1 =	vadd.f32 v39, v1;
	v9 =	vmul.f32 v9, v18;
	v39 =	vmul.f32 v10, v37;
	v10 =	vld [tilespmem:s14+$0x2180]  }
0xaf: {  	v2 =	vadd.f32 v47, v2;
	v0 =	vadd.f32 v5, v0;
	v5 =	vmul.f32 v14, v15;
	v14 =	vld [tilespmem:s14+$0x6080]  }
0xb0: {  	v3 =	vadd.f32 v44, v3;
	v8 =	vadd.f32 v9, v8;
	v9 =	vld [tilespmem:s14+$0x6100]  }
0xb1: {  	v45 =	vmul.f32 v13, v22;
	v13 =	vld [tilespmem:s14+$0x280]  }
0xb2: {  	v2 =	vadd.f32 v43, v2;
	v3 =	vadd.f32 v5, v3;
	v5 =	vld [tilespmem:s14+$0x6180]  }
0xb3: {  	v0 =	vadd.f32 v0, v1;
	v1 =	vadd.f32 v7, v8;
	v7 =	vld [tilespmem:s14+$0x4200]  }
0xb4: {  	v8 =	vld [tilespmem:s14+$0x4280]  }
0xb5: {  	v2 =	vadd.f32 v38, v2;
	v38 =	vmul.f32 v6, v18;
	v6 =	vld [tilespmem:s14+$0x200]  }
0xb6: {  	v18 =	vld [tilespmem:$0x1FFA0]  }
0xb7: {  	v0 =	vadd.f32 v1, v0;
	v1 =	vadd.f32 v3, v2;
	v2 =	vld [tilespmem:s14+$0x4300]  }
0xb8: {  	v3 =	vld [tilespmem:s14+$0x4380]  }
0xb9: {  	v43 =	vmul.f32 v9, v21;
	v9 =	vld [tilespmem:s15+$0x100]  }
0xba: {  	v46 =	vmul.f32 v14, v20;
	v14 =	vld [tilespmem:$0x1FF60]  }
0xbb: {  	v1 =	vadd.f32 v1, v4;
	v4 =	vld [tilespmem:s14+$0x4000]  }
0xbc: {  	vm0 =	veq.s32 v17, s16;
	v44 =	vmul.f32 v5, v19;
	v5 =	vld [tilespmem:s15+$0x200]  }
0xbd: {  	s28 =	sadd.s32 $0x10, s16;
	v0 =	vsel vm0, $0x0, v0;
	v48 =	vmul.f32 v7, v62;
	v7 =	vld [tilespmem:s15+$0x280]  }
0xbe: {  	vm15 =	veq.s32 v17, s28;
	v0 =	vadd.f32 v0, v42;
	v49 =	vmul.f32 v8, v53;
	v8 =	vld [tilespmem:s15+$0x80]  }
0xbf: {  	v53 =	vmul.f32 v12, v24;
	v12 =	vld [tilespmem:$0x1FF70];
	v1 =	vsel vm15, $0x0, v1  }
0xc0: {  	v40 =	vmul.f32 v50, v37;
	v42 =	vadd.f32 v1, v0;
	v0 =	vld [tilespmem:s14+$0x4180]  }
0xc1: {  	v56 =	vmul.f32 v56, v27;
	v57 =	vmul.f32 v57, v28;
	v1 =	vld [tilespmem:s14+$0x2200]  }
0xc2: {  	v58 =	vmul.f32 v58, v26;
	v47 =	vmul.f32 v2, v54;
	v2 =	vld [tilespmem:s14+$0x0]  }
0xc3: {  	s20 =	sadd.s32 $0x1, s20;
	v59 =	vmul.f32 v59, v36;
	v50 =	vmul.f32 v3, v52;
	v3 =	vld [tilespmem:s14+$0x80]  }
0xc4: {  	s29 =	sand.u32 $0x3, s20;
	v60 =	vmul.f32 v60, v34;
	v52 =	vmul.f32 v11, v23;
	v11 =	vld [tilespmem:s15+$0x180]  }
0xc5: {  	s21 =	sadd.s32 $0x100, s21;
	s22 =	sshll.u32 s29, $0x5;
	v61 =	vmul.f32 v61, v35;
	v51 =	vmul.f32 v4, v25;
	v4 =	vld [tilespmem:s15+$0x0]  }
0xc6: {  	s22 =	sadd.s32 s22, s21;
	v6 =	vmul.f32 v6, v12;
	v5 =	vmul.f32 v5, v12;
	v12 =	vld [tilespmem:$0x1FF40]  }
0xc7: {  	s30 =	sadd.s32 $0x1000, s22;
	v62 =	vmul.f32 v10, v32;
	v54 =	vmul.f32 v0, v63;
	v0 =	vld [tilespmem:s14+$0x100]  }
0xc8: {  	s24 =	sor.u32 $0x300, s30;
	v15 =	vmul.f32 v7, v30;
	v55 =	vmul.f32 v1, v29;
	v1 =	vld [tilespmem:s14+$0x180]  }
0xc9: {  	s23 =	sor.u32 $0x380, s30;
	v7 =	vld [tilespmem:s24+$0x0];
	v8 =	vmul.f32 v8, v14;
	v3 =	vmul.f32 v3, v14  }
0xca: {  	s31 =	sor.u32 $0x300, s22;
	v10 =	vmul.f32 v13, v30;
	v13 =	vld [tilespmem:s23+$0x0];
	v9 =	vmul.f32 v9, v16  }
0xcb: {  	v14 =	vld [tilespmem:s31+$0x0];
	v25 =	vadd.f32 $0.0e+00, v8;
	v3 =	vadd.f32 $0.0e+00, v3;
	v2 =	vmul.f32 v2, v12  }
0xcc: {  	s22 =	sor.u32 $0x380, s22;
	v24 =	vmovc v17;
	v17 =	vld [tilespmem:s15+$0x2000];
	v4 =	vmul.f32 v4, v12;
	v12 =	vmul.f32 v11, v18;
	v11 =	vadd.f32 $0.0e+00, v9  }
0xcd: {  	p0 =	sne.s32 s17, $0xF;
	v0 =	vmul.f32 v0, v16;
	v1 =	vmul.f32 v1, v18;
	v16 =	vld [tilespmem:s22+$0x0];
	v2 =	vadd.f32 $0.0e+00, v2  }
.Ltmp0:
0xce: {  	v8 =	vld [tilespmem:s15+$0x2100];
	v26 =	vmul.f32 v7, v31;
	v19 =	vadd.f32 $0.0e+00, v4;
	v12 =	vadd.f32 $0.0e+00, v12;
	(pc) =	sbr.rel @p0 .LBB2_2-.Ltmp0, $4  }
0xcf: {  	v9 =	vmul.f32 v13, v33;
	v7 =	vld [tilespmem:s15+$0x2180];
	v18 =	vadd.f32 $0.0e+00, v0;
	v1 =	vadd.f32 $0.0e+00, v1  }
0xd0: {  	v13 =	vmul.f32 v14, v31;
	v4 =	vadd.f32 v10, v3;
	v0 =	vld [tilespmem:s15+$0x2080];
	v63 =	vadd.f32 v6, v2  }
0xd1: {  	v10 =	vmul.f32 v17, v36;
	v6 =	vld [tilespmem:s15+$0x2200];
	v2 =	vadd.f32 v26, v18;
	v3 =	vadd.f32 v9, v1  }
0xd2: {  	s16 =	smov.u32 s17;
	s17 =	sadd.s32 $0x1, s17;
	v17 =	vmovc v24;
	v1 =	vadd.f32 v5, v19;
	v5 =	vadd.f32 v15, v25;
	v9 =	vld [tilespmem:s15+$0x2280];
	v14 =	vmul.f32 v16, v33  }
0xd3: {  	v37 =	vld [tilespmem:s15+$0x2300]  }
0xd4: {  	v15 =	vld [tilespmem:s15+$0x2380]  }
0xd5: {  	v16 =	vld [tilespmem:s15+$0x4000]  }
0xd6: {  	v59 =	vadd.f32 v59, v63;
	v63 =	vld [tilespmem:s15+$0x4080]  }
0xd7: {  	v20 =	vld [tilespmem:$0x1FF20]  }
0xd8: {  	v21 =	vld [tilespmem:s15+$0x4100]  }
0xd9: {  	v22 =	vld [tilespmem:$0x1FF30]  }
0xda: {  	v24 =	vld [tilespmem:s15+$0x4180]  }
0xdb: {  	v25 =	vld [tilespmem:$0x1FF50]  }
0xdc: {  	v26 =	vld [tilespmem:$0x1FEE0]  }
0xdd: {  	v27 =	vld [tilespmem:s15+$0x4280]  }
0xde: {  	v28 =	vld [tilespmem:$0x1FEF0]  }
0xdf: {  	v30 =	vld [tilespmem:$0x1FF00]  }
0xe0: {  	v31 =	vld [tilespmem:s15+$0x4380]  }
0xe1: {  	v33 =	vld [tilespmem:s15+$0x6080]  }
0xe2: {  	v8 =	vmul.f32 v8, v35;
	v35 =	vld [tilespmem:s15+$0x6100]  }
0xe3: {  	v36 =	vld [tilespmem:$0x1FEC0]  }
0xe4: {  	v4 =	vadd.f32 v60, v4;
	v7 =	vmul.f32 v7, v32;
	v32 =	vld [tilespmem:$0x1FEA0]  }
0xe5: {  	v11 =	vadd.f32 v13, v11;
	v3 =	vadd.f32 v62, v3;
	v0 =	vmul.f32 v0, v34;
	v34 =	vld [tilespmem:$0x1FEB0]  }
0xe6: {  	v2 =	vadd.f32 v61, v2;
	v4 =	vadd.f32 v56, v4;
	v56 =	vld [tilespmem:$0x1FE50]  }
0xe7: {  	v12 =	vadd.f32 v14, v12;
	v3 =	vadd.f32 v58, v3;
	v58 =	vld [tilespmem:$0x1FE30]  }
0xe8: {  	v1 =	vadd.f32 v10, v1;
	v23 =	vadd.f32 v55, v59;
	v62 =	vmul.f32 v6, v29;
	v29 =	vld [tilespmem:s15+$0x4300]  }
0xe9: {  	v2 =	vadd.f32 v57, v2;
	v0 =	vadd.f32 v0, v5;
	v5 =	vmul.f32 v16, v26;
	v16 =	vld [tilespmem:$0x1FF10]  }
0xea: {  	v7 =	vadd.f32 v7, v12;
	v12 =	vadd.f32 v51, v23;
	v51 =	vld [tilespmem:s15+$0x6380]  }
0xeb: {  	v8 =	vadd.f32 v8, v11;
	v4 =	vadd.f32 v52, v4;
	v14 =	vmul.f32 v15, v25;
	v15 =	vld [tilespmem:s15+$0x4200]  }
0xec: {  	v2 =	vadd.f32 v53, v2;
	v3 =	vadd.f32 v54, v3;
	v52 =	vld [tilespmem:$0x1FE80]  }
0xed: {  	v9 =	vmul.f32 v9, v20;
	v11 =	vmul.f32 v37, v22;
	v12 =	vadd.f32 v48, v12;
	v48 =	vld [tilespmem:$0x1FE60]  }
0xee: {  	v1 =	vadd.f32 v62, v1;
	v4 =	vadd.f32 v49, v4;
	v13 =	vmul.f32 v24, v16;
	v16 =	vld [tilespmem:s15+$0x6000]  }
0xef: {  	v54 =	vld [tilespmem:$0x1FE40];
	v6 =	vmul.f32 v63, v28;
	v2 =	vadd.f32 v47, v2;
	v3 =	vadd.f32 v50, v3  }
0xf0: {  	v0 =	vadd.f32 v9, v0;
	v1 =	vadd.f32 v5, v1;
	v5 =	vmul.f32 v15, v32;
	v15 =	vld [tilespmem:$0x1FED0]  }
0xf1: {  	v10 =	vmul.f32 v21, v30;
	v37 =	vld [tilespmem:s15+$0x6180];
	v8 =	vadd.f32 v11, v8;
	v7 =	vadd.f32 v14, v7  }
0xf2: {  	v50 =	vld [tilespmem:$0x1FE70];
	v9 =	vmul.f32 v27, v34;
	v12 =	vadd.f32 v45, v12;
	v4 =	vadd.f32 v46, v4  }
0xf3: {  	v2 =	vadd.f32 v43, v2;
	v1 =	vadd.f32 v5, v1;
	v5 =	vmul.f32 v16, v48;
	v16 =	vld [tilespmem:$0x1FE90]  }
0xf4: {  	v49 =	vld [tilespmem:s15+$0x6300];
	v11 =	vmul.f32 v29, v36;
	v3 =	vadd.f32 v44, v3;
	v0 =	vadd.f32 v6, v0  }
0xf5: {  	v8 =	vadd.f32 v10, v8;
	v57 =	vadd.f32 v40, v12;
	v14 =	vmul.f32 v31, v15;
	v15 =	vld [tilespmem:s15+$0x6280]  }
0xf6: {  	v53 =	vld [tilespmem:s14+$0x6380];
	v10 =	vmul.f32 v35, v52;
	v4 =	vadd.f32 v41, v4;
	v7 =	vadd.f32 v13, v7  }
0xf7: {  	v59 =	vmul.f32 v51, v58;
	v0 =	vadd.f32 v9, v0;
	v8 =	vadd.f32 v11, v8  }
0xf8: {  	v6 =	vmul.f32 v33, v50;
	v7 =	vadd.f32 v14, v7;
	v13 =	vmul.f32 v37, v16  }
0xf9: {  	v55 =	vadd.f32 v10, v8;
	v8 =	vmul.f32 v49, v56;
	v1 =	vadd.f32 v5, v1  }
0xfa: {  	v0 =	vadd.f32 v6, v0;
	v5 =	vmul.f32 v15, v54;
	v7 =	vadd.f32 v13, v7  }
0xfb: {  	v60 =	vmul.f32 v53, v58;
	v6 =	vadd.f32 v8, v55;
	v1 =	vadd.f32 v39, v1  }
0xfc: {  	v0 =	vadd.f32 v5, v0;
	v7 =	vadd.f32 v59, v7  }
0xfd: {  	v2 =	vadd.f32 v38, v2;
	v3 =	vadd.f32 v60, v3  }
0xfe: {  	v0 =	vadd.f32 v0, v1;
	v61 =	vadd.f32 v7, v6  }
0xff: {  	v4 =	vadd.f32 v4, v57  }
0x100: {  	v62 =	vadd.f32 v3, v2;
	v0 =	vadd.f32 v61, v0  }
0x101: {  	vm0 =	veq.s32 v17, s16  }
0x102: {  	s31 =	sadd.s32 $0x10, s16;
	v1 =	vadd.f32 v62, v4;
	v0 =	vsel vm0, $0x0, v0  }
0x103: {  	vm15 =	veq.s32 v17, s31;
	v0 =	vadd.f32 v0, v42  }
0x104: {  	v63 =	vld [tilespmem:$0x1FE20];
	v1 =	vsel vm15, $0x0, v1  }
0x105: {  	v0 =	vadd.f32 v1, v0;
	_ =	sdelay $0x1  }
0x106: {  	v0 =	vmul.f32 $1.767766920e-01, v0;
	_ =	sdelay $0x1  }
0x107: {  	v0 =	vadd.f32 v0, v63;
	_ =	sdelay $0x1  }
0x108: {  	v0 =	vmul.f32 $1.250000000e-01, v0;
	_ =	sdelay $0x1  }
0x109: {  	(xrf2) =	vadd.scan.msk.f32 $0xffff, v0;
	_ =	sdelay $0x9  }
0x10a: {  	v0, _, _ =	vpop (xrf2)  }
0x10b: {  	s13 =	sadd.s32 $0x1, s13;
	v0 =	vbroadcast v0, $0xF  }
0x10c: {  	p0 =	sne.s32 s13, s9  }
.Ltmp1:
0x10d: {  	[tilespmem:$0x9200] =	vst v0;
	(pc) =	sbr.rel @p0 .LBB2_1-.Ltmp1, $4  }
0x10e: {  	[hbm4b:s8+s2] =	stream.linear.scatter [tilespmem:s12], [sflag:$0x1], $0x80, $0x38;
	[tilespmem:$0x9280] =	vst v63  }
0x10f: {  	_ =	swait.ge [sflag:s3], $0x80  }
0x110: {  	[sflag:s3] =	ssyncset.done $0x0  }
0x111: {  	[sflag:s3] =	ssyncadd.s32 $0xFFFFFF80  }
0x112: {  	_ =	sfence.sel $0x180000  }
0x113: {  	[bflag:$0x0] =	sbarrier.arrive $0xFFFF  }
0x114: {  	p0 =	sne.s32 s0, $0x0;
	_ =	strace $0x9000004A  }
0x115: {  	s0 =	sadd.s32 @!p0 $0x100000, s1;
	[bflag:$0x2] =	sbarrier.arrive $0xFFFF  }
0x116: {  	[sflag:s0] =	ssyncadd.tile.s32 @!p0 $0x1;
	_ =	shalt  }
.Lfunc_end2:
_tile_overlayer_lowered:
.L_overlay_start_2:
0x117: {  	(tag) =	ssettag $0x2  }
0x118: {  	s0 =	rddreg [dreg:$0x0];
	s2 =	stileid.u32  }
0x119: {  	s1 =	rddreg [dreg:$0x1];
	p0 =	sne.s32 s2, $0x0  }
0x11a: {  	s3 =	rddreg [dreg:$0x2];
	[bflag:$0x3] =	sbarrier.arrive $0xFFFF;
	s2 =	simm.s32 @!p0 $0x1C01  }
0x11b: {  	[timem:s3], [sflag:s2] =	dma.local @!p0 [hbm:s0], s1  }
0x11c: {  	s0 =	simm.s32 @!p0 $0x1  }
0x11d: {  	_ =	swait.ge @!p0 [sflag:s0], s1  }
0x11e: {  	s1 =	ssub.s32 @!p0 $0x0, s1;
	[sflag:s0] =	ssyncset.done @!p0 $0x0  }
0x11f: {  	[sflag:s0] =	ssyncadd.s32 @!p0 s1  }
0x120: {  	[bflag:$0x3] =	sbarrier.arrive $0xFFFF  }
0x121: {  	_ =	shalt  }

</sc_bundles>
